<compile_context>
chip_gen: v7x
topology: tpu7x:2x2x1
jax: 0.10.2.dev20260603
libtpu: 0.0.44.dev20260713+nightly
codegen_flags: <defaults>
</compile_context>

<pallas_src>
import jax
import jax.numpy as jnp
from jax.experimental import pallas as pl

N = 1024
F_ = 32
H = 64
C = 2
TB = 128
GB = N // TB
E = N * (N - 1) // 2


def _lrelu(x):
    return jnp.maximum(x, 0.01 * x)


def _stats_kernel(u, v, s1_ref, s2_ref):
    bi = pl.program_id(0)
    bj = pl.program_id(1)

    @pl.when((bi == 0) & (bj == 0))
    def _init():
        s1_ref[...] = jnp.zeros_like(s1_ref)
        s2_ref[...] = jnp.zeros_like(s2_ref)

    @pl.when(bi <= bj)
    def _acc():
        x = u[...][:, None, :] + v[...][None, :, :]
        t = _lrelu(x)
        ra = jax.lax.broadcasted_iota(jnp.int32, (TB, TB, 1), 0)
        ca = jax.lax.broadcasted_iota(jnp.int32, (TB, TB, 1), 1)
        keep = ((bi < bj) | (ra < ca)).astype(jnp.float32)
        t = t * keep
        s1_ref[...] += jnp.sum(t, axis=(0, 1))[None, :]
        s2_ref[...] += jnp.sum(t * t, axis=(0, 1))[None, :]


def _out_kernel(u, v, w, c0, p0_ref, p1_ref):
    bi = pl.program_id(0)
    bj = pl.program_id(1)
    x = u[...][:, None, :] + v[...][None, :, :]
    t = _lrelu(x)
    d = jnp.sum(t * w[...][None, :, :], axis=-1) + c0[0, 0]
    p0 = jax.nn.sigmoid(d)
    p1 = jax.nn.sigmoid(-d)

    @pl.when(bi < bj)
    def _upper():
        p0_ref[...] = p0
        p1_ref[...] = p1

    @pl.when(bi > bj)
    def _lower():
        p0_ref[...] = p0.T
        p1_ref[...] = p1.T

    @pl.when(bi == bj)
    def _diag():
        ra = jax.lax.broadcasted_iota(jnp.int32, (TB, TB), 0)
        ca = jax.lax.broadcasted_iota(jnp.int32, (TB, TB), 1)
        zero = jnp.zeros_like(p0)
        p0_ref[...] = jnp.where(ra < ca, p0, jnp.where(ra > ca, p0.T, zero))
        p1_ref[...] = jnp.where(ra < ca, p1, jnp.where(ra > ca, p1.T, zero))


def kernel(x, node_features, c1_w1, c1_b1, c1_w2, c1_b2, c1_eps,
           c2_w1, c2_b1, c2_w2, c2_b2, c2_eps, bnc_g, bnc_b,
           lin1_w, lin1_b, bn1_g, bn1_b, lin2_w, lin2_b, bn2_g, bn2_b,
           lin3_w, lin3_b, lin5_w, lin5_b, bn5_g, bn5_b, lin6_w, lin6_b):
    del x

    src, dst = jnp.triu_indices(N, k=1)
    h = node_features
    xinit = h

    def _gin(h, w1, b1, w2, b2, eps):
        agg = jax.ops.segment_sum(h[src], dst, num_segments=N)
        z = (1.0 + eps) * h + agg
        z = jax.nn.relu(z @ w1 + b1)
        z = jax.nn.relu(z @ w2 + b2)
        return z

    def _bnj(xx, g, b):
        m = jnp.mean(xx, axis=0)
        vv = jnp.var(xx, axis=0)
        return (xx - m) / jnp.sqrt(vv + 1e-5) * g + b

    _lr = lambda t: jax.nn.leaky_relu(t, negative_slope=0.01)
    h = _lr(_gin(h, c1_w1, c1_b1, c1_w2, c1_b2, c1_eps))
    h = _lr(_gin(h, c2_w1, c2_b1, c2_w2, c2_b2, c2_eps))
    h = _bnj(h, bnc_g, bnc_b)
    h = _lr(h @ lin1_w + lin1_b)
    h = _bnj(h, bn1_g, bn1_b)
    h = _lr(h @ lin2_w + lin2_b)
    h = _bnj(h, bn2_g, bn2_b)
    h = h @ lin3_w + lin3_b + xinit

    hb = h.astype(jnp.bfloat16).astype(jnp.float32)
    u = hb @ lin5_w[:F_, :] + lin5_b
    v = hb @ lin5_w[F_:, :]

    s1, s2 = pl.pallas_call(
        _stats_kernel,
        grid=(GB, GB),
        in_specs=[pl.BlockSpec((TB, H), lambda i, j: (jnp.minimum(i, j), 0)),
                  pl.BlockSpec((TB, H), lambda i, j: (jnp.maximum(i, j), 0))],
        out_specs=(pl.BlockSpec((1, H), lambda i, j: (0, 0)),
                   pl.BlockSpec((1, H), lambda i, j: (0, 0))),
        out_shape=(jax.ShapeDtypeStruct((1, H), jnp.float32),
                   jax.ShapeDtypeStruct((1, H), jnp.float32)),
    )(u, v)

    mean = s1[0] / E
    var = s2[0] / E - mean * mean
    scale = bn5_g * jax.lax.rsqrt(var + 1e-5)
    shift = bn5_b - mean * scale
    w6d = lin6_w[:, 0] - lin6_w[:, 1]
    wvec = (scale * w6d).reshape(1, H)
    c0 = (jnp.dot(shift, w6d) + lin6_b[0] - lin6_b[1]).reshape(1, 1)

    p0, p1 = pl.pallas_call(
        _out_kernel,
        grid=(GB, GB),
        in_specs=[pl.BlockSpec((TB, H), lambda i, j: (jnp.minimum(i, j), 0)),
                  pl.BlockSpec((TB, H), lambda i, j: (jnp.maximum(i, j), 0)),
                  pl.BlockSpec((1, H), lambda i, j: (0, 0)),
                  pl.BlockSpec((1, 1), lambda i, j: (0, 0))],
        out_specs=(pl.BlockSpec((TB, TB), lambda i, j: (i, j)),
                   pl.BlockSpec((TB, TB), lambda i, j: (i, j))),
        out_shape=(jax.ShapeDtypeStruct((N, N), jnp.float32),
                   jax.ShapeDtypeStruct((N, N), jnp.float32)),
    )(u, v, wvec, c0)

    return jnp.stack([p0, p1], axis=-1)

# --- scband reference (transcript-rebuilt; emitter-appended) ---
"""Pipeline reference for scband-ramsey-mpnn-73598559584529 (READ-ONLY COPY).

The authoritative reference and input builder live on the scoring server;
editing this copy changes nothing except your own understanding.
"""

import jax, jax.numpy as jnp
import numpy as np

N = 1024
F_ = 32
H = 64
C = 2


def lrelu(x):
    return jax.nn.leaky_relu(x, negative_slope=0.01)


def bn(x, g, b):
    m = jnp.mean(x, axis=0)
    v = jnp.var(x, axis=0)
    return (x - m) / jnp.sqrt(v + 1e-5) * g + b


def setup_inputs(seed: int = 0):
    key = jax.random.key(seed)
    ks = jax.random.split(key, 24)

    def lin(k, i, o):
        return (jax.random.normal(k, (i, o), dtype=jnp.float32) * (1.0 / np.sqrt(i))).astype(jnp.float32)

    inp = {}
    inp['x'] = jax.random.normal(ks[0], (1,), dtype=jnp.float32)
    inp['node_features'] = jax.random.uniform(ks[1], (N, F_), dtype=jnp.float32)
    # conv1 GIN MLP: Linear(F,H), ReLU, Linear(H,H), ReLU; train_eps=True (eps init 0)
    inp['c1_w1'] = lin(ks[2], F_, H); inp['c1_b1'] = jnp.zeros((H,), jnp.float32)
    inp['c1_w2'] = lin(ks[3], H, H); inp['c1_b2'] = jnp.zeros((H,), jnp.float32)
    inp['c1_eps'] = jnp.zeros((), jnp.float32)
    # second GIN layer (num_layers=2 -> one extra conv) + its BN
    inp['c2_w1'] = lin(ks[4], H, H); inp['c2_b1'] = jnp.zeros((H,), jnp.float32)
    inp['c2_w2'] = lin(ks[5], H, H); inp['c2_b2'] = jnp.zeros((H,), jnp.float32)
    inp['c2_eps'] = jnp.zeros((), jnp.float32)
    inp['bnc_g'] = jnp.ones((H,), jnp.float32); inp['bnc_b'] = jnp.zeros((H,), jnp.float32)
    # lin1/bn1, lin2/bn2, lin3
    inp['lin1_w'] = lin(ks[6], H, H); inp['lin1_b'] = jnp.zeros((H,), jnp.float32)
    inp['bn1_g'] = jnp.ones((H,), jnp.float32); inp['bn1_b'] = jnp.zeros((H,), jnp.float32)
    inp['lin2_w'] = lin(ks[7], H, H); inp['lin2_b'] = jnp.zeros((H,), jnp.float32)
    inp['bn2_g'] = jnp.ones((H,), jnp.float32); inp['bn2_b'] = jnp.zeros((H,), jnp.float32)
    inp['lin3_w'] = lin(ks[8], H, F_); inp['lin3_b'] = jnp.zeros((F_,), jnp.float32)
    # edge pred net: lin5(2F->H), bn5, lin6(H->C)
    inp['lin5_w'] = lin(ks[9], 2 * F_, H); inp['lin5_b'] = jnp.zeros((H,), jnp.float32)
    inp['bn5_g'] = jnp.ones((H,), jnp.float32); inp['bn5_b'] = jnp.zeros((H,), jnp.float32)
    inp['lin6_w'] = lin(ks[10], H, C); inp['lin6_b'] = jnp.zeros((C,), jnp.float32)
    return inp


def reference(x, node_features, c1_w1, c1_b1, c1_w2, c1_b2, c1_eps,
              c2_w1, c2_b1, c2_w2, c2_b2, c2_eps, bnc_g, bnc_b,
              lin1_w, lin1_b, bn1_g, bn1_b, lin2_w, lin2_b, bn2_g, bn2_b,
              lin3_w, lin3_b, lin5_w, lin5_b, bn5_g, bn5_b, lin6_w, lin6_b):
    # edge_index = torch.combinations(arange(N), r=2).t() == upper-triangular pairs (i<j)
    src, dst = jnp.triu_indices(N, k=1)
    h = node_features
    xinit = h

    def gin(h, w1, b1, w2, b2, eps):
        # PyG GINConv: out_i = MLP((1+eps)*x_i + sum_{(j->i) in E} x_j)
        agg = jax.ops.segment_sum(h[src], dst, num_segments=N)
        z = (1.0 + eps) * h + agg
        z = jax.nn.relu(z @ w1 + b1)
        z = jax.nn.relu(z @ w2 + b2)
        return z

    h = lrelu(gin(h, c1_w1, c1_b1, c1_w2, c1_b2, c1_eps))
    h = lrelu(gin(h, c2_w1, c2_b1, c2_w2, c2_b2, c2_eps))
    h = bn(h, bnc_g, bnc_b)
    h = lrelu(h @ lin1_w + lin1_b)
    h = bn(h, bn1_g, bn1_b)
    h = lrelu(h @ lin2_w + lin2_b)
    h = bn(h, bn2_g, bn2_b)
    h = h @ lin3_w + lin3_b
    h = h + xinit
    # EdgePredNet
    ef = jnp.concatenate([h[src], h[dst]], axis=-1)
    ep = lrelu(ef @ lin5_w + lin5_b)
    ep = bn(ep, bn5_g, bn5_b)
    ep = ep @ lin6_w + lin6_b
    ep = jax.nn.softmax(ep, axis=-1)
    probs = jnp.zeros((N, N, C), jnp.float32)
    probs = probs.at[src, dst].set(ep)
    probs = probs.at[dst, src].set(ep)
    return probs

if __name__ == "__main__":
    import jax
    _d = setup_inputs()
    print(jax.jit(kernel)(*tuple(_d.values())))

</pallas_src>

<mosaic_0001>
module attributes {stable_mosaic.version = 14 : i64} {
  func.func @_stats_kernel(%arg0: i32, %arg1: i32, %arg2: memref<128x64xf32, #tpu.memory_space<vmem>>, %arg3: memref<128x64xf32, #tpu.memory_space<vmem>>, %arg4: memref<1x64xf32, #tpu.memory_space<vmem>>, %arg5: memref<1x64xf32, #tpu.memory_space<vmem>>) attributes {dimension_semantics = [#tpu.dimension_semantics<arbitrary>, #tpu.dimension_semantics<arbitrary>], iteration_bounds = array<i64: 8, 8>, scalar_prefetch = 0 : i64, scratch_operands = 0 : i64, tpu.core_type = #tpu.core_type<tc>, window_params = [{transform_indices = @transform_0, window_bounds = array<i64: 128, 64>}, {transform_indices = @transform_1, window_bounds = array<i64: 128, 64>}, {pipeline_mode = #tpu.pipeline_mode<synchronous>, transform_indices = @transform_2, window_bounds = array<i64: 1, 64>}, {pipeline_mode = #tpu.pipeline_mode<synchronous>, transform_indices = @transform_3, window_bounds = array<i64: 1, 64>}]} {
    %eq3A = arith.constant 0 : i32
    %eq3A_0 = arith.cmpi eq, %arg0, %eq3A : i32
    %eq3A_1 = arith.constant 0 : i32
    %eq3A_2 = arith.cmpi eq, %arg1, %eq3A_1 : i32
    %and3A = arith.andi %eq3A_0, %eq3A_2 : i1
    %convert_element_type3A = arith.extui %and3A : i1 to i32
    %cond3A = arith.constant 0 : i32
    %cond3A_3 = arith.cmpi ne, %convert_element_type3A, %cond3A : i32
    scf.if %cond3A_3 {
      %broadcast_in_dim3A = arith.constant 0.000000e+00 : f32
      %broadcast_in_dim3A_7 = vector.broadcast %broadcast_in_dim3A : f32 to vector<1x64xf32>
      %swap3A = arith.constant 0 : index
      %swap3A_8 = arith.constant 0 : index
      %swap3A_9 = vector.load %arg4[%swap3A, %swap3A_8] : memref<1x64xf32, #tpu.memory_space<vmem>>, vector<1x64xf32>
      tpu.vector_store %arg4[%swap3A, %swap3A_8], %broadcast_in_dim3A_7 {strides = array<i32>} : memref<1x64xf32, #tpu.memory_space<vmem>>, vector<1x64xf32>,
      %broadcast_in_dim3A_10 = arith.constant 0.000000e+00 : f32
      %broadcast_in_dim3A_11 = vector.broadcast %broadcast_in_dim3A_10 : f32 to vector<1x64xf32>
      %swap3A_12 = arith.constant 0 : index
      %swap3A_13 = arith.constant 0 : index
      %swap3A_14 = vector.load %arg5[%swap3A_12, %swap3A_13] : memref<1x64xf32, #tpu.memory_space<vmem>>, vector<1x64xf32>
      tpu.vector_store %arg5[%swap3A_12, %swap3A_13], %broadcast_in_dim3A_11 {strides = array<i32>} : memref<1x64xf32, #tpu.memory_space<vmem>>, vector<1x64xf32>,
    } else {
    }
    %le3A = arith.cmpi sle, %arg0, %arg1 : i32
    %convert_element_type3A_4 = arith.extui %le3A : i1 to i32
    %cond3A_5 = arith.constant 0 : i32
    %cond3A_6 = arith.cmpi ne, %convert_element_type3A_4, %cond3A_5 : i32
    scf.if %cond3A_6 {
      %get3A = arith.constant 0 : index
      %get3A_7 = arith.constant 0 : index
      %get3A_8 = vector.load %arg2[%get3A, %get3A_7] : memref<128x64xf32, #tpu.memory_space<vmem>>, vector<128x64xf32>
      %broadcast_in_dim3A = vector.shape_cast %get3A_8 : vector<128x64xf32> to vector<128x1x64xf32>
      %get3A_9 = arith.constant 0 : index
      %get3A_10 = arith.constant 0 : index
      %get3A_11 = vector.load %arg3[%get3A_9, %get3A_10] : memref<128x64xf32, #tpu.memory_space<vmem>>, vector<128x64xf32>
      %broadcast_in_dim3A_12 = vector.shape_cast %get3A_11 : vector<128x64xf32> to vector<1x128x64xf32>
      %add3A = vector.broadcast %broadcast_in_dim3A : vector<128x1x64xf32> to vector<128x128x64xf32>
      %add3A_13 = vector.broadcast %broadcast_in_dim3A_12 : vector<1x128x64xf32> to vector<128x128x64xf32>
      %add3A_14 = arith.addf %add3A, %add3A_13 : vector<128x128x64xf32>
      %mul3A = arith.constant 0.00999999977 : f32
      %mul3A_15 = vector.broadcast %mul3A : f32 to vector<128x128x64xf32>
      %mul3A_16 = arith.mulf %mul3A_15, %add3A_14 : vector<128x128x64xf32>
      %max3A = arith.maximumf %add3A_14, %mul3A_16 : vector<128x128x64xf32>
      %iota3A = tpu.iota {dimensions = array<i32: 0>} : vector<128x128x1xi32>
      %iota3A_17 = tpu.iota {dimensions = array<i32: 1>} : vector<128x128x1xi32>
      %lt3A = arith.cmpi slt, %arg0, %arg1 : i32
      %lt3A_18 = arith.cmpi slt, %iota3A, %iota3A_17 : vector<128x128x1xi32>
      %or3A = vector.broadcast %lt3A : i1 to vector<128x128x1xi1>
      %or3A_19 = arith.ori %or3A, %lt3A_18 : vector<128x128x1xi1>
      %convert_element_type3A_20 = arith.extui %or3A_19 : vector<128x128x1xi1> to vector<128x128x1xi32>
      %convert_element_type3A_21 = arith.sitofp %convert_element_type3A_20 : vector<128x128x1xi32> to vector<128x128x1xf32>
      %mul3A_22 = vector.broadcast %convert_element_type3A_21 : vector<128x128x1xf32> to vector<128x128x64xf32>
      %mul3A_23 = arith.mulf %max3A, %mul3A_22 : vector<128x128x64xf32>
      %get3A_24 = arith.constant 0 : index
      %get3A_25 = arith.constant 0 : index
      %get3A_26 = vector.load %arg4[%get3A_24, %get3A_25] : memref<1x64xf32, #tpu.memory_space<vmem>>, vector<1x64xf32>
      %reduce_sum3A = arith.constant dense<0.000000e+00> : vector<64xf32>
      %reduce_sum3A_27 = vector.multi_reduction <add>, %mul3A_23, %reduce_sum3A [0, 1] : vector<128x128x64xf32> to vector<64xf32>
      %broadcast_in_dim3A_28 = vector.shape_cast %reduce_sum3A_27 : vector<64xf32> to vector<1x64xf32>
      %add3A_29 = arith.addf %get3A_26, %broadcast_in_dim3A_28 : vector<1x64xf32>
      %swap3A = arith.constant 0 : index
      %swap3A_30 = arith.constant 0 : index
      %swap3A_31 = vector.load %arg4[%swap3A, %swap3A_30] : memref<1x64xf32, #tpu.memory_space<vmem>>, vector<1x64xf32>
      tpu.vector_store %arg4[%swap3A, %swap3A_30], %add3A_29 {strides = array<i32>} : memref<1x64xf32, #tpu.memory_space<vmem>>, vector<1x64xf32>,
      %get3A_32 = arith.constant 0 : index
      %get3A_33 = arith.constant 0 : index
      %get3A_34 = vector.load %arg5[%get3A_32, %get3A_33] : memref<1x64xf32, #tpu.memory_space<vmem>>, vector<1x64xf32>
      %mul3A_35 = arith.mulf %mul3A_23, %mul3A_23 : vector<128x128x64xf32>
      %reduce_sum3A_36 = arith.constant dense<0.000000e+00> : vector<64xf32>
      %reduce_sum3A_37 = vector.multi_reduction <add>, %mul3A_35, %reduce_sum3A_36 [0, 1] : vector<128x128x64xf32> to vector<64xf32>
      %broadcast_in_dim3A_38 = vector.shape_cast %reduce_sum3A_37 : vector<64xf32> to vector<1x64xf32>
      %add3A_39 = arith.addf %get3A_34, %broadcast_in_dim3A_38 : vector<1x64xf32>
      %swap3A_40 = arith.constant 0 : index
      %swap3A_41 = arith.constant 0 : index
      %swap3A_42 = vector.load %arg5[%swap3A_40, %swap3A_41] : memref<1x64xf32, #tpu.memory_space<vmem>>, vector<1x64xf32>
      tpu.vector_store %arg5[%swap3A_40, %swap3A_41], %add3A_39 {strides = array<i32>} : memref<1x64xf32, #tpu.memory_space<vmem>>, vector<1x64xf32>,
    } else {
    }
    return
  }
  func.func @transform_0(%arg0: i32, %arg1: i32) -> (i32, i32) {
    %min3A = arith.minsi %arg0, %arg1 : i32
    %c0_i32 = arith.constant 0 : i32
    %c0_i32_0 = arith.constant 0 : i32
    return %min3A, %c0_i32 : i32, i32
  }
  func.func @transform_1(%arg0: i32, %arg1: i32) -> (i32, i32) {
    %max3A = arith.maxsi %arg0, %arg1 : i32
    %c0_i32 = arith.constant 0 : i32
    %c0_i32_0 = arith.constant 0 : i32
    return %max3A, %c0_i32 : i32, i32
  }
  func.func @transform_2(%arg0: i32, %arg1: i32) -> (i32, i32) {
    %c0_i32 = arith.constant 0 : i32
    %c0_i32_0 = arith.constant 0 : i32
    %c0_i32_1 = arith.constant 0 : i32
    return %c0_i32, %c0_i32_0 : i32, i32
  }
  func.func @transform_3(%arg0: i32, %arg1: i32) -> (i32, i32) {
    %c0_i32 = arith.constant 0 : i32
    %c0_i32_0 = arith.constant 0 : i32
    %c0_i32_1 = arith.constant 0 : i32
    return %c0_i32, %c0_i32_0 : i32, i32
  }
}

module attributes {stable_mosaic.version = 14 : i64} {
  func.func @_out_kernel(%arg0: i32, %arg1: i32, %arg2: memref<128x64xf32, #tpu.memory_space<vmem>>, %arg3: memref<128x64xf32, #tpu.memory_space<vmem>>, %arg4: memref<1x64xf32, #tpu.memory_space<vmem>>, %arg5: memref<1x1xf32, #tpu.memory_space<vmem>>, %arg6: memref<128x128xf32, #tpu.memory_space<vmem>>, %arg7: memref<128x128xf32, #tpu.memory_space<vmem>>) attributes {dimension_semantics = [#tpu.dimension_semantics<arbitrary>, #tpu.dimension_semantics<arbitrary>], iteration_bounds = array<i64: 8, 8>, scalar_prefetch = 0 : i64, scratch_operands = 0 : i64, tpu.core_type = #tpu.core_type<tc>, window_params = [{transform_indices = @transform_0, window_bounds = array<i64: 128, 64>}, {transform_indices = @transform_1, window_bounds = array<i64: 128, 64>}, {pipeline_mode = #tpu.pipeline_mode<synchronous>, transform_indices = @transform_2, window_bounds = array<i64: 1, 64>}, {pipeline_mode = #tpu.pipeline_mode<synchronous>, transform_indices = @transform_3, window_bounds = array<i64: 1, 1>}, {transform_indices = @transform_4, window_bounds = array<i64: 128, 128>}, {transform_indices = @transform_5, window_bounds = array<i64: 128, 128>}]} {
    %get3A = arith.constant 0 : index
    %get3A_0 = arith.constant 0 : index
    %get3A_1 = vector.load %arg2[%get3A, %get3A_0] : memref<128x64xf32, #tpu.memory_space<vmem>>, vector<128x64xf32>
    %broadcast_in_dim3A = vector.shape_cast %get3A_1 : vector<128x64xf32> to vector<128x1x64xf32>
    %get3A_2 = arith.constant 0 : index
    %get3A_3 = arith.constant 0 : index
    %get3A_4 = vector.load %arg3[%get3A_2, %get3A_3] : memref<128x64xf32, #tpu.memory_space<vmem>>, vector<128x64xf32>
    %broadcast_in_dim3A_5 = vector.shape_cast %get3A_4 : vector<128x64xf32> to vector<1x128x64xf32>
    %add3A = vector.broadcast %broadcast_in_dim3A : vector<128x1x64xf32> to vector<128x128x64xf32>
    %add3A_6 = vector.broadcast %broadcast_in_dim3A_5 : vector<1x128x64xf32> to vector<128x128x64xf32>
    %add3A_7 = arith.addf %add3A, %add3A_6 : vector<128x128x64xf32>
    %mul3A = arith.constant 0.00999999977 : f32
    %mul3A_8 = vector.broadcast %mul3A : f32 to vector<128x128x64xf32>
    %mul3A_9 = arith.mulf %mul3A_8, %add3A_7 : vector<128x128x64xf32>
    %max3A = arith.maximumf %add3A_7, %mul3A_9 : vector<128x128x64xf32>
    %get3A_10 = arith.constant 0 : index
    %get3A_11 = arith.constant 0 : index
    %get3A_12 = vector.load %arg4[%get3A_10, %get3A_11] : memref<1x64xf32, #tpu.memory_space<vmem>>, vector<1x64xf32>
    %broadcast_in_dim3A_13 = vector.shape_cast %get3A_12 : vector<1x64xf32> to vector<1x1x64xf32>
    %mul3A_14 = vector.broadcast %broadcast_in_dim3A_13 : vector<1x1x64xf32> to vector<128x128x64xf32>
    %mul3A_15 = arith.mulf %max3A, %mul3A_14 : vector<128x128x64xf32>
    %reduce_sum3A = arith.constant dense<0.000000e+00> : vector<128x128xf32>
    %reduce_sum3A_16 = vector.multi_reduction <add>, %mul3A_15, %reduce_sum3A [2] : vector<128x128x64xf32> to vector<128x128xf32>
    %get3A_17 = arith.constant 0 : index
    %get3A_18 = arith.constant 0 : index
    %get3A_19 = vector.load %arg5[%get3A_17, %get3A_18] : memref<1x1xf32, #tpu.memory_space<vmem>>, vector<1x1xf32>
    %get3A_20 = vector.extract %get3A_19[0, 0] : f32 from vector<1x1xf32>
    %add3A_21 = vector.broadcast %get3A_20 : f32 to vector<128x128xf32>
    %add3A_22 = arith.addf %reduce_sum3A_16, %add3A_21 : vector<128x128xf32>
    %logistic3A = arith.negf %add3A_22 : vector<128x128xf32>
    %logistic3A_23 = math.exp %logistic3A : vector<128x128xf32>
    %logistic3A_24 = arith.constant 1.000000e+00 : f32
    %logistic3A_25 = vector.broadcast %logistic3A_24 : f32 to vector<128x128xf32>
    %logistic3A_26 = arith.addf %logistic3A_25, %logistic3A_23 : vector<128x128xf32>
    %logistic3A_27 = arith.divf %logistic3A_25, %logistic3A_26 : vector<128x128xf32>
    %neg3A = arith.constant 0.000000e+00 : f32
    %neg3A_28 = vector.broadcast %neg3A : f32 to vector<128x128xf32>
    %neg3A_29 = arith.subf %neg3A_28, %add3A_22 : vector<128x128xf32>
    %logistic3A_30 = arith.negf %neg3A_29 : vector<128x128xf32>
    %logistic3A_31 = math.exp %logistic3A_30 : vector<128x128xf32>
    %logistic3A_32 = arith.constant 1.000000e+00 : f32
    %logistic3A_33 = vector.broadcast %logistic3A_32 : f32 to vector<128x128xf32>
    %logistic3A_34 = arith.addf %logistic3A_33, %logistic3A_31 : vector<128x128xf32>
    %logistic3A_35 = arith.divf %logistic3A_33, %logistic3A_34 : vector<128x128xf32>
    %lt3A = arith.cmpi slt, %arg0, %arg1 : i32
    %convert_element_type3A = arith.extui %lt3A : i1 to i32
    %cond3A = arith.constant 0 : i32
    %cond3A_36 = arith.cmpi ne, %convert_element_type3A, %cond3A : i32
    scf.if %cond3A_36 {
      %swap3A = arith.constant 0 : index
      %swap3A_43 = arith.constant 0 : index
      %swap3A_44 = vector.load %arg6[%swap3A, %swap3A_43] : memref<128x128xf32, #tpu.memory_space<vmem>>, vector<128x128xf32>
      tpu.vector_store %arg6[%swap3A, %swap3A_43], %logistic3A_27 {strides = array<i32>} : memref<128x128xf32, #tpu.memory_space<vmem>>, vector<128x128xf32>,
      %swap3A_45 = arith.constant 0 : index
      %swap3A_46 = arith.constant 0 : index
      %swap3A_47 = vector.load %arg7[%swap3A_45, %swap3A_46] : memref<128x128xf32, #tpu.memory_space<vmem>>, vector<128x128xf32>
      tpu.vector_store %arg7[%swap3A_45, %swap3A_46], %logistic3A_35 {strides = array<i32>} : memref<128x128xf32, #tpu.memory_space<vmem>>, vector<128x128xf32>,
    } else {
    }
    %gt3A = arith.cmpi sgt, %arg0, %arg1 : i32
    %convert_element_type3A_37 = arith.extui %gt3A : i1 to i32
    %cond3A_38 = arith.constant 0 : i32
    %cond3A_39 = arith.cmpi ne, %convert_element_type3A_37, %cond3A_38 : i32
    scf.if %cond3A_39 {
      %transpose3A = tpu.transpose %logistic3A_27, [1, 0] : vector<128x128xf32> -> vector<128x128xf32>
      %swap3A = arith.constant 0 : index
      %swap3A_43 = arith.constant 0 : index
      %swap3A_44 = vector.load %arg6[%swap3A, %swap3A_43] : memref<128x128xf32, #tpu.memory_space<vmem>>, vector<128x128xf32>
      tpu.vector_store %arg6[%swap3A, %swap3A_43], %transpose3A {strides = array<i32>} : memref<128x128xf32, #tpu.memory_space<vmem>>, vector<128x128xf32>,
      %transpose3A_45 = tpu.transpose %logistic3A_35, [1, 0] : vector<128x128xf32> -> vector<128x128xf32>
      %swap3A_46 = arith.constant 0 : index
      %swap3A_47 = arith.constant 0 : index
      %swap3A_48 = vector.load %arg7[%swap3A_46, %swap3A_47] : memref<128x128xf32, #tpu.memory_space<vmem>>, vector<128x128xf32>
      tpu.vector_store %arg7[%swap3A_46, %swap3A_47], %transpose3A_45 {strides = array<i32>} : memref<128x128xf32, #tpu.memory_space<vmem>>, vector<128x128xf32>,
    } else {
    }
    %eq3A = arith.cmpi eq, %arg0, %arg1 : i32
    %convert_element_type3A_40 = arith.extui %eq3A : i1 to i32
    %cond3A_41 = arith.constant 0 : i32
    %cond3A_42 = arith.cmpi ne, %convert_element_type3A_40, %cond3A_41 : i32
    scf.if %cond3A_42 {
      %iota3A = tpu.iota {dimensions = array<i32: 0>} : vector<128x128xi32>
      %iota3A_43 = tpu.iota {dimensions = array<i32: 1>} : vector<128x128xi32>
      %broadcast_in_dim3A_44 = arith.constant 0.000000e+00 : f32
      %broadcast_in_dim3A_45 = vector.broadcast %broadcast_in_dim3A_44 : f32 to vector<128x128xf32>
      %lt3A_46 = arith.cmpi slt, %iota3A, %iota3A_43 : vector<128x128xi32>
      %gt3A_47 = arith.cmpi sgt, %iota3A, %iota3A_43 : vector<128x128xi32>
      %transpose3A = tpu.transpose %logistic3A_27, [1, 0] : vector<128x128xf32> -> vector<128x128xf32>
      %select_n3A = arith.select %gt3A_47, %transpose3A, %broadcast_in_dim3A_45 : vector<128x128xi1>, vector<128x128xf32>
      %select_n3A_48 = arith.select %lt3A_46, %logistic3A_27, %select_n3A : vector<128x128xi1>, vector<128x128xf32>
      %swap3A = arith.constant 0 : index
      %swap3A_49 = arith.constant 0 : index
      %swap3A_50 = vector.load %arg6[%swap3A, %swap3A_49] : memref<128x128xf32, #tpu.memory_space<vmem>>, vector<128x128xf32>
      tpu.vector_store %arg6[%swap3A, %swap3A_49], %select_n3A_48 {strides = array<i32>} : memref<128x128xf32, #tpu.memory_space<vmem>>, vector<128x128xf32>,
      %lt3A_51 = arith.cmpi slt, %iota3A, %iota3A_43 : vector<128x128xi32>
      %gt3A_52 = arith.cmpi sgt, %iota3A, %iota3A_43 : vector<128x128xi32>
      %transpose3A_53 = tpu.transpose %logistic3A_35, [1, 0] : vector<128x128xf32> -> vector<128x128xf32>
      %select_n3A_54 = arith.select %gt3A_52, %transpose3A_53, %broadcast_in_dim3A_45 : vector<128x128xi1>, vector<128x128xf32>
      %select_n3A_55 = arith.select %lt3A_51, %logistic3A_35, %select_n3A_54 : vector<128x128xi1>, vector<128x128xf32>
      %swap3A_56 = arith.constant 0 : index
      %swap3A_57 = arith.constant 0 : index
      %swap3A_58 = vector.load %arg7[%swap3A_56, %swap3A_57] : memref<128x128xf32, #tpu.memory_space<vmem>>, vector<128x128xf32>
      tpu.vector_store %arg7[%swap3A_56, %swap3A_57], %select_n3A_55 {strides = array<i32>} : memref<128x128xf32, #tpu.memory_space<vmem>>, vector<128x128xf32>,
    } else {
    }
    return
  }
  func.func @transform_0(%arg0: i32, %arg1: i32) -> (i32, i32) {
    %min3A = arith.minsi %arg0, %arg1 : i32
    %c0_i32 = arith.constant 0 : i32
    %c0_i32_0 = arith.constant 0 : i32
    return %min3A, %c0_i32 : i32, i32
  }
  func.func @transform_1(%arg0: i32, %arg1: i32) -> (i32, i32) {
    %max3A = arith.maxsi %arg0, %arg1 : i32
    %c0_i32 = arith.constant 0 : i32
    %c0_i32_0 = arith.constant 0 : i32
    return %max3A, %c0_i32 : i32, i32
  }
  func.func @transform_2(%arg0: i32, %arg1: i32) -> (i32, i32) {
    %c0_i32 = arith.constant 0 : i32
    %c0_i32_0 = arith.constant 0 : i32
    %c0_i32_1 = arith.constant 0 : i32
    return %c0_i32, %c0_i32_0 : i32, i32
  }
  func.func @transform_3(%arg0: i32, %arg1: i32) -> (i32, i32) {
    %c0_i32 = arith.constant 0 : i32
    %c0_i32_0 = arith.constant 0 : i32
    %c0_i32_1 = arith.constant 0 : i32
    return %c0_i32, %c0_i32_0 : i32, i32
  }
  func.func @transform_4(%arg0: i32, %arg1: i32) -> (i32, i32) {
    %c0_i32 = arith.constant 0 : i32
    return %arg0, %arg1 : i32, i32
  }
  func.func @transform_5(%arg0: i32, %arg1: i32) -> (i32, i32) {
    %c0_i32 = arith.constant 0 : i32
    return %arg0, %arg1 : i32, i32
  }
}

</mosaic_0001>

<sc_bundles>
// kernel: scatter_offload_async_start.1
scs
__scs_entry_jumppad:
0x0: {  	(pc) =	sbr.rel $0x88, $3  }
0x1: {  	(tag) =	ssettag $0x0;
	lr =	simm.s32 $0x1  }
0x2: {  	[smem:$0x3F84] =	sst lr;
	_ =	strace $0xD0000000  }
0x3: {  	_ = 	snop  }
0x4: {  	_ = 	snop  }
0x5: {  	_ = 	snop  }
0x6: {  	_ = 	snop  }
0x7: {  	_ = 	snop  }
__scs_overlays_trampoline_lowered:
0x8: {  	[smem:$0x3F93] =	sst s0  }
0x9: {  	[smem:$0x3F94] =	sst s1  }
0xa: {  	[smem:$0x3F95] =	sst s2  }
0xb: {  	[smem:$0x3F96] =	sst s3  }
0xc: {  	[smem:$0x3F97] =	sst s4  }
0xd: {  	[smem:$0x3F98] =	sst s5  }
0xe: {  	[smem:$0x3F99] =	sst s6  }
0xf: {  	[smem:$0x3F9A] =	sst s7  }
0x10: {  	[smem:$0x3F9B] =	sst s8  }
0x11: {  	[smem:$0x3F9C] =	sst s9;
	s0 =	simm.s32 @!p0 $0x0  }
0x12: {  	s1 =	sld [smem:$0x3F82];
	s0 =	simm.s32 @p0 $0x1  }
0x13: {  	[smem:$0x3F9D] =	sst s0;
	s0 =	simm.s32 @!p1 $0x0  }
0x14: {  	s2 =	sld [smem:$0x3F81];
	s0 =	simm.s32 @p1 $0x1  }
0x15: {  	[smem:$0x3F9E] =	sst s0;
	s0 =	simm.s32 @!p2 $0x0  }
0x16: {  	s3 =	sld [smem:$0x3FDB];
	s0 =	simm.s32 @p2 $0x1  }
0x17: {  	s4 =	simm.s32 $0x1BF5;
	[smem:$0x3FA0] =	sst s0  }
0x18: {  	s0 =	sld [smem:$0x3F83];
	_ =	swait.ge [sflag:s4], $0x0  }
0x19: {  	s7 =	sld [smem:$0x3F84]  }
0x1a: {  	s8 =	sadd.s32 $0xFFFFE003, lr  }
0x1b: {  	s9 =	sadd.s32 $0xFFFFFEF7, lr;
	s5 =	simm.s32 $0xFFFFFFFF;
	p2 =	slt.u32 s8, $0xFFFFF086  }
0x1c: {  	p1 =	slt.u32 s9, $0xF7A;
	s5 =	simm.s32 @!p2 $0x0  }
0x1d: {  	s5 =	simm.s32 @p1 $0x1;
	p0 =	seq.s32 s7, s2  }
0x1e: {  	s7 =	smul.u32 @!p0 $0xF7A, s2;
	p2 =	seq.s32 @!p0 s5, $0x0  }
0x1f: {  	s9 =	smul.u32 $0xF7A, s1;
	s8 =	simm.s32 @!p0 $0x1BF5;
	p2 =	por !p2, p0  }
0x20: {  	[sflag:s8] =	ssyncset.s32 @!p0 $0xFFFFF086;
	s6 =	sadd.s32 @!p0 s3, s7;
	s7 =	simm.s32 @!p0 $0x108  }
0x21: {  	s3 =	sadd.s32 s3, s9;
	s6 =	sadd.s32 @!p0 $0x88, s6;
	s7 =	simm.s32 @p2 $0x1082  }
0x22: {  	[simem:s7], [sflag:s8] =	dma.local @!p0 [hbm:s6], $0xF7A  }
0x23: {  	s9 =	sor.u32 $0xD0000000, s2;
	s6 =	simm.s32 $0x108;
	_ =	swait.ge @!p0 [sflag:s8], $0x0  }
0x24: {  	s3 =	sadd.s32 $0x88, s3;
	s6 =	simm.s32 @!p1 $0x1082;
	[sflag:s4] =	ssyncset.s32 $0xFFFFF086  }
0x25: {  	[simem:s6], [sflag:s4] =	dma.local [hbm:s3], $0xF7A  }
0x26: {  	[smem:$0x3F84] =	sst s1;
	(tag) =	ssettag s2;
	_ =	strace s9  }
0x27: {  	s1 =	sld [smem:$0x3F94]  }
0x28: {  	s2 =	sld [smem:$0x3F95]  }
0x29: {  	s4 =	sld [smem:$0x3F97]  }
0x2a: {  	p0 =	seq.s32 s5, $0x0;
	s5 =	sld [smem:$0x3F98]  }
0x2b: {  	s6 =	sld [smem:$0x3F99]  }
0x2c: {  	s7 =	sld [smem:$0x3F9A]  }
0x2d: {  	s3 =	simm.s32 $0x108;
	s8 =	sld [smem:$0x3F9B]  }
0x2e: {  	s3 =	simm.s32 @!p0 $0x1082;
	s9 =	sld [smem:$0x3F9C]  }
0x2f: {  	lr =	sadd.s32 s0, s3;
	s0 =	sld [smem:$0x3F93]  }
0x30: {  	s3 =	sld [smem:$0x3F96]  }
0x31: {  	[smem:$0x3F9F] =	sst s10  }
0x32: {  	s10 =	sld [smem:$0x3F9D];
	_ =	sdelay $0x3  }
0x33: {  	p0 =	seq.s32 s10, $0x1;
	s10 =	sld [smem:$0x3F9F];
	_ =	sdelay $0x3  }
0x34: {  	[smem:$0x3F9F] =	sst s10  }
0x35: {  	s10 =	sld [smem:$0x3F9E];
	_ =	sdelay $0x3  }
0x36: {  	p1 =	seq.s32 s10, $0x1;
	s10 =	sld [smem:$0x3F9F];
	_ =	sdelay $0x3  }
0x37: {  	[smem:$0x3F9F] =	sst s10  }
0x38: {  	s10 =	sld [smem:$0x3FA0]  }
0x39: {  	_ = 	snop;
	(pc) =	sbr.ind lr, $3  }
0x3a: {  	_ = 	snop  }
0x3b: {  	_ = 	snop  }
0x3c: {  	p2 =	seq.s32 s10, $0x1;
	s10 =	sld [smem:$0x3F9F]  }
0x3d: {  	_ =	shalt  }
0x3e: {  	_ =	shalt  }
0x3f: {  	_ =	shalt  }
0x40: {  	_ =	shalt  }
0x41: {  	_ =	shalt  }
0x42: {  	_ =	shalt  }
0x43: {  	_ =	shalt  }
0x44: {  	_ =	shalt  }
0x45: {  	_ =	shalt  }
0x46: {  	_ =	shalt  }
0x47: {  	_ =	shalt  }
0x48: {  	_ =	shalt  }
0x49: {  	_ =	shalt  }
0x4a: {  	_ =	shalt  }
0x4b: {  	_ =	shalt  }
0x4c: {  	_ =	shalt  }
0x4d: {  	_ =	shalt  }
0x4e: {  	_ =	shalt  }
0x4f: {  	_ =	shalt  }
0x50: {  	_ =	shalt  }
0x51: {  	_ =	shalt  }
0x52: {  	_ =	shalt  }
0x53: {  	_ =	shalt  }
0x54: {  	_ =	shalt  }
0x55: {  	_ =	shalt  }
0x56: {  	_ =	shalt  }
0x57: {  	_ =	shalt  }
0x58: {  	_ =	shalt  }
0x59: {  	_ =	shalt  }
0x5a: {  	_ =	shalt  }
0x5b: {  	_ =	shalt  }
0x5c: {  	_ =	shalt  }
0x5d: {  	_ =	shalt  }
0x5e: {  	_ =	shalt  }
0x5f: {  	_ =	shalt  }
0x60: {  	_ =	shalt  }
0x61: {  	_ =	shalt  }
0x62: {  	_ =	shalt  }
0x63: {  	_ =	shalt  }
0x64: {  	_ =	shalt  }
0x65: {  	_ =	shalt  }
0x66: {  	_ =	shalt  }
0x67: {  	_ =	shalt  }
0x68: {  	_ =	shalt  }
0x69: {  	_ =	shalt  }
0x6a: {  	_ =	shalt  }
0x6b: {  	_ =	shalt  }
0x6c: {  	_ =	shalt  }
0x6d: {  	_ =	shalt  }
0x6e: {  	_ =	shalt  }
0x6f: {  	_ =	shalt  }
0x70: {  	_ =	shalt  }
0x71: {  	_ =	shalt  }
0x72: {  	_ =	shalt  }
0x73: {  	_ =	shalt  }
0x74: {  	_ =	shalt  }
0x75: {  	_ =	shalt  }
0x76: {  	_ =	shalt  }
0x77: {  	_ =	shalt  }
0x78: {  	_ =	shalt  }
0x79: {  	_ =	shalt  }
0x7a: {  	_ =	shalt  }
0x7b: {  	_ =	shalt  }
0x7c: {  	_ =	shalt  }
0x7d: {  	_ =	shalt  }
0x7e: {  	_ =	shalt  }
0x7f: {  	_ =	shalt  }
0x80: {  	_ =	shalt  }
0x81: {  	_ =	shalt  }
0x82: {  	_ =	shalt  }
0x83: {  	_ =	shalt  }
0x84: {  	_ =	shalt  }
0x85: {  	_ =	shalt  }
0x86: {  	_ =	shalt  }
0x87: {  	_ =	shalt  }
.Lfunc_end0:
.L_simem_size_0:
called_computation.1_lowered:
.L_overlay_start_0:
0x88: {  	s2 =	sld [smem:$0x3FD9]  }
0x89: {  	s3 =	sld [smem:$0x3FFE];
	_ =	sdelay $0x1  }
0x8a: {  	s1 =	srdreg.scid  }
0x8b: {  	s0 =	sand.u32 $0x1, s1  }
0x8c: {  	s16 =	sshll.u32 s0, $0xA;
	s2 =	sadd.s32 s3, s2  }
0x8d: {  	s2 =	sadd.s32 s2, s16  }
0x8e: {  	[smem:$0x3FAB] =	sst s2  }
0x8f: {  	_ = 	snop  }
0x90: {  	s2 =	sld [smem:$0x3FD0];
	(tm) =	ssettm $0x1  }
0x91: {  	s17 =	sld [smem:$0x3FFB];
	_ =	sdelay $0x3  }
0x92: {  	_ =	strace s17  }
0x93: {  	s3 =	sld [smem:$0x3FFC];
	_ =	sdelay $0x3  }
0x94: {  	_ =	strace s3  }
0x95: {  	s3 =	sld [smem:$0x3FFD];
	_ =	sdelay $0x3  }
0x96: {  	_ =	strace s3  }
0x97: {  	_ =	strace $0x8FFFFFFF  }
0x98: {  	s18 =	sld [smem:$0x3FDB];
	_ =	sdelay $0x1  }
0x99: {  	s4 =	simm.s32 $_scs_section_size  }
0x9a: {  	s5 =	simm.s32 $_size__tile_overlayer_lowered;
	s6 =	simm.s32 $_tile_overlayer_lowered  }
0x9b: {  	s21 =	simm.s32 $0x1BFF;
	s20 =	sshll.u32 s6, $0x1;
	s3 =	sadd.s32 s4, s18  }
0x9c: {  	s7 =	simm.s32 $0x0;
	s19 =	sshll.u32 s5, $0x1;
	s5 =	sadd.s32 s20, s3  }
0x9d: {  	[timem:s7], [sflag:s21] =	dma.local [hbm:s5], s19  }
0x9e: {  	_ =	swait.ge [sflag:s21], s19  }
0x9f: {  	s4 =	ssub.s32 $0x0, s19;
	[sflag:s21] =	ssyncset.done $0x0  }
0xa0: {  	[sflag:s21] =	ssyncadd.s32 s4;
	_ =	sdelay $0x1  }
0xa1: {  	s22 =	simm.s32 $0x1B8B  }
0xa2: {  	_ =	swait.ge [sflag:s22], $0x1  }
0xa3: {  	[sflag:s22] =	ssyncset.done $0x0  }
0xa4: {  	s23 =	sld [smem:$0x3FFE];
	[sflag:s22] =	ssyncadd.s32 $0xFFFFFFFF  }
0xa5: {  	s25 =	simm.s32 $0x1B8E;
	s24 =	sld [smem:$0x0]  }
0xa6: {  	s26 =	simm.s32 $execute0_lowered;
	[smem:$0x3FD2] =	sst s25  }
0xa7: {  	s6 =	sshll.u32 s26, $0x1;
	_ =	strace $0x80000049;
	[dreg:$0x1] =	wrdreg $0xFFFFFFFF  }
0xa8: {  	s28 =	simm.s32 $_size_execute0_lowered;
	s3 =	sadd.s32 s3, s6;
	[dreg:$0x0] =	wrdreg $0x0  }
0xa9: {  	s6 =	sshll.u32 s28, $0x1;
	[dreg:$0x2] =	wrdreg s3  }
0xaa: {  	[dreg:$0x3] =	wrdreg s6  }
0xab: {  	[dreg:$0x4] =	wrdreg $0xC0  }
0xac: {  	_ =	task [dreg:s7], $0x5FFFF  }
0xad: {  	[dreg:$0x1] =	wrdreg $0xFFFFFFFF  }
0xae: {  	[dreg:$0x0] =	wrdreg $0x60  }
0xaf: {  	[dreg:$0x2] =	wrdreg s23  }
0xb0: {  	[dreg:$0x3] =	wrdreg s2  }
0xb1: {  	[dreg:$0x4] =	wrdreg s1  }
0xb2: {  	[dreg:$0x5] =	wrdreg s24  }
0xb3: {  	[dreg:$0x6] =	wrdreg $0x9  }
0xb4: {  	_ =	task.clear_ibuf [dreg:s7], $0x7FFFF;
	_ =	strace $0x90000049  }
0xb5: {  	s29 =	simm.s32 $0x9;
	_ =	strace $0x8000004B  }
0xb6: {  	_ =	swait.ge [sflag:s29], $0x1  }
0xb7: {  	[sflag:s29] =	ssyncadd.s32 $0xFFFFFFFF  }
0xb8: {  	_ =	strace $0x9000004B  }
0xb9: {  	_ =	sfence  }
0xba: {  	s30 =	sld [smem:$0x0];
	_ =	sdelay $0x2  }
0xbb: {  	s31 =	sshll.u32 s1, $0xD;
	s1 =	sshrl.u32 s1, $0x2  }
0xbc: {  	s3 =	sand.u32 $0x4000, s31;
	s1 =	sadd.s32 s1, s30  }
0xbd: {  	s0 =	sor.u32 s3, s0;
	s1 =	sshll.u32 s1, $0x11  }
0xbe: {  	s0 =	sor.u32 s1, s0  }
0xbf: {  	s0 =	sadd.s32 $0x8F2B, s0  }
0xc0: {  	[sflag:s0] =	ssyncadd.remote.s32 $0x1  }
0xc1: {  	_ =	sfence.sel $0xFFFF  }
0xc2: {  	[dreg:$0x0] =	wrdreg $0xFFFFFFFF;
	(pc) =	sbr.abs _section_cstart, $3  }
0xc3: {  	[dreg:$0x1] =	wrdreg $0xFFFFFFFF  }
0xc4: {  	_ =	task.clear_ibuf [dreg:s7], $0x2FFFF;
	_ =	strace $0x9FFFFFFF  }
0xc5: {  	(tm) =	ssettm $0x7FFFFFFF  }
tec
execute0_lowered:
.L_overlay_start_1:
0x0: {  	(tag) =	ssettag $0x1  }
0x1: {  	s8 =	rddreg [dreg:$0x0]  }
0x2: {  	s7 =	rddreg [dreg:$0x1]  }
0x3: {  	s2 =	rddreg [dreg:$0x2];
	_ =	strace $0x8000004A;
	s10 =	simm.s32 $0x1  }
0x4: {  	v0 =	vimm.s32 $0x0;
	[sflag:s10] =	ssyncpa.u1 $0x0  }
0x5: {  	[tilespmem:$0x48] =	vst v0  }
0x6: {  	[tilespmem:$0x58] =	vst v0  }
0x7: {  	[tilespmem:$0x68] =	vst v0  }
0x8: {  	[tilespmem:$0x78] =	vst v0  }
0x9: {  	[tilespmem:$0x88] =	vst v0  }
0xa: {  	[tilespmem:$0x98] =	vst v0  }
0xb: {  	[tilespmem:$0xA8] =	vst v0  }
0xc: {  	[tilespmem:$0xB8] =	vst v0  }
0xd: {  	[tilespmem:$0xC8] =	vst v0  }
0xe: {  	[tilespmem:$0xD8] =	vst v0  }
0xf: {  	[tilespmem:$0xE8] =	vst v0  }
0x10: {  	[tilespmem:$0xF8] =	vst v0  }
0x11: {  	[tilespmem:$0x108] =	vst v0  }
0x12: {  	[tilespmem:$0x118] =	vst v0  }
0x13: {  	[tilespmem:$0x128] =	vst v0  }
0x14: {  	[tilespmem:$0x138] =	vst v0  }
0x15: {  	[tilespmem:$0x148] =	vst v0  }
0x16: {  	[tilespmem:$0x158] =	vst v0  }
0x17: {  	[tilespmem:$0x168] =	vst v0  }
0x18: {  	[tilespmem:$0x178] =	vst v0  }
0x19: {  	[tilespmem:$0x188] =	vst v0  }
0x1a: {  	[tilespmem:$0x198] =	vst v0  }
0x1b: {  	[tilespmem:$0x1A8] =	vst v0  }
0x1c: {  	[tilespmem:$0x1B8] =	vst v0  }
0x1d: {  	[tilespmem:$0x1C8] =	vst v0  }
0x1e: {  	[tilespmem:$0x1D8] =	vst v0  }
0x1f: {  	[tilespmem:$0x1E8] =	vst v0  }
0x20: {  	[tilespmem:$0x1F8] =	vst v0  }
0x21: {  	[tilespmem:$0x208] =	vst v0  }
0x22: {  	[tilespmem:$0x218] =	vst v0  }
0x23: {  	[tilespmem:$0x228] =	vst v0  }
0x24: {  	[tilespmem:$0x238] =	vst v0  }
0x25: {  	[tilespmem:$0x248] =	vst v0  }
0x26: {  	[tilespmem:$0x258] =	vst v0  }
0x27: {  	[tilespmem:$0x268] =	vst v0  }
0x28: {  	[tilespmem:$0x278] =	vst v0  }
0x29: {  	[tilespmem:$0x288] =	vst v0  }
0x2a: {  	[tilespmem:$0x298] =	vst v0  }
0x2b: {  	[tilespmem:$0x2A8] =	vst v0  }
0x2c: {  	[tilespmem:$0x2B8] =	vst v0  }
0x2d: {  	[tilespmem:$0x2C8] =	vst v0  }
0x2e: {  	[tilespmem:$0x2D8] =	vst v0  }
0x2f: {  	[tilespmem:$0x2E8] =	vst v0  }
0x30: {  	[tilespmem:$0x2F8] =	vst v0  }
0x31: {  	[tilespmem:$0x308] =	vst v0  }
0x32: {  	[tilespmem:$0x318] =	vst v0  }
0x33: {  	[tilespmem:$0x328] =	vst v0  }
0x34: {  	[tilespmem:$0x338] =	vst v0  }
0x35: {  	[tilespmem:$0x348] =	vst v0  }
0x36: {  	[tilespmem:$0x358] =	vst v0  }
0x37: {  	[tilespmem:$0x368] =	vst v0  }
0x38: {  	[tilespmem:$0x378] =	vst v0  }
0x39: {  	[tilespmem:$0x388] =	vst v0  }
0x3a: {  	[tilespmem:$0x398] =	vst v0  }
0x3b: {  	[tilespmem:$0x3A8] =	vst v0  }
0x3c: {  	[tilespmem:$0x3B8] =	vst v0  }
0x3d: {  	[tilespmem:$0x3C8] =	vst v0  }
0x3e: {  	[tilespmem:$0x3D8] =	vst v0  }
0x3f: {  	[tilespmem:$0x3E8] =	vst v0  }
0x40: {  	[tilespmem:$0x3F8] =	vst v0  }
0x41: {  	[tilespmem:$0x408] =	vst v0  }
0x42: {  	[tilespmem:$0x418] =	vst v0  }
0x43: {  	[tilespmem:$0x428] =	vst v0  }
0x44: {  	[tilespmem:$0x438] =	vst v0  }
0x45: {  	[tilespmem:$0x448] =	vst v0  }
0x46: {  	[tilespmem:$0x458] =	vst v0  }
0x47: {  	[tilespmem:$0x468] =	vst v0  }
0x48: {  	[tilespmem:$0x478] =	vst v0  }
0x49: {  	[tilespmem:$0x488] =	vst v0  }
0x4a: {  	[tilespmem:$0x498] =	vst v0  }
0x4b: {  	[tilespmem:$0x4A8] =	vst v0  }
0x4c: {  	[tilespmem:$0x4B8] =	vst v0  }
0x4d: {  	[tilespmem:$0x4C8] =	vst v0  }
0x4e: {  	[tilespmem:$0x4D8] =	vst v0  }
0x4f: {  	[tilespmem:$0x4E8] =	vst v0  }
0x50: {  	[tilespmem:$0x4F8] =	vst v0  }
0x51: {  	[tilespmem:$0x508] =	vst v0  }
0x52: {  	[tilespmem:$0x518] =	vst v0  }
0x53: {  	[tilespmem:$0x528] =	vst v0  }
0x54: {  	[tilespmem:$0x538] =	vst v0  }
0x55: {  	[tilespmem:$0x548] =	vst v0  }
0x56: {  	[tilespmem:$0x558] =	vst v0  }
0x57: {  	[tilespmem:$0x568] =	vst v0  }
0x58: {  	[tilespmem:$0x578] =	vst v0  }
0x59: {  	[tilespmem:$0x588] =	vst v0  }
0x5a: {  	[tilespmem:$0x598] =	vst v0  }
0x5b: {  	[tilespmem:$0x5A8] =	vst v0  }
0x5c: {  	[tilespmem:$0x5B8] =	vst v0  }
0x5d: {  	[tilespmem:$0x5C8] =	vst v0  }
0x5e: {  	[tilespmem:$0x5D8] =	vst v0  }
0x5f: {  	[tilespmem:$0x5E8] =	vst v0  }
0x60: {  	[tilespmem:$0x5F8] =	vst v0  }
0x61: {  	[tilespmem:$0x608] =	vst v0  }
0x62: {  	[tilespmem:$0x618] =	vst v0  }
0x63: {  	[tilespmem:$0x628] =	vst v0  }
0x64: {  	[tilespmem:$0x638] =	vst v0  }
0x65: {  	[tilespmem:$0x648] =	vst v0  }
0x66: {  	[tilespmem:$0x658] =	vst v0  }
0x67: {  	[tilespmem:$0x668] =	vst v0  }
0x68: {  	[tilespmem:$0x678] =	vst v0  }
0x69: {  	[tilespmem:$0x688] =	vst v0  }
0x6a: {  	[tilespmem:$0x698] =	vst v0  }
0x6b: {  	[tilespmem:$0x6A8] =	vst v0  }
0x6c: {  	[tilespmem:$0x6B8] =	vst v0  }
0x6d: {  	[tilespmem:$0x6C8] =	vst v0  }
0x6e: {  	[tilespmem:$0x6D8] =	vst v0  }
0x6f: {  	[tilespmem:$0x6E8] =	vst v0  }
0x70: {  	[tilespmem:$0x6F8] =	vst v0  }
0x71: {  	[tilespmem:$0x708] =	vst v0  }
0x72: {  	[tilespmem:$0x718] =	vst v0  }
0x73: {  	[tilespmem:$0x728] =	vst v0  }
0x74: {  	[tilespmem:$0x738] =	vst v0  }
0x75: {  	[tilespmem:$0x748] =	vst v0  }
0x76: {  	[tilespmem:$0x758] =	vst v0  }
0x77: {  	[tilespmem:$0x768] =	vst v0  }
0x78: {  	[tilespmem:$0x778] =	vst v0  }
0x79: {  	[tilespmem:$0x788] =	vst v0  }
0x7a: {  	[tilespmem:$0x798] =	vst v0  }
0x7b: {  	[tilespmem:$0x7A8] =	vst v0  }
0x7c: {  	[tilespmem:$0x7B8] =	vst v0  }
0x7d: {  	[tilespmem:$0x7C8] =	vst v0  }
0x7e: {  	[tilespmem:$0x7D8] =	vst v0  }
0x7f: {  	[tilespmem:$0x7E8] =	vst v0  }
0x80: {  	[tilespmem:$0x7F8] =	vst v0  }
0x81: {  	[tilespmem:$0x808] =	vst v0  }
0x82: {  	[tilespmem:$0x818] =	vst v0  }
0x83: {  	[tilespmem:$0x828] =	vst v0  }
0x84: {  	[tilespmem:$0x838] =	vst v0  }
0x85: {  	[tilespmem:$0x848] =	vst v0  }
0x86: {  	[tilespmem:$0x858] =	vst v0  }
0x87: {  	[tilespmem:$0x868] =	vst v0  }
0x88: {  	[tilespmem:$0x878] =	vst v0  }
0x89: {  	[tilespmem:$0x888] =	vst v0  }
0x8a: {  	[tilespmem:$0x898] =	vst v0  }
0x8b: {  	[tilespmem:$0x8A8] =	vst v0  }
0x8c: {  	[tilespmem:$0x8B8] =	vst v0  }
0x8d: {  	[tilespmem:$0x8C8] =	vst v0  }
0x8e: {  	[tilespmem:$0x8D8] =	vst v0  }
0x8f: {  	[tilespmem:$0x8E8] =	vst v0  }
0x90: {  	[tilespmem:$0x8F8] =	vst v0  }
0x91: {  	[tilespmem:$0x908] =	vst v0  }
0x92: {  	[tilespmem:$0x918] =	vst v0  }
0x93: {  	[tilespmem:$0x928] =	vst v0  }
0x94: {  	[tilespmem:$0x938] =	vst v0  }
0x95: {  	[tilespmem:$0x948] =	vst v0  }
0x96: {  	[tilespmem:$0x958] =	vst v0  }
0x97: {  	[tilespmem:$0x968] =	vst v0  }
0x98: {  	[tilespmem:$0x978] =	vst v0  }
0x99: {  	[tilespmem:$0x988] =	vst v0  }
0x9a: {  	[tilespmem:$0x998] =	vst v0  }
0x9b: {  	[tilespmem:$0x9A8] =	vst v0  }
0x9c: {  	[tilespmem:$0x9B8] =	vst v0  }
0x9d: {  	[tilespmem:$0x9C8] =	vst v0  }
0x9e: {  	[tilespmem:$0x9D8] =	vst v0  }
0x9f: {  	[tilespmem:$0x9E8] =	vst v0  }
0xa0: {  	[tilespmem:$0x9F8] =	vst v0  }
0xa1: {  	[tilespmem:$0xA08] =	vst v0  }
0xa2: {  	[tilespmem:$0xA18] =	vst v0  }
0xa3: {  	[tilespmem:$0xA28] =	vst v0  }
0xa4: {  	[tilespmem:$0xA38] =	vst v0  }
0xa5: {  	[tilespmem:$0xA48] =	vst v0  }
0xa6: {  	[tilespmem:$0xA58] =	vst v0  }
0xa7: {  	[tilespmem:$0xA68] =	vst v0  }
0xa8: {  	[tilespmem:$0xA78] =	vst v0  }
0xa9: {  	[tilespmem:$0xA88] =	vst v0  }
0xaa: {  	[tilespmem:$0xA98] =	vst v0  }
0xab: {  	[tilespmem:$0xAA8] =	vst v0  }
0xac: {  	[tilespmem:$0xAB8] =	vst v0  }
0xad: {  	[tilespmem:$0xAC8] =	vst v0  }
0xae: {  	[tilespmem:$0xAD8] =	vst v0  }
0xaf: {  	[tilespmem:$0xAE8] =	vst v0  }
0xb0: {  	[tilespmem:$0xAF8] =	vst v0  }
0xb1: {  	[tilespmem:$0xB08] =	vst v0  }
0xb2: {  	[tilespmem:$0xB18] =	vst v0  }
0xb3: {  	[tilespmem:$0xB28] =	vst v0  }
0xb4: {  	[tilespmem:$0xB38] =	vst v0  }
0xb5: {  	[tilespmem:$0xB48] =	vst v0  }
0xb6: {  	[tilespmem:$0xB58] =	vst v0  }
0xb7: {  	[tilespmem:$0xB68] =	vst v0  }
0xb8: {  	[tilespmem:$0xB78] =	vst v0  }
0xb9: {  	[tilespmem:$0xB88] =	vst v0  }
0xba: {  	[tilespmem:$0xB98] =	vst v0  }
0xbb: {  	[tilespmem:$0xBA8] =	vst v0  }
0xbc: {  	[tilespmem:$0xBB8] =	vst v0  }
0xbd: {  	[tilespmem:$0xBC8] =	vst v0  }
0xbe: {  	[tilespmem:$0xBD8] =	vst v0  }
0xbf: {  	[tilespmem:$0xBE8] =	vst v0  }
0xc0: {  	[tilespmem:$0xBF8] =	vst v0  }
0xc1: {  	[tilespmem:$0xC08] =	vst v0  }
0xc2: {  	[tilespmem:$0xC18] =	vst v0  }
0xc3: {  	[tilespmem:$0xC28] =	vst v0  }
0xc4: {  	[tilespmem:$0xC38] =	vst v0  }
0xc5: {  	[tilespmem:$0xC48] =	vst v0  }
0xc6: {  	[tilespmem:$0xC58] =	vst v0  }
0xc7: {  	[tilespmem:$0xC68] =	vst v0  }
0xc8: {  	[tilespmem:$0xC78] =	vst v0  }
0xc9: {  	[tilespmem:$0xC88] =	vst v0  }
0xca: {  	[tilespmem:$0xC98] =	vst v0  }
0xcb: {  	[tilespmem:$0xCA8] =	vst v0  }
0xcc: {  	[tilespmem:$0xCB8] =	vst v0  }
0xcd: {  	[tilespmem:$0xCC8] =	vst v0  }
0xce: {  	[tilespmem:$0xCD8] =	vst v0  }
0xcf: {  	[tilespmem:$0xCE8] =	vst v0  }
0xd0: {  	[tilespmem:$0xCF8] =	vst v0  }
0xd1: {  	[tilespmem:$0xD08] =	vst v0  }
0xd2: {  	[tilespmem:$0xD18] =	vst v0  }
0xd3: {  	[tilespmem:$0xD28] =	vst v0  }
0xd4: {  	[tilespmem:$0xD38] =	vst v0  }
0xd5: {  	[tilespmem:$0xD48] =	vst v0  }
0xd6: {  	[tilespmem:$0xD58] =	vst v0  }
0xd7: {  	[tilespmem:$0xD68] =	vst v0  }
0xd8: {  	[tilespmem:$0xD78] =	vst v0  }
0xd9: {  	[tilespmem:$0xD88] =	vst v0  }
0xda: {  	[tilespmem:$0xD98] =	vst v0  }
0xdb: {  	[tilespmem:$0xDA8] =	vst v0  }
0xdc: {  	[tilespmem:$0xDB8] =	vst v0  }
0xdd: {  	[tilespmem:$0xDC8] =	vst v0  }
0xde: {  	[tilespmem:$0xDD8] =	vst v0  }
0xdf: {  	[tilespmem:$0xDE8] =	vst v0  }
0xe0: {  	[tilespmem:$0xDF8] =	vst v0  }
0xe1: {  	[tilespmem:$0xE08] =	vst v0  }
0xe2: {  	[tilespmem:$0xE18] =	vst v0  }
0xe3: {  	[tilespmem:$0xE28] =	vst v0  }
0xe4: {  	[tilespmem:$0xE38] =	vst v0  }
0xe5: {  	[tilespmem:$0xE48] =	vst v0  }
0xe6: {  	[tilespmem:$0xE58] =	vst v0  }
0xe7: {  	[tilespmem:$0xE68] =	vst v0  }
0xe8: {  	[tilespmem:$0xE78] =	vst v0  }
0xe9: {  	[tilespmem:$0xE88] =	vst v0  }
0xea: {  	[tilespmem:$0xE98] =	vst v0  }
0xeb: {  	[tilespmem:$0xEA8] =	vst v0  }
0xec: {  	[tilespmem:$0xEB8] =	vst v0  }
0xed: {  	[tilespmem:$0xEC8] =	vst v0  }
0xee: {  	[tilespmem:$0xED8] =	vst v0  }
0xef: {  	[tilespmem:$0xEE8] =	vst v0  }
0xf0: {  	[tilespmem:$0xEF8] =	vst v0  }
0xf1: {  	[tilespmem:$0xF08] =	vst v0  }
0xf2: {  	[tilespmem:$0xF18] =	vst v0  }
0xf3: {  	[tilespmem:$0xF28] =	vst v0  }
0xf4: {  	[tilespmem:$0xF38] =	vst v0  }
0xf5: {  	[tilespmem:$0xF48] =	vst v0  }
0xf6: {  	[tilespmem:$0xF58] =	vst v0  }
0xf7: {  	[tilespmem:$0xF68] =	vst v0  }
0xf8: {  	[tilespmem:$0xF78] =	vst v0  }
0xf9: {  	[tilespmem:$0xF88] =	vst v0  }
0xfa: {  	[tilespmem:$0xF98] =	vst v0  }
0xfb: {  	[tilespmem:$0xFA8] =	vst v0  }
0xfc: {  	[tilespmem:$0xFB8] =	vst v0  }
0xfd: {  	[tilespmem:$0xFC8] =	vst v0  }
0xfe: {  	[tilespmem:$0xFD8] =	vst v0  }
0xff: {  	[tilespmem:$0xFE8] =	vst v0  }
0x100: {  	[tilespmem:$0xFF8] =	vst v0  }
0x101: {  	[tilespmem:$0x1008] =	vst v0  }
0x102: {  	[tilespmem:$0x1018] =	vst v0  }
0x103: {  	[tilespmem:$0x1028] =	vst v0  }
0x104: {  	[tilespmem:$0x11C8] =	vst v0  }
0x105: {  	[tilespmem:$0x11B8] =	vst v0  }
0x106: {  	[tilespmem:$0x11A8] =	vst v0  }
0x107: {  	[tilespmem:$0x1198] =	vst v0  }
0x108: {  	[tilespmem:$0x1188] =	vst v0  }
0x109: {  	[tilespmem:$0x1178] =	vst v0  }
0x10a: {  	[tilespmem:$0x1168] =	vst v0  }
0x10b: {  	[tilespmem:$0x1038] =	vst v0  }
0x10c: {  	[tilespmem:$0x1048] =	vst v0  }
0x10d: {  	[tilespmem:$0x1058] =	vst v0  }
0x10e: {  	[tilespmem:$0x1068] =	vst v0  }
0x10f: {  	[tilespmem:$0x1078] =	vst v0  }
0x110: {  	[tilespmem:$0x1088] =	vst v0  }
0x111: {  	[tilespmem:$0x1098] =	vst v0  }
0x112: {  	[tilespmem:$0x10A8] =	vst v0  }
0x113: {  	[tilespmem:$0x10B8] =	vst v0  }
0x114: {  	[tilespmem:$0x10C8] =	vst v0  }
0x115: {  	[tilespmem:$0x10D8] =	vst v0  }
0x116: {  	[tilespmem:$0x10E8] =	vst v0  }
0x117: {  	[tilespmem:$0x10F8] =	vst v0  }
0x118: {  	[tilespmem:$0x1108] =	vst v0  }
0x119: {  	[tilespmem:$0x1118] =	vst v0  }
0x11a: {  	[tilespmem:$0x1128] =	vst v0  }
0x11b: {  	[tilespmem:$0x1138] =	vst v0  }
0x11c: {  	[tilespmem:$0x1148] =	vst v0  }
0x11d: {  	[tilespmem:$0x1158] =	vst v0  }
0x11e: {  	[tilespmem:$0x11D8] =	vst v0  }
0x11f: {  	[tilespmem:$0x11E8] =	vst v0  }
0x120: {  	[tilespmem:$0x11F8] =	vst v0  }
0x121: {  	[tilespmem:$0x1208] =	vst v0  }
0x122: {  	[tilespmem:$0x1218] =	vst v0  }
0x123: {  	[tilespmem:$0x1228] =	vst v0  }
0x124: {  	[tilespmem:$0x1238] =	vst v0  }
0x125: {  	[tilespmem:$0x1248] =	vst v0  }
0x126: {  	[tilespmem:$0x1258] =	vst v0  }
0x127: {  	[tilespmem:$0x1268] =	vst v0  }
0x128: {  	[tilespmem:$0x1278] =	vst v0  }
0x129: {  	[tilespmem:$0x1288] =	vst v0  }
0x12a: {  	[tilespmem:$0x1298] =	vst v0  }
0x12b: {  	[tilespmem:$0x12A8] =	vst v0  }
0x12c: {  	[tilespmem:$0x12B8] =	vst v0  }
0x12d: {  	[tilespmem:$0x12C8] =	vst v0  }
0x12e: {  	[tilespmem:$0x12D8] =	vst v0  }
0x12f: {  	[tilespmem:$0x12E8] =	vst v0  }
0x130: {  	[tilespmem:$0x12F8] =	vst v0  }
0x131: {  	[tilespmem:$0x1308] =	vst v0  }
0x132: {  	[tilespmem:$0x1318] =	vst v0  }
0x133: {  	[tilespmem:$0x1328] =	vst v0  }
0x134: {  	[tilespmem:$0x1338] =	vst v0  }
0x135: {  	[tilespmem:$0x1348] =	vst v0  }
0x136: {  	[tilespmem:$0x1358] =	vst v0  }
0x137: {  	[tilespmem:$0x1368] =	vst v0  }
0x138: {  	[tilespmem:$0x1378] =	vst v0  }
0x139: {  	[tilespmem:$0x1388] =	vst v0  }
0x13a: {  	[tilespmem:$0x1398] =	vst v0  }
0x13b: {  	[tilespmem:$0x13A8] =	vst v0  }
0x13c: {  	[tilespmem:$0x13B8] =	vst v0  }
0x13d: {  	[tilespmem:$0x13C8] =	vst v0  }
0x13e: {  	[tilespmem:$0x13D8] =	vst v0  }
0x13f: {  	[tilespmem:$0x13E8] =	vst v0  }
0x140: {  	[tilespmem:$0x13F8] =	vst v0  }
0x141: {  	[tilespmem:$0x1408] =	vst v0  }
0x142: {  	[tilespmem:$0x1418] =	vst v0  }
0x143: {  	[tilespmem:$0x1428] =	vst v0  }
0x144: {  	[tilespmem:$0x1438] =	vst v0  }
0x145: {  	[tilespmem:$0x1448] =	vst v0  }
0x146: {  	[tilespmem:$0x1458] =	vst v0  }
0x147: {  	[tilespmem:$0x1468] =	vst v0  }
0x148: {  	[tilespmem:$0x1478] =	vst v0  }
0x149: {  	[tilespmem:$0x1488] =	vst v0  }
0x14a: {  	[tilespmem:$0x1498] =	vst v0  }
0x14b: {  	[tilespmem:$0x14A8] =	vst v0  }
0x14c: {  	[tilespmem:$0x14B8] =	vst v0  }
0x14d: {  	[tilespmem:$0x14C8] =	vst v0  }
0x14e: {  	[tilespmem:$0x14D8] =	vst v0  }
0x14f: {  	[tilespmem:$0x14E8] =	vst v0  }
0x150: {  	[tilespmem:$0x14F8] =	vst v0  }
0x151: {  	[tilespmem:$0x1508] =	vst v0  }
0x152: {  	[tilespmem:$0x1518] =	vst v0  }
0x153: {  	[tilespmem:$0x1528] =	vst v0  }
0x154: {  	[tilespmem:$0x1538] =	vst v0  }
0x155: {  	[tilespmem:$0x1548] =	vst v0  }
0x156: {  	[tilespmem:$0x1558] =	vst v0  }
0x157: {  	[tilespmem:$0x1568] =	vst v0  }
0x158: {  	[tilespmem:$0x1578] =	vst v0  }
0x159: {  	[tilespmem:$0x1588] =	vst v0  }
0x15a: {  	[tilespmem:$0x1598] =	vst v0  }
0x15b: {  	[tilespmem:$0x15A8] =	vst v0  }
0x15c: {  	[tilespmem:$0x15B8] =	vst v0  }
0x15d: {  	[tilespmem:$0x15C8] =	vst v0  }
0x15e: {  	[tilespmem:$0x15D8] =	vst v0  }
0x15f: {  	[tilespmem:$0x15E8] =	vst v0  }
0x160: {  	[tilespmem:$0x15F8] =	vst v0  }
0x161: {  	[tilespmem:$0x1608] =	vst v0  }
0x162: {  	[tilespmem:$0x1618] =	vst v0  }
0x163: {  	[tilespmem:$0x1628] =	vst v0  }
0x164: {  	[tilespmem:$0x1638] =	vst v0  }
0x165: {  	[tilespmem:$0x1648] =	vst v0  }
0x166: {  	[tilespmem:$0x1658] =	vst v0  }
0x167: {  	[tilespmem:$0x1668] =	vst v0  }
0x168: {  	[tilespmem:$0x1678] =	vst v0  }
0x169: {  	[tilespmem:$0x1688] =	vst v0  }
0x16a: {  	[tilespmem:$0x1698] =	vst v0  }
0x16b: {  	[tilespmem:$0x16A8] =	vst v0  }
0x16c: {  	[tilespmem:$0x16B8] =	vst v0  }
0x16d: {  	[tilespmem:$0x16C8] =	vst v0  }
0x16e: {  	[tilespmem:$0x16D8] =	vst v0  }
0x16f: {  	[tilespmem:$0x16E8] =	vst v0  }
0x170: {  	[tilespmem:$0x16F8] =	vst v0  }
0x171: {  	[tilespmem:$0x1708] =	vst v0  }
0x172: {  	[tilespmem:$0x1718] =	vst v0  }
0x173: {  	[tilespmem:$0x1728] =	vst v0  }
0x174: {  	[tilespmem:$0x1738] =	vst v0  }
0x175: {  	[tilespmem:$0x1748] =	vst v0  }
0x176: {  	[tilespmem:$0x1758] =	vst v0  }
0x177: {  	[tilespmem:$0x1768] =	vst v0  }
0x178: {  	[tilespmem:$0x1778] =	vst v0  }
0x179: {  	[tilespmem:$0x1788] =	vst v0  }
0x17a: {  	[tilespmem:$0x1798] =	vst v0  }
0x17b: {  	[tilespmem:$0x17A8] =	vst v0  }
0x17c: {  	[tilespmem:$0x17B8] =	vst v0  }
0x17d: {  	[tilespmem:$0x17C8] =	vst v0  }
0x17e: {  	[tilespmem:$0x17D8] =	vst v0  }
0x17f: {  	[tilespmem:$0x17E8] =	vst v0  }
0x180: {  	[tilespmem:$0x17F8] =	vst v0  }
0x181: {  	[tilespmem:$0x1808] =	vst v0  }
0x182: {  	[tilespmem:$0x1818] =	vst v0  }
0x183: {  	[tilespmem:$0x1828] =	vst v0  }
0x184: {  	[tilespmem:$0x1838] =	vst v0  }
0x185: {  	[tilespmem:$0x1848] =	vst v0  }
0x186: {  	[tilespmem:$0x1858] =	vst v0  }
0x187: {  	[tilespmem:$0x1868] =	vst v0  }
0x188: {  	[tilespmem:$0x1878] =	vst v0  }
0x189: {  	[tilespmem:$0x1888] =	vst v0  }
0x18a: {  	[tilespmem:$0x1898] =	vst v0  }
0x18b: {  	[tilespmem:$0x18A8] =	vst v0  }
0x18c: {  	[tilespmem:$0x18B8] =	vst v0  }
0x18d: {  	[tilespmem:$0x18C8] =	vst v0  }
0x18e: {  	[tilespmem:$0x18D8] =	vst v0  }
0x18f: {  	[tilespmem:$0x18E8] =	vst v0  }
0x190: {  	[tilespmem:$0x18F8] =	vst v0  }
0x191: {  	[tilespmem:$0x1908] =	vst v0  }
0x192: {  	[tilespmem:$0x1918] =	vst v0  }
0x193: {  	[tilespmem:$0x1928] =	vst v0  }
0x194: {  	[tilespmem:$0x1938] =	vst v0  }
0x195: {  	[tilespmem:$0x1948] =	vst v0  }
0x196: {  	[tilespmem:$0x1958] =	vst v0  }
0x197: {  	[tilespmem:$0x1968] =	vst v0  }
0x198: {  	[tilespmem:$0x1978] =	vst v0  }
0x199: {  	[tilespmem:$0x1988] =	vst v0  }
0x19a: {  	[tilespmem:$0x1998] =	vst v0  }
0x19b: {  	[tilespmem:$0x19A8] =	vst v0  }
0x19c: {  	[tilespmem:$0x19B8] =	vst v0  }
0x19d: {  	[tilespmem:$0x19C8] =	vst v0  }
0x19e: {  	[tilespmem:$0x19D8] =	vst v0  }
0x19f: {  	[tilespmem:$0x19E8] =	vst v0  }
0x1a0: {  	[tilespmem:$0x19F8] =	vst v0  }
0x1a1: {  	[tilespmem:$0x1A08] =	vst v0  }
0x1a2: {  	[tilespmem:$0x1A18] =	vst v0  }
0x1a3: {  	[tilespmem:$0x1A28] =	vst v0  }
0x1a4: {  	[tilespmem:$0x1A38] =	vst v0  }
0x1a5: {  	[tilespmem:$0x1A48] =	vst v0  }
0x1a6: {  	[tilespmem:$0x1A58] =	vst v0  }
0x1a7: {  	[tilespmem:$0x1A68] =	vst v0  }
0x1a8: {  	[tilespmem:$0x1A78] =	vst v0  }
0x1a9: {  	[tilespmem:$0x1A88] =	vst v0  }
0x1aa: {  	[tilespmem:$0x1A98] =	vst v0  }
0x1ab: {  	[tilespmem:$0x1AA8] =	vst v0  }
0x1ac: {  	[tilespmem:$0x1AB8] =	vst v0  }
0x1ad: {  	[tilespmem:$0x1AC8] =	vst v0  }
0x1ae: {  	[tilespmem:$0x1AD8] =	vst v0  }
0x1af: {  	[tilespmem:$0x1AE8] =	vst v0  }
0x1b0: {  	[tilespmem:$0x1AF8] =	vst v0  }
0x1b1: {  	[tilespmem:$0x1B08] =	vst v0  }
0x1b2: {  	[tilespmem:$0x1B18] =	vst v0  }
0x1b3: {  	[tilespmem:$0x1B28] =	vst v0  }
0x1b4: {  	[tilespmem:$0x1B38] =	vst v0  }
0x1b5: {  	[tilespmem:$0x1B48] =	vst v0  }
0x1b6: {  	[tilespmem:$0x1B58] =	vst v0  }
0x1b7: {  	[tilespmem:$0x1B68] =	vst v0  }
0x1b8: {  	[tilespmem:$0x1B78] =	vst v0  }
0x1b9: {  	[tilespmem:$0x1B88] =	vst v0  }
0x1ba: {  	[tilespmem:$0x1B98] =	vst v0  }
0x1bb: {  	[tilespmem:$0x1BA8] =	vst v0  }
0x1bc: {  	[tilespmem:$0x1BB8] =	vst v0  }
0x1bd: {  	[tilespmem:$0x1BC8] =	vst v0  }
0x1be: {  	[tilespmem:$0x1BD8] =	vst v0  }
0x1bf: {  	[tilespmem:$0x1BE8] =	vst v0  }
0x1c0: {  	[tilespmem:$0x1BF8] =	vst v0  }
0x1c1: {  	[tilespmem:$0x1C08] =	vst v0  }
0x1c2: {  	[tilespmem:$0x1C18] =	vst v0  }
0x1c3: {  	[tilespmem:$0x1C28] =	vst v0  }
0x1c4: {  	[tilespmem:$0x1C38] =	vst v0  }
0x1c5: {  	[tilespmem:$0x1C48] =	vst v0  }
0x1c6: {  	[tilespmem:$0x1C58] =	vst v0  }
0x1c7: {  	[tilespmem:$0x1C68] =	vst v0  }
0x1c8: {  	[tilespmem:$0x1C78] =	vst v0  }
0x1c9: {  	[tilespmem:$0x1C88] =	vst v0  }
0x1ca: {  	[tilespmem:$0x1C98] =	vst v0  }
0x1cb: {  	[tilespmem:$0x1CA8] =	vst v0  }
0x1cc: {  	[tilespmem:$0x1CB8] =	vst v0  }
0x1cd: {  	[tilespmem:$0x1CC8] =	vst v0  }
0x1ce: {  	[tilespmem:$0x1CD8] =	vst v0  }
0x1cf: {  	[tilespmem:$0x1CE8] =	vst v0  }
0x1d0: {  	[tilespmem:$0x1CF8] =	vst v0  }
0x1d1: {  	[tilespmem:$0x1D08] =	vst v0  }
0x1d2: {  	[tilespmem:$0x1D18] =	vst v0  }
0x1d3: {  	[tilespmem:$0x1D28] =	vst v0  }
0x1d4: {  	[tilespmem:$0x1D38] =	vst v0  }
0x1d5: {  	[tilespmem:$0x1D48] =	vst v0  }
0x1d6: {  	[tilespmem:$0x1D58] =	vst v0  }
0x1d7: {  	[tilespmem:$0x1D68] =	vst v0  }
0x1d8: {  	[tilespmem:$0x1D78] =	vst v0  }
0x1d9: {  	[tilespmem:$0x1D88] =	vst v0  }
0x1da: {  	[tilespmem:$0x1D98] =	vst v0  }
0x1db: {  	[tilespmem:$0x1DA8] =	vst v0  }
0x1dc: {  	[tilespmem:$0x1DB8] =	vst v0  }
0x1dd: {  	[tilespmem:$0x1DC8] =	vst v0  }
0x1de: {  	[tilespmem:$0x1DD8] =	vst v0  }
0x1df: {  	[tilespmem:$0x1DE8] =	vst v0  }
0x1e0: {  	[tilespmem:$0x1DF8] =	vst v0  }
0x1e1: {  	[tilespmem:$0x1E08] =	vst v0  }
0x1e2: {  	[tilespmem:$0x1E18] =	vst v0  }
0x1e3: {  	[tilespmem:$0x1E28] =	vst v0  }
0x1e4: {  	[tilespmem:$0x1E38] =	vst v0  }
0x1e5: {  	[tilespmem:$0x1E48] =	vst v0  }
0x1e6: {  	[tilespmem:$0x1E58] =	vst v0  }
0x1e7: {  	[tilespmem:$0x1E68] =	vst v0  }
0x1e8: {  	[tilespmem:$0x1E78] =	vst v0  }
0x1e9: {  	[tilespmem:$0x1E88] =	vst v0  }
0x1ea: {  	[tilespmem:$0x1E98] =	vst v0  }
0x1eb: {  	[tilespmem:$0x1EA8] =	vst v0  }
0x1ec: {  	[tilespmem:$0x1EB8] =	vst v0  }
0x1ed: {  	[tilespmem:$0x1EC8] =	vst v0  }
0x1ee: {  	[tilespmem:$0x1ED8] =	vst v0  }
0x1ef: {  	[tilespmem:$0x1EE8] =	vst v0  }
0x1f0: {  	[tilespmem:$0x1EF8] =	vst v0  }
0x1f1: {  	[tilespmem:$0x1F08] =	vst v0  }
0x1f2: {  	[tilespmem:$0x1F18] =	vst v0  }
0x1f3: {  	[tilespmem:$0x1F28] =	vst v0  }
0x1f4: {  	[tilespmem:$0x1F38] =	vst v0  }
0x1f5: {  	[tilespmem:$0x1F48] =	vst v0  }
0x1f6: {  	[tilespmem:$0x1F58] =	vst v0  }
0x1f7: {  	[tilespmem:$0x1F68] =	vst v0  }
0x1f8: {  	[tilespmem:$0x1F78] =	vst v0  }
0x1f9: {  	[tilespmem:$0x1F88] =	vst v0  }
0x1fa: {  	[tilespmem:$0x1F98] =	vst v0  }
0x1fb: {  	[tilespmem:$0x1FA8] =	vst v0  }
0x1fc: {  	[tilespmem:$0x1FB8] =	vst v0  }
0x1fd: {  	[tilespmem:$0x1FC8] =	vst v0  }
0x1fe: {  	[tilespmem:$0x1FD8] =	vst v0  }
0x1ff: {  	[tilespmem:$0x1FE8] =	vst v0  }
0x200: {  	[tilespmem:$0x1FF8] =	vst v0  }
0x201: {  	[tilespmem:$0x2008] =	vst v0  }
0x202: {  	[tilespmem:$0x2018] =	vst v0  }
0x203: {  	[tilespmem:$0x2028] =	vst v0  }
0x204: {  	[tilespmem:$0x2038] =	vst v0  }
0x205: {  	[tilespmem:$0x2048] =	vst v0  }
0x206: {  	[tilespmem:$0x2058] =	vst v0  }
0x207: {  	[tilespmem:$0x2068] =	vst v0  }
0x208: {  	[tilespmem:$0x2078] =	vst v0  }
0x209: {  	[tilespmem:$0x2088] =	vst v0  }
0x20a: {  	[tilespmem:$0x2098] =	vst v0  }
0x20b: {  	[tilespmem:$0x20A8] =	vst v0  }
0x20c: {  	[tilespmem:$0x20B8] =	vst v0  }
0x20d: {  	[tilespmem:$0x20C8] =	vst v0  }
0x20e: {  	[tilespmem:$0x20D8] =	vst v0  }
0x20f: {  	[tilespmem:$0x20E8] =	vst v0  }
0x210: {  	[tilespmem:$0x20F8] =	vst v0  }
0x211: {  	[tilespmem:$0x2108] =	vst v0  }
0x212: {  	[tilespmem:$0x2118] =	vst v0  }
0x213: {  	[tilespmem:$0x2128] =	vst v0  }
0x214: {  	[tilespmem:$0x2138] =	vst v0  }
0x215: {  	[tilespmem:$0x2148] =	vst v0  }
0x216: {  	[tilespmem:$0x2158] =	vst v0  }
0x217: {  	[tilespmem:$0x2178] =	vst v0  }
0x218: {  	[tilespmem:$0x2228] =	vst v0  }
0x219: {  	[tilespmem:$0x3058] =	vst v0  }
0x21a: {  	[tilespmem:$0x3048] =	vst v0  }
0x21b: {  	[tilespmem:$0x3038] =	vst v0  }
0x21c: {  	[tilespmem:$0x3028] =	vst v0  }
0x21d: {  	[tilespmem:$0x3018] =	vst v0  }
0x21e: {  	[tilespmem:$0x3008] =	vst v0  }
0x21f: {  	[tilespmem:$0x2FF8] =	vst v0  }
0x220: {  	[tilespmem:$0x2FE8] =	vst v0  }
0x221: {  	[tilespmem:$0x2FD8] =	vst v0  }
0x222: {  	[tilespmem:$0x2FC8] =	vst v0  }
0x223: {  	[tilespmem:$0x2FB8] =	vst v0  }
0x224: {  	[tilespmem:$0x2FA8] =	vst v0  }
0x225: {  	[tilespmem:$0x2F98] =	vst v0  }
0x226: {  	[tilespmem:$0x2F88] =	vst v0  }
0x227: {  	[tilespmem:$0x2F78] =	vst v0  }
0x228: {  	[tilespmem:$0x2F68] =	vst v0  }
0x229: {  	[tilespmem:$0x2F58] =	vst v0  }
0x22a: {  	[tilespmem:$0x2F48] =	vst v0  }
0x22b: {  	[tilespmem:$0x2F38] =	vst v0  }
0x22c: {  	[tilespmem:$0x2F28] =	vst v0  }
0x22d: {  	[tilespmem:$0x2F18] =	vst v0  }
0x22e: {  	[tilespmem:$0x2F08] =	vst v0  }
0x22f: {  	[tilespmem:$0x2EF8] =	vst v0  }
0x230: {  	[tilespmem:$0x2EE8] =	vst v0  }
0x231: {  	[tilespmem:$0x2ED8] =	vst v0  }
0x232: {  	[tilespmem:$0x2EC8] =	vst v0  }
0x233: {  	[tilespmem:$0x2EB8] =	vst v0  }
0x234: {  	[tilespmem:$0x2EA8] =	vst v0  }
0x235: {  	[tilespmem:$0x2E98] =	vst v0  }
0x236: {  	[tilespmem:$0x2E88] =	vst v0  }
0x237: {  	[tilespmem:$0x2E78] =	vst v0  }
0x238: {  	[tilespmem:$0x2E68] =	vst v0  }
0x239: {  	[tilespmem:$0x2E58] =	vst v0  }
0x23a: {  	[tilespmem:$0x2E48] =	vst v0  }
0x23b: {  	[tilespmem:$0x2E38] =	vst v0  }
0x23c: {  	[tilespmem:$0x2E28] =	vst v0  }
0x23d: {  	[tilespmem:$0x2E18] =	vst v0  }
0x23e: {  	[tilespmem:$0x2E08] =	vst v0  }
0x23f: {  	[tilespmem:$0x2DF8] =	vst v0  }
0x240: {  	[tilespmem:$0x2DE8] =	vst v0  }
0x241: {  	[tilespmem:$0x2DD8] =	vst v0  }
0x242: {  	[tilespmem:$0x2DC8] =	vst v0  }
0x243: {  	[tilespmem:$0x2DB8] =	vst v0  }
0x244: {  	[tilespmem:$0x2DA8] =	vst v0  }
0x245: {  	[tilespmem:$0x2D98] =	vst v0  }
0x246: {  	[tilespmem:$0x2D88] =	vst v0  }
0x247: {  	[tilespmem:$0x2D78] =	vst v0  }
0x248: {  	[tilespmem:$0x2D68] =	vst v0  }
0x249: {  	[tilespmem:$0x2D58] =	vst v0  }
0x24a: {  	[tilespmem:$0x2D48] =	vst v0  }
0x24b: {  	[tilespmem:$0x2D38] =	vst v0  }
0x24c: {  	[tilespmem:$0x2D28] =	vst v0  }
0x24d: {  	[tilespmem:$0x2D18] =	vst v0  }
0x24e: {  	[tilespmem:$0x2D08] =	vst v0  }
0x24f: {  	[tilespmem:$0x2CF8] =	vst v0  }
0x250: {  	[tilespmem:$0x2CE8] =	vst v0  }
0x251: {  	[tilespmem:$0x2CD8] =	vst v0  }
0x252: {  	[tilespmem:$0x2CC8] =	vst v0  }
0x253: {  	[tilespmem:$0x2CB8] =	vst v0  }
0x254: {  	[tilespmem:$0x2CA8] =	vst v0  }
0x255: {  	[tilespmem:$0x2C98] =	vst v0  }
0x256: {  	[tilespmem:$0x2C88] =	vst v0  }
0x257: {  	[tilespmem:$0x2C78] =	vst v0  }
0x258: {  	[tilespmem:$0x2C68] =	vst v0  }
0x259: {  	[tilespmem:$0x2C58] =	vst v0  }
0x25a: {  	[tilespmem:$0x2C48] =	vst v0  }
0x25b: {  	[tilespmem:$0x2C38] =	vst v0  }
0x25c: {  	[tilespmem:$0x2C28] =	vst v0  }
0x25d: {  	[tilespmem:$0x2C18] =	vst v0  }
0x25e: {  	[tilespmem:$0x2C08] =	vst v0  }
0x25f: {  	[tilespmem:$0x2BF8] =	vst v0  }
0x260: {  	[tilespmem:$0x2BE8] =	vst v0  }
0x261: {  	[tilespmem:$0x2BD8] =	vst v0  }
0x262: {  	[tilespmem:$0x2BC8] =	vst v0  }
0x263: {  	[tilespmem:$0x2BB8] =	vst v0  }
0x264: {  	[tilespmem:$0x2BA8] =	vst v0  }
0x265: {  	[tilespmem:$0x2B98] =	vst v0  }
0x266: {  	[tilespmem:$0x2B88] =	vst v0  }
0x267: {  	[tilespmem:$0x2B78] =	vst v0  }
0x268: {  	[tilespmem:$0x2B68] =	vst v0  }
0x269: {  	[tilespmem:$0x2B58] =	vst v0  }
0x26a: {  	[tilespmem:$0x2B48] =	vst v0  }
0x26b: {  	[tilespmem:$0x2B38] =	vst v0  }
0x26c: {  	[tilespmem:$0x2B28] =	vst v0  }
0x26d: {  	[tilespmem:$0x2B18] =	vst v0  }
0x26e: {  	[tilespmem:$0x2B08] =	vst v0  }
0x26f: {  	[tilespmem:$0x2AF8] =	vst v0  }
0x270: {  	[tilespmem:$0x2AE8] =	vst v0  }
0x271: {  	[tilespmem:$0x2AD8] =	vst v0  }
0x272: {  	[tilespmem:$0x2AC8] =	vst v0  }
0x273: {  	[tilespmem:$0x2AB8] =	vst v0  }
0x274: {  	[tilespmem:$0x2AA8] =	vst v0  }
0x275: {  	[tilespmem:$0x2A98] =	vst v0  }
0x276: {  	[tilespmem:$0x2A88] =	vst v0  }
0x277: {  	[tilespmem:$0x2A78] =	vst v0  }
0x278: {  	[tilespmem:$0x2A68] =	vst v0  }
0x279: {  	[tilespmem:$0x2A58] =	vst v0  }
0x27a: {  	[tilespmem:$0x2A48] =	vst v0  }
0x27b: {  	[tilespmem:$0x2A38] =	vst v0  }
0x27c: {  	[tilespmem:$0x2A28] =	vst v0  }
0x27d: {  	[tilespmem:$0x2A18] =	vst v0  }
0x27e: {  	[tilespmem:$0x2A08] =	vst v0  }
0x27f: {  	[tilespmem:$0x29F8] =	vst v0  }
0x280: {  	[tilespmem:$0x29E8] =	vst v0  }
0x281: {  	[tilespmem:$0x29D8] =	vst v0  }
0x282: {  	[tilespmem:$0x29C8] =	vst v0  }
0x283: {  	[tilespmem:$0x29B8] =	vst v0  }
0x284: {  	[tilespmem:$0x29A8] =	vst v0  }
0x285: {  	[tilespmem:$0x2998] =	vst v0  }
0x286: {  	[tilespmem:$0x2988] =	vst v0  }
0x287: {  	[tilespmem:$0x2978] =	vst v0  }
0x288: {  	[tilespmem:$0x2968] =	vst v0  }
0x289: {  	[tilespmem:$0x2958] =	vst v0  }
0x28a: {  	[tilespmem:$0x2948] =	vst v0  }
0x28b: {  	[tilespmem:$0x2938] =	vst v0  }
0x28c: {  	[tilespmem:$0x2928] =	vst v0  }
0x28d: {  	[tilespmem:$0x2918] =	vst v0  }
0x28e: {  	[tilespmem:$0x2908] =	vst v0  }
0x28f: {  	[tilespmem:$0x28F8] =	vst v0  }
0x290: {  	[tilespmem:$0x28E8] =	vst v0  }
0x291: {  	[tilespmem:$0x28D8] =	vst v0  }
0x292: {  	[tilespmem:$0x28C8] =	vst v0  }
0x293: {  	[tilespmem:$0x28B8] =	vst v0  }
0x294: {  	[tilespmem:$0x28A8] =	vst v0  }
0x295: {  	[tilespmem:$0x2898] =	vst v0  }
0x296: {  	[tilespmem:$0x2888] =	vst v0  }
0x297: {  	[tilespmem:$0x2878] =	vst v0  }
0x298: {  	[tilespmem:$0x2868] =	vst v0  }
0x299: {  	[tilespmem:$0x2858] =	vst v0  }
0x29a: {  	[tilespmem:$0x2848] =	vst v0  }
0x29b: {  	[tilespmem:$0x2838] =	vst v0  }
0x29c: {  	[tilespmem:$0x2828] =	vst v0  }
0x29d: {  	[tilespmem:$0x2818] =	vst v0  }
0x29e: {  	[tilespmem:$0x2808] =	vst v0  }
0x29f: {  	[tilespmem:$0x27F8] =	vst v0  }
0x2a0: {  	[tilespmem:$0x27E8] =	vst v0  }
0x2a1: {  	[tilespmem:$0x27D8] =	vst v0  }
0x2a2: {  	[tilespmem:$0x27C8] =	vst v0  }
0x2a3: {  	[tilespmem:$0x27B8] =	vst v0  }
0x2a4: {  	[tilespmem:$0x27A8] =	vst v0  }
0x2a5: {  	[tilespmem:$0x2798] =	vst v0  }
0x2a6: {  	[tilespmem:$0x2788] =	vst v0  }
0x2a7: {  	[tilespmem:$0x2778] =	vst v0  }
0x2a8: {  	[tilespmem:$0x2768] =	vst v0  }
0x2a9: {  	[tilespmem:$0x2758] =	vst v0  }
0x2aa: {  	[tilespmem:$0x2748] =	vst v0  }
0x2ab: {  	[tilespmem:$0x2738] =	vst v0  }
0x2ac: {  	[tilespmem:$0x2728] =	vst v0  }
0x2ad: {  	[tilespmem:$0x2718] =	vst v0  }
0x2ae: {  	[tilespmem:$0x2708] =	vst v0  }
0x2af: {  	[tilespmem:$0x26F8] =	vst v0  }
0x2b0: {  	[tilespmem:$0x26E8] =	vst v0  }
0x2b1: {  	[tilespmem:$0x26D8] =	vst v0  }
0x2b2: {  	[tilespmem:$0x26C8] =	vst v0  }
0x2b3: {  	[tilespmem:$0x26B8] =	vst v0  }
0x2b4: {  	[tilespmem:$0x26A8] =	vst v0  }
0x2b5: {  	[tilespmem:$0x2698] =	vst v0  }
0x2b6: {  	[tilespmem:$0x2688] =	vst v0  }
0x2b7: {  	[tilespmem:$0x2678] =	vst v0  }
0x2b8: {  	[tilespmem:$0x2668] =	vst v0  }
0x2b9: {  	[tilespmem:$0x2658] =	vst v0  }
0x2ba: {  	[tilespmem:$0x2648] =	vst v0  }
0x2bb: {  	[tilespmem:$0x2638] =	vst v0  }
0x2bc: {  	[tilespmem:$0x2628] =	vst v0  }
0x2bd: {  	[tilespmem:$0x2618] =	vst v0  }
0x2be: {  	[tilespmem:$0x2608] =	vst v0  }
0x2bf: {  	[tilespmem:$0x25F8] =	vst v0  }
0x2c0: {  	[tilespmem:$0x25E8] =	vst v0  }
0x2c1: {  	[tilespmem:$0x25D8] =	vst v0  }
0x2c2: {  	[tilespmem:$0x25C8] =	vst v0  }
0x2c3: {  	[tilespmem:$0x25B8] =	vst v0  }
0x2c4: {  	[tilespmem:$0x25A8] =	vst v0  }
0x2c5: {  	[tilespmem:$0x2598] =	vst v0  }
0x2c6: {  	[tilespmem:$0x2588] =	vst v0  }
0x2c7: {  	[tilespmem:$0x2578] =	vst v0  }
0x2c8: {  	[tilespmem:$0x2568] =	vst v0  }
0x2c9: {  	[tilespmem:$0x2558] =	vst v0  }
0x2ca: {  	[tilespmem:$0x2548] =	vst v0  }
0x2cb: {  	[tilespmem:$0x2538] =	vst v0  }
0x2cc: {  	[tilespmem:$0x2528] =	vst v0  }
0x2cd: {  	[tilespmem:$0x2518] =	vst v0  }
0x2ce: {  	[tilespmem:$0x2508] =	vst v0  }
0x2cf: {  	[tilespmem:$0x24F8] =	vst v0  }
0x2d0: {  	[tilespmem:$0x24E8] =	vst v0  }
0x2d1: {  	[tilespmem:$0x24D8] =	vst v0  }
0x2d2: {  	[tilespmem:$0x24C8] =	vst v0  }
0x2d3: {  	[tilespmem:$0x24B8] =	vst v0  }
0x2d4: {  	[tilespmem:$0x24A8] =	vst v0  }
0x2d5: {  	[tilespmem:$0x2498] =	vst v0  }
0x2d6: {  	[tilespmem:$0x2488] =	vst v0  }
0x2d7: {  	[tilespmem:$0x2478] =	vst v0  }
0x2d8: {  	[tilespmem:$0x2468] =	vst v0  }
0x2d9: {  	[tilespmem:$0x2458] =	vst v0  }
0x2da: {  	[tilespmem:$0x2448] =	vst v0  }
0x2db: {  	[tilespmem:$0x2438] =	vst v0  }
0x2dc: {  	[tilespmem:$0x2428] =	vst v0  }
0x2dd: {  	[tilespmem:$0x2418] =	vst v0  }
0x2de: {  	[tilespmem:$0x2408] =	vst v0  }
0x2df: {  	[tilespmem:$0x23F8] =	vst v0  }
0x2e0: {  	[tilespmem:$0x23E8] =	vst v0  }
0x2e1: {  	[tilespmem:$0x23D8] =	vst v0  }
0x2e2: {  	[tilespmem:$0x23C8] =	vst v0  }
0x2e3: {  	[tilespmem:$0x23B8] =	vst v0  }
0x2e4: {  	[tilespmem:$0x23A8] =	vst v0  }
0x2e5: {  	[tilespmem:$0x2398] =	vst v0  }
0x2e6: {  	[tilespmem:$0x2388] =	vst v0  }
0x2e7: {  	[tilespmem:$0x2378] =	vst v0  }
0x2e8: {  	[tilespmem:$0x2368] =	vst v0  }
0x2e9: {  	[tilespmem:$0x2358] =	vst v0  }
0x2ea: {  	[tilespmem:$0x2348] =	vst v0  }
0x2eb: {  	[tilespmem:$0x2338] =	vst v0  }
0x2ec: {  	[tilespmem:$0x2328] =	vst v0  }
0x2ed: {  	[tilespmem:$0x2318] =	vst v0  }
0x2ee: {  	[tilespmem:$0x2308] =	vst v0  }
0x2ef: {  	[tilespmem:$0x22F8] =	vst v0  }
0x2f0: {  	[tilespmem:$0x22E8] =	vst v0  }
0x2f1: {  	[tilespmem:$0x22D8] =	vst v0  }
0x2f2: {  	[tilespmem:$0x22C8] =	vst v0  }
0x2f3: {  	[tilespmem:$0x22B8] =	vst v0  }
0x2f4: {  	[tilespmem:$0x22A8] =	vst v0  }
0x2f5: {  	[tilespmem:$0x2298] =	vst v0  }
0x2f6: {  	[tilespmem:$0x2288] =	vst v0  }
0x2f7: {  	[tilespmem:$0x2278] =	vst v0  }
0x2f8: {  	[tilespmem:$0x2268] =	vst v0  }
0x2f9: {  	s3 =	stileid.u32;
	[tilespmem:$0x2258] =	vst v0  }
0x2fa: {  	s0 =	smul.u32 $0x2A, s3;
	[tilespmem:$0x2248] =	vst v0  }
0x2fb: {  	s1 =	smin.u32 s3, $0xA;
	[tilespmem:$0x2238] =	vst v0  }
0x2fc: {  	[tilespmem:$0x2208] =	vst v0;
	s0 =	sadd.s32 s1, s0  }
0x2fd: {  	p0 =	slt.u32 s3, $0xA;
	[tilespmem:$0x2218] =	vst v0;
	s1 =	simm.s32 $0x4080;
	s14 =	smul.u32 $0x180, s0  }
0x2fe: {  	s4 =	simm.s32 $0x2;
	[tilespmem:$0x21F8] =	vst v0;
	s1 =	simm.s32 @!p0 $0x3F00  }
0x2ff: {  	s9 =	simm.s32 $0x9;
	s29 =	simm.s32 $0xA;
	[tilespmem:$0x2188] =	vst v0;
	s0 =	sadd.s32 s1, s14  }
0x300: {  	s30 =	simm.s32 $0xB;
	s19 =	simm.s32 $0x0;
	[tilespmem:$0x21E8] =	vst v0;
	s15 =	smin.u32 s0, $0x3FF00  }
0x301: {  	s20 =	simm.s32 $0x6348;
	s21 =	simm.s32 $0xFFFFFFFF;
	[tilespmem:$0x21D8] =	vst v0;
	s0 =	ssub.s32 s15, s14  }
0x302: {  	p1 =	por $0x0, $0x0;
	s2 =	sand.u32 $0x1, s2;
	[tilespmem:$0x21C8] =	vst v0;
	p0 =	sgt.s32 s0, $0x0  }
0x303: {  	[dreg:$0x5] =	wrdreg s2;
	s2 =	smul.u32 $0x7FE0, s2;
	[tilespmem:$0x21B8] =	vst v0;
	s0 =	simm.s32 @!p0 $0x0  }
0x304: {  	s26 =	simm.s32 $0x0;
	s23 =	simm.s32 $0x0;
	[tilespmem:$0x21A8] =	vst v0;
	s28 =	smulhi.u32 $0x2AAAAAAB, s0  }
0x305: {  	s25 =	simm.s32 $0x0;
	s13 =	sadd.s32 $0x39000, s8;
	s17 =	sshll.u32 s3, $0x6;
	[tilespmem:$0x2198] =	vst v0  }
0x306: {  	[tilespmem:$0x2168] =	vst v0;
	[sflag:s4] =	ssyncpa.u1 $0x0;
	s31 =	sadd.s32 s2, s7;
	s1 =	sshrl.u32 s28, $0x6  }
0x307: {  	s6 =	sadd.s32 s2, s8;
	[dreg:$0xa] =	wrdreg s31;
	s5 =	smul.u32 $0x180, s1  }
0x308: {  	s4 =	sadd.s32 $0x35000, s8;
	s18 =	sadd.s32 $0x14000, s6;
	[dreg:$0x6] =	wrdreg s14  }
.Ltmp0:
0x309: {  	v0 =	vimm.s32 $0xFFFFFFFF;
	p0 =	sne.s32 s0, s5;
	s0 =	simm.s32 $0x1;
	(pc) =	sbr.rel .LBB2_1-.Ltmp0, $4  }
0x30a: {  	[tilespmem:$0x6088] =	vst v0;
	[sflag:s9] =	ssyncpa.u1 $0x0;
	[dreg:$0x9] =	wrdreg s18;
	s0 =	simm.s32 @!p0 $0x0  }
0x30b: {  	[sflag:s29] =	ssyncpa.u1 $0x0;
	[dreg:$0x7] =	wrdreg s15;
	s16 =	sadd.s32 s0, s1  }
0x30c: {  	[sflag:s30] =	ssyncpa.u1 $0x0;
	s22 =	sadd.s32 $0x1, s16;
	[dreg:$0x8] =	wrdreg s16  }
0x30d: {  	v0 =	vlaneseq.u32;
	s24 =	smov.u32 s14;
	p0 =	por $0x1, $0x1;
	[dreg:$0xb] =	wrdreg s22  }
.LBB2_20:
0x30e: {  	s0 =	sshrl.u32 s5, $0x2  }
.LBB2_22:
0x30f: {  	s3 =	simm.s32 $0xC  }
0x310: {  	_ =	swait.ge [sflag:s3], s0  }
0x311: {  	s31 =	ssub.s32 $0x0, s0;
	v1 =	vmov s1;
	vm0 =	veq.s32 v0, $0x0;
	[sflag:s3] =	ssyncset.done $0x0  }
0x312: {  	vm15 =	veq.s32 v0, $0x2;
	v1 =	vsel vm0, s2, v1;
	[sflag:s3] =	ssyncadd.s32 s31  }
0x313: {  	v1 =	vsel vm15, s26, v1;
	[sflag:s3] =	ssyncpa.u1 $0x1  }
0x314: {  	[tilespmem:$0x6088] =	vst v1  }
.LBB2_23:
0x315: {  	s0 =	sadd.s32 $0x180, s24  }
0x316: {  	s1 =	smov.u32 s14;
	p2 =	slt.s32 s0, s15  }
0x317: {  	s1 =	smov.u32 @p2 s0;
	p2 =	sne.s32 s25, s22  }
.Ltmp1:
0x318: {  	_ = 	snop;
	(pc) =	sbr.rel @!p2 .LBB2_24-.Ltmp1, $4  }
0x319: {  	_ = 	snop  }
0x31a: {  	s26 =	smov.u32 s23;
	s31 =	sadd.s32 $0x1, s25;
	p0 =	por !p0, !p0  }
0x31b: {  	s23 =	smov.u32 s24;
	s20 =	sadd.s32 $0x180, s20;
	s21 =	sadd.s32 $0x1, s21  }
0x31c: {  	p1 =	por !p1, !p1;
	s25 =	smov.u32 s31;
	s24 =	smov.u32 s1  }
.LBB2_1:
0x31d: {  	p2 =	sge.u32 s25, s16  }
0x31e: {  	s0 =	smulhi.u32 @!p2 $0xAAAAAAAB, s25  }
0x31f: {  	s1 =	smov.u32 s24;
	p3 =	sgt.s32 @!p2 s24, $0x3FD80  }
0x320: {  	s2 =	sshra.s32 @!p2 s24, $0x1F;
	p3 =	por !p3, p2;
	s0 =	sshrl.u32 @!p2 s0, $0x1  }
0x321: {  	s2 =	sand.u32 @!p2 s2, s24;
	s1 =	simm.s32 @p3 $0x3FD80;
	s0 =	smul.u32 @!p2 $0x3, s0  }
0x322: {  	s1 =	ssub.s32 @!p2 s1, s2  }
0x323: {  	s1 =	sadd.s32 @!p2 $0xFFFC0280, s1;
	s0 =	ssub.s32 @!p2 s25, s0  }
0x324: {  	s2 =	sshll.u32 @!p2 s1, $0x2;
	p3 =	sgt.s32 @!p2 s1, $0x17F;
	s0 =	smul.u32 @!p2 $0x600, s0  }
0x325: {  	s5 =	sand.u32 @!p2 $0x7, s24;
	s1 =	ssub.s32 @!p2 $0x600, s2;
	p3 =	por !p3, p2  }
0x326: {  	s2 =	sshrl.u32 @!p2 s24, $0x3;
	s1 =	sshrl.u32 @!p2 s1, $0x2;
	s0 =	sshrl.u32 @!p2 s0, $0x2  }
0x327: {  	s2 =	sadd.s32 @!p2 s2, s18;
	s1 =	simm.s32 @!p3 $0x0;
	s0 =	sadd.s32 @!p2 $0x64C8, s0  }
0x328: {  	[tilespmem:s0], [sflag:$0xA] =	stream.linear.gather @!p2 [hbm4b:s2+s5], s1, $0x38;
	[tilespmem:$0x1EC48] =	vst v63  }
0x329: {  	s0 =	sadd.s32 $0xFFFFFFFF, s25  }
0x32a: {  	p2 =	sge.u32 s0, s16  }
.Ltmp2:
0x32b: {  	_ = 	snop;
	(pc) =	sbr.rel @p2 .LBB2_5-.Ltmp2, $1  }
0x32c: {  	_ =	sdelay $0x3  }
0x32d: {  	p2 =	sgt.s32 s23, $0x3FD80;
	s1 =	smov.u32 s23;
	s2 =	sshra.s32 s23, $0x1F  }
0x32e: {  	s1 =	simm.s32 @!p2 $0x3FD80;
	s2 =	sand.u32 s2, s23  }
0x32f: {  	s14 =	smulhi.u32 $0xAAAAAAAB, s21;
	s1 =	ssub.s32 s1, s2  }
0x330: {  	s0 =	sand.u32 $0x1, s0;
	s1 =	sadd.s32 $0xFFFC0280, s1  }
0x331: {  	s3 =	simm.s32 $0xA;
	s2 =	sshrl.u32 s14, $0x1;
	s5 =	sshll.u32 s1, $0x2  }
0x332: {  	s18 =	sshrl.u32 s23, $0x3;
	s2 =	smul.u32 $0xFFFFEE00, s2;
	s5 =	ssub.s32 $0x600, s5  }
0x333: {  	s15 =	smul.u32 $0x600, s0;
	p2 =	sgt.s32 s1, $0x17F;
	s1 =	sshrl.u32 s5, $0x2  }
0x334: {  	s6 =	sand.u32 $0x7, s23;
	s2 =	sshra.s32 s2, $0x2;
	s1 =	simm.s32 @p2 $0x0  }
0x335: {  	s0 =	sadd.s32 s2, s20;
	s5 =	sshrl.u32 s15, $0x2;
	_ =	swait.ge [sflag:s3], s1  }
0x336: {  	s16 =	ssub.s32 $0x0, s1;
	[sflag:s3] =	ssyncset.done $0x0;
	s22 =	rddreg [dreg:$0xa]  }
0x337: {  	s5 =	sadd.s32 $0x6948, s5;
	[sflag:s3] =	ssyncadd.s32 s16;
	s2 =	sadd.s32 s18, s22  }
0x338: {  	[tilespmem:s5], [sflag:$0xB] =	stream.linear.gather [hbm4b:s2+s6], s1, $0x38;
	[tilespmem:$0x1EC48] =	vst v63  }
0x339: {  	v1 =	vld.msk [tilespmem:s0+$0x0], $0xffff;
	_ =	sdelay $0x4  }
0x33a: {  	v1 =	vshll.u32 v1, $0x4  }
0x33b: {  	(v2sf) =	vpush v1, $0x0;
	_ =	sdelay $0x1  }
0x33c: {  	(v2sf) =	vpush v1, $0x1  }
0x33d: {  	(v2sf) =	vpush v1, $0x2;
	_ =	sdelay $0x1  }
0x33e: {  	(v2sf) =	vpush v1, $0x3;
	_ =	sdelay $0x2  }
0x33f: {  	(v2sf) =	vpush v1, $0x4  }
0x340: {  	s1 =	simm.s32 $0x1  }
0x341: {  	s1 =	simm.s32 @!p0 $0x0;
	(v2sf) =	vpush v1, $0x5  }
0x342: {  	s1 =	smul.u32 $0x30000, s1  }
0x343: {  	(v2sf) =	vpush v1, $0x6  }
0x344: {  	s1 =	sshrl.u32 s1, $0x2  }
0x345: {  	s28 =	sadd.s32 $0x73C8, s1  }
0x346: {  	s7 =	sadd.s32 $0xFFFFF880, s28;
	s11 =	sadd.s32 $0xFFFFF900, s28;
	s5 =	spop (v2sf)  }
0x347: {  	s12 =	sadd.s32 $0xFFFFF980, s28;
	s18 =	sadd.s32 $0xFFFFFA00, s28;
	(v2sf) =	vpush v1, $0x7;
	s6 =	sand.u32 $0x1FFFFFF0, s5  }
0x348: {  	s22 =	sadd.s32 $0xFFFFFA80, s28;
	s8 =	spop (v2sf);
	s1 =	sadd.s32 s13, s6  }
0x349: {  	(v2sf) =	vpush v1, $0x8;
	s9 =	sand.u32 $0x1FFFFFF0, s8;
	s10 =	spop (v2sf);
	s8 =	sadd.s32 $0xFFFFFB00, s28  }
0x34a: {  	(v2sf) =	vpush v1, $0x9;
	[tilespmem:s7], [sflag:$0x9] =	stream.linear.gather [hbm4b:s1+s19], $0x20, $0x38;
	[tilespmem:$0x1EC48] =	vst v63  }
0x34b: {  	s1 =	sadd.s32 s13, s9;
	s2 =	sand.u32 $0x1FFFFFF0, s10;
	s14 =	spop (v2sf)  }
0x34c: {  	(v2sf) =	vpush v1, $0xA;
	s9 =	sadd.s32 $0xFFFFFB80, s28;
	s2 =	sadd.s32 s13, s2;
	s15 =	sand.u32 $0x1FFFFFF0, s14  }
0x34d: {  	[tilespmem:s11], [sflag:$0x9] =	stream.linear.gather [hbm4b:s1+s19], $0x20, $0x38;
	[tilespmem:$0x1EC48] =	vst v63  }
0x34e: {  	s16 =	spop (v2sf);
	(v2sf) =	vpush v1, $0xB;
	s14 =	sadd.s32 $0xFFFFFC00, s28;
	s1 =	sadd.s32 s13, s15  }
0x34f: {  	[tilespmem:s12], [sflag:$0x9] =	stream.linear.gather [hbm4b:s2+s19], $0x20, $0x38;
	[tilespmem:$0x1EC48] =	vst v63  }
0x350: {  	s3 =	spop (v2sf);
	(v2sf) =	vpush v1, $0xC;
	s15 =	sadd.s32 $0xFFFFFC80, s28;
	s2 =	sand.u32 $0x1FFFFFF0, s16  }
0x351: {  	[tilespmem:s18], [sflag:$0x9] =	stream.linear.gather [hbm4b:s1+s19], $0x20, $0x38;
	[tilespmem:$0x1EC48] =	vst v63  }
0x352: {  	s6 =	sand.u32 $0x1FFFFFF0, s3;
	s7 =	spop (v2sf);
	(v2sf) =	vpush v1, $0xD;
	s2 =	sadd.s32 s13, s2  }
0x353: {  	[tilespmem:s22], [sflag:$0x9] =	stream.linear.gather [hbm4b:s2+s19], $0x20, $0x38;
	[tilespmem:$0x1EC48] =	vst v63  }
0x354: {  	s3 =	sadd.s32 $0xFFFFFD00, s28;
	s1 =	sadd.s32 s13, s6;
	s2 =	sand.u32 $0x1FFFFFF0, s7  }
0x355: {  	[tilespmem:s8], [sflag:$0x9] =	stream.linear.gather [hbm4b:s1+s19], $0x20, $0x38;
	[tilespmem:$0x1EC48] =	vst v63  }
0x356: {  	s6 =	sadd.s32 $0xFFFFFD80, s28;
	s2 =	sadd.s32 s13, s2;
	s10 =	spop (v2sf);
	(v2sf) =	vpush v1, $0xE  }
0x357: {  	[tilespmem:s9], [sflag:$0x9] =	stream.linear.gather [hbm4b:s2+s19], $0x20, $0x38;
	[tilespmem:$0x1EC48] =	vst v63  }
0x358: {  	s11 =	sand.u32 $0x1FFFFFF0, s10;
	s12 =	spop (v2sf);
	(v2sf) =	vpush v1, $0xF;
	s10 =	sadd.s32 $0xFFFFFE00, s28  }
0x359: {  	s1 =	sadd.s32 s13, s11;
	s2 =	sand.u32 $0x1FFFFFF0, s12;
	s16 =	spop (v2sf)  }
0x35a: {  	[tilespmem:s14], [sflag:$0x9] =	stream.linear.gather [hbm4b:s1+s19], $0x20, $0x38;
	[tilespmem:$0x1EC48] =	vst v63  }
0x35b: {  	s2 =	sadd.s32 s13, s2;
	s18 =	sand.u32 $0x1FFFFFF0, s16;
	s22 =	spop (v2sf)  }
0x35c: {  	[tilespmem:s15], [sflag:$0x9] =	stream.linear.gather [hbm4b:s2+s19], $0x20, $0x38;
	[tilespmem:$0x1EC48] =	vst v63  }
0x35d: {  	s1 =	sadd.s32 s13, s18;
	s7 =	spop (v2sf);
	s2 =	sand.u32 $0x1FFFFFF0, s22  }
0x35e: {  	[tilespmem:s3], [sflag:$0x9] =	stream.linear.gather [hbm4b:s1+s19], $0x20, $0x38;
	[tilespmem:$0x1EC48] =	vst v63  }
0x35f: {  	s8 =	sand.u32 $0x1FFFFFF0, s7;
	s9 =	spop (v2sf);
	s2 =	sadd.s32 s13, s2  }
0x360: {  	[tilespmem:s6], [sflag:$0x9] =	stream.linear.gather [hbm4b:s2+s19], $0x20, $0x38;
	[tilespmem:$0x1EC48] =	vst v63  }
0x361: {  	s12 =	spop (v2sf);
	s1 =	sadd.s32 s13, s8;
	s2 =	sand.u32 $0x1FFFFFF0, s9  }
0x362: {  	[tilespmem:s10], [sflag:$0x9] =	stream.linear.gather [hbm4b:s1+s19], $0x20, $0x38;
	[tilespmem:$0x1EC48] =	vst v63  }
0x363: {  	s11 =	sadd.s32 $0xFFFFFE80, s28;
	s14 =	sand.u32 $0x1FFFFFF0, s12;
	s2 =	sadd.s32 s13, s2  }
0x364: {  	[tilespmem:s11], [sflag:$0x9] =	stream.linear.gather [hbm4b:s2+s19], $0x20, $0x38;
	[tilespmem:$0x1EC48] =	vst v63  }
0x365: {  	s16 =	sadd.s32 $0xFFFFFF00, s28;
	s1 =	sadd.s32 s13, s14;
	s15 =	spop (v2sf)  }
0x366: {  	[tilespmem:s16], [sflag:$0x9] =	stream.linear.gather [hbm4b:s1+s19], $0x20, $0x38;
	[tilespmem:$0x1EC48] =	vst v63  }
0x367: {  	s29 =	simm.s32 $0x0;
	s2 =	sand.u32 $0x1FFFFFF0, s15;
	s18 =	spop (v2sf)  }
0x368: {  	s22 =	sadd.s32 $0xFFFFFF80, s28;
	s2 =	sadd.s32 s13, s2;
	s1 =	sand.u32 $0x1FFFFFF0, s18  }
0x369: {  	[tilespmem:s22], [sflag:$0x9] =	stream.linear.gather [hbm4b:s2+s19], $0x20, $0x38;
	[tilespmem:$0x1EC48] =	vst v63  }
0x36a: {  	s31 =	sadd.s32 $0x10, s0;
	s30 =	sadd.s32 $0x800, s28;
	s1 =	sadd.s32 s13, s1  }
.LBB2_3:
0x36b: {  	[tilespmem:s28], [sflag:$0x9] =	stream.linear.gather [hbm4b:s1+s19], $0x20, $0x38;
	[tilespmem:$0x1EC48] =	vst v63  }
0x36c: {  	s29 =	sadd.s32 $0x10, s29;
	s28 =	smov.u32 s30  }
0x36d: {  	p2 =	slt.u32 s29, $0x170;
	v1 =	vld.msk [tilespmem:s31+$0x0], $0xffff;
	_ =	sdelay $0x4  }
0x36e: {  	v1 =	vshll.u32 v1, $0x4  }
0x36f: {  	(v2sf) =	vpush v1, $0x0  }
0x370: {  	(v2sf) =	vpush v1, $0x1  }
0x371: {  	(v2sf) =	vpush v1, $0x2;
	_ =	sdelay $0x1  }
0x372: {  	(v2sf) =	vpush v1, $0x3;
	_ =	sdelay $0x1  }
0x373: {  	(v2sf) =	vpush v1, $0x4;
	_ =	sdelay $0x1  }
0x374: {  	(v2sf) =	vpush v1, $0x5;
	_ =	sdelay $0x1  }
0x375: {  	(v2sf) =	vpush v1, $0x6  }
0x376: {  	s1 =	sadd.s32 $0xFFFFFE80, s30;
	s0 =	sadd.s32 $0xFFFFFF00, s30  }
0x377: {  	s5 =	sadd.s32 $0xFFFFFD00, s30;
	s6 =	sadd.s32 $0xFFFFFD80, s30;
	s2 =	sadd.s32 $0xFFFFFE00, s30;
	(v2sf) =	vpush v1, $0x7  }
0x378: {  	s12 =	sadd.s32 $0xFFFFFB80, s30;
	s11 =	sadd.s32 $0xFFFFFC00, s30;
	s7 =	sadd.s32 $0xFFFFFC80, s30  }
0x379: {  	s8 =	sadd.s32 $0xFFFFFA00, s30;
	s14 =	sadd.s32 $0xFFFFFA80, s30;
	s16 =	sadd.s32 $0xFFFFFB00, s30;
	(v2sf) =	vpush v1, $0x8  }
0x37a: {  	s18 =	sadd.s32 $0xFFFFF900, s30;
	s9 =	sadd.s32 $0xFFFFF980, s30;
	s22 =	spop (v2sf)  }
0x37b: {  	s3 =	sadd.s32 $0xFFFFF880, s30;
	s22 =	sand.u32 $0x1FFFFFF0, s22;
	s10 =	spop (v2sf);
	(v2sf) =	vpush v1, $0x9  }
0x37c: {  	s22 =	sadd.s32 s13, s22;
	s10 =	sand.u32 $0x1FFFFFF0, s10;
	s15 =	spop (v2sf)  }
0x37d: {  	[tilespmem:s3], [sflag:$0x9] =	stream.linear.gather [hbm4b:s22+s19], $0x20, $0x38;
	(v2sf) =	vpush v1, $0xA;
	[tilespmem:$0x1EC48] =	vst v63  }
0x37e: {  	s3 =	sadd.s32 s13, s10;
	s10 =	sand.u32 $0x1FFFFFF0, s15;
	s15 =	spop (v2sf)  }
0x37f: {  	[tilespmem:s18], [sflag:$0x9] =	stream.linear.gather [hbm4b:s3+s19], $0x20, $0x38;
	(v2sf) =	vpush v1, $0xB;
	[tilespmem:$0x1EC48] =	vst v63  }
0x380: {  	s3 =	sadd.s32 s13, s10;
	s10 =	sand.u32 $0x1FFFFFF0, s15;
	s15 =	spop (v2sf)  }
0x381: {  	[tilespmem:s9], [sflag:$0x9] =	stream.linear.gather [hbm4b:s3+s19], $0x20, $0x38;
	(v2sf) =	vpush v1, $0xC;
	[tilespmem:$0x1EC48] =	vst v63  }
0x382: {  	s3 =	sadd.s32 s13, s10;
	s9 =	sand.u32 $0x1FFFFFF0, s15;
	s10 =	spop (v2sf)  }
0x383: {  	[tilespmem:s8], [sflag:$0x9] =	stream.linear.gather [hbm4b:s3+s19], $0x20, $0x38;
	(v2sf) =	vpush v1, $0xD;
	[tilespmem:$0x1EC48] =	vst v63  }
0x384: {  	s3 =	sadd.s32 s13, s9;
	s8 =	sand.u32 $0x1FFFFFF0, s10;
	s9 =	spop (v2sf)  }
0x385: {  	[tilespmem:s14], [sflag:$0x9] =	stream.linear.gather [hbm4b:s3+s19], $0x20, $0x38;
	(v2sf) =	vpush v1, $0xE;
	[tilespmem:$0x1EC48] =	vst v63  }
0x386: {  	s3 =	sadd.s32 s13, s8;
	s8 =	sand.u32 $0x1FFFFFF0, s9;
	s9 =	spop (v2sf)  }
0x387: {  	[tilespmem:s16], [sflag:$0x9] =	stream.linear.gather [hbm4b:s3+s19], $0x20, $0x38;
	(v2sf) =	vpush v1, $0xF;
	[tilespmem:$0x1EC48] =	vst v63  }
0x388: {  	s3 =	sadd.s32 s13, s8;
	s8 =	sand.u32 $0x1FFFFFF0, s9;
	s9 =	spop (v2sf)  }
0x389: {  	[tilespmem:s12], [sflag:$0x9] =	stream.linear.gather [hbm4b:s3+s19], $0x20, $0x38;
	[tilespmem:$0x1EC48] =	vst v63  }
0x38a: {  	s3 =	sadd.s32 s13, s8;
	s8 =	sand.u32 $0x1FFFFFF0, s9;
	s9 =	spop (v2sf)  }
0x38b: {  	[tilespmem:s11], [sflag:$0x9] =	stream.linear.gather [hbm4b:s3+s19], $0x20, $0x38;
	[tilespmem:$0x1EC48] =	vst v63  }
0x38c: {  	s3 =	sadd.s32 s13, s8;
	s8 =	sand.u32 $0x1FFFFFF0, s9;
	s9 =	spop (v2sf)  }
0x38d: {  	[tilespmem:s7], [sflag:$0x9] =	stream.linear.gather [hbm4b:s3+s19], $0x20, $0x38;
	[tilespmem:$0x1EC48] =	vst v63  }
0x38e: {  	s3 =	sadd.s32 s13, s8;
	s7 =	sand.u32 $0x1FFFFFF0, s9;
	s8 =	spop (v2sf)  }
0x38f: {  	[tilespmem:s5], [sflag:$0x9] =	stream.linear.gather [hbm4b:s3+s19], $0x20, $0x38;
	[tilespmem:$0x1EC48] =	vst v63  }
0x390: {  	s3 =	sadd.s32 s13, s7;
	s5 =	sand.u32 $0x1FFFFFF0, s8;
	s7 =	spop (v2sf)  }
0x391: {  	[tilespmem:s6], [sflag:$0x9] =	stream.linear.gather [hbm4b:s3+s19], $0x20, $0x38;
	[tilespmem:$0x1EC48] =	vst v63  }
0x392: {  	s3 =	sadd.s32 s13, s5;
	s5 =	sand.u32 $0x1FFFFFF0, s7;
	s6 =	spop (v2sf)  }
0x393: {  	[tilespmem:s2], [sflag:$0x9] =	stream.linear.gather [hbm4b:s3+s19], $0x20, $0x38;
	[tilespmem:$0x1EC48] =	vst v63  }
0x394: {  	s2 =	sadd.s32 s13, s5;
	s3 =	sand.u32 $0x1FFFFFF0, s6;
	s5 =	spop (v2sf)  }
0x395: {  	[tilespmem:s1], [sflag:$0x9] =	stream.linear.gather [hbm4b:s2+s19], $0x20, $0x38;
	[tilespmem:$0x1EC48] =	vst v63  }
0x396: {  	s1 =	sadd.s32 s13, s3  }
.Ltmp3:
0x397: {  	s2 =	sand.u32 $0x1FFFFFF0, s5;
	s3 =	spop (v2sf);
	(pc) =	sbr.rel @p2 .LBB2_3-.Ltmp3, $4  }
0x398: {  	[tilespmem:s0], [sflag:$0x9] =	stream.linear.gather [hbm4b:s1+s19], $0x20, $0x38;
	[tilespmem:$0x1EC48] =	vst v63  }
0x399: {  	s0 =	sadd.s32 s13, s2;
	s1 =	sadd.s32 $0xFFFFFF80, s30;
	s2 =	sand.u32 $0x1FFFFFF0, s3  }
0x39a: {  	[tilespmem:s1], [sflag:$0x9] =	stream.linear.gather [hbm4b:s0+s19], $0x20, $0x38;
	[tilespmem:$0x1EC48] =	vst v63  }
0x39b: {  	s31 =	sadd.s32 $0x10, s31;
	s30 =	sadd.s32 $0x800, s30;
	s1 =	sadd.s32 s13, s2  }
0x39c: {  	[tilespmem:s28], [sflag:$0x9] =	stream.linear.gather [hbm4b:s1+s19], $0x20, $0x38;
	[tilespmem:$0x1EC48] =	vst v63  }
0x39d: {  	s14 =	rddreg [dreg:$0x6]  }
0x39e: {  	s15 =	rddreg [dreg:$0x7]  }
0x39f: {  	s16 =	rddreg [dreg:$0x8]  }
0x3a0: {  	s18 =	rddreg [dreg:$0x9]  }
0x3a1: {  	s10 =	simm.s32 $0x1;
	s22 =	rddreg [dreg:$0xb]  }
.LBB2_5:
0x3a2: {  	p2 =	slt.u32 s25, $0x2  }
.Ltmp4:
0x3a3: {  	_ = 	snop;
	(pc) =	sbr.rel @p2 .LBB2_23-.Ltmp4, $1  }
0x3a4: {  	_ =	sdelay $0x3  }
0x3a5: {  	p2 =	sgt.s32 s26, $0x3FD80;
	s0 =	smov.u32 s26;
	s1 =	sshra.s32 s26, $0x1F  }
0x3a6: {  	s0 =	simm.s32 @!p2 $0x3FD80;
	s1 =	sand.u32 s1, s26  }
0x3a7: {  	s0 =	ssub.s32 s0, s1  }
0x3a8: {  	s0 =	sadd.s32 $0xFFFC0280, s0  }
0x3a9: {  	s2 =	simm.s32 $0x9;
	s29 =	sshll.u32 s0, $0x2  }
0x3aa: {  	_ =	swait.ge [sflag:s2], $0x3000;
	s1 =	ssub.s32 $0x600, s29  }
0x3ab: {  	[sflag:s2] =	ssyncset.done $0x0;
	p2 =	sgt.s32 s0, $0x17F;
	s0 =	sshrl.u32 s1, $0x2  }
0x3ac: {  	s30 =	simm.s32 $0xB;
	[sflag:s2] =	ssyncadd.s32 $0xFFFFD000;
	s0 =	simm.s32 @p2 $0x0  }
0x3ad: {  	_ =	swait.ge [sflag:s30], s0  }
0x3ae: {  	s0 =	ssub.s32 $0x0, s0;
	[sflag:s30] =	ssyncset.done $0x0  }
0x3af: {  	[sflag:s30] =	ssyncadd.s32 s0  }
0x3b0: {  	v1 =	vld [tilespmem:$0x6088];
	_ =	sdelay $0x4  }
0x3b1: {  	(v2sf) =	vpush v1, $0x0  }
0x3b2: {  	(v2sf) =	vpush v1, $0x1  }
0x3b3: {  	(v2sf) =	vpush v1, $0x2;
	_ =	sdelay $0x3  }
0x3b4: {  	s0 =	sadd.s32 $0x180, s26  }
0x3b5: {  	s1 =	ssub.s32 $0x7FE00, s26;
	p2 =	slt.s32 s15, s0  }
0x3b6: {  	s0 =	smov.u32 @p2 s15;
	p2 =	sgt.s32 s1, $0x0  }
0x3b7: {  	s0 =	ssub.s32 s0, s26;
	s1 =	simm.s32 @!p2 $0x0  }
0x3b8: {  	p2 =	slt.s32 s1, s0  }
0x3b9: {  	s0 =	smov.u32 @p2 s1  }
0x3ba: {  	s2 =	simm.s32 $0x1;
	p2 =	slt.s32 s0, $0x1  }
.Ltmp5:
0x3bb: {  	s2 =	simm.s32 @!p1 $0x0;
	(pc) =	sbr.rel @p2 .LBB2_10-.Ltmp5, $4  }
0x3bc: {  	s3 =	smul.u32 $0x600, s2  }
0x3bd: {  	s5 =	spop (v2sf)  }
0x3be: {  	s31 =	sshrl.u32 s3, $0x2;
	s6 =	spop (v2sf)  }
0x3bf: {  	s28 =	sadd.s32 $0x6948, s31;
	s26 =	spop (v2sf)  }
0x3c0: {  	s1 =	smin.u32 s0, $0x10  }
0x3c1: {  	v1 =	vmov s1  }
0x3c2: {  	p3 =	sgt.s32 s0, $0x10;
	vm1 =	vgt.u32 v1, v0  }
.Ltmp6:
0x3c3: {  	_ = 	snop;
	(pc) =	sbr.rel @!p3 .LBB2_9-.Ltmp6, $2  }
0x3c4: {  	_ =	sdelay $0x2  }
0x3c5: {  	s7 =	simm.s32 $0x10;
	s11 =	sadd.s32 $0xFFFFFFF0, s0;
	s1 =	smov.u32 s28;
	vm0 =	vmmov vm1  }
.LBB2_8:
0x3c6: {  	s3 =	smin.u32 s11, $0x10;
	s7 =	sadd.s32 $0x10, s7;
	v1 =	vld.msk [tilespmem:s1+$0x0 ss:$0x1], vm1  }
0x3c7: {  	v2 =	vmov s3;
	p3 =	slt.s32 s7, s0  }
0x3c8: {  	vm1 =	vgt.u32 v2, v0  }
.Ltmp7:
0x3c9: {  	(pc) =	sbr.rel @p3 .LBB2_8-.Ltmp7, $3  }
0x3ca: {  	_ =	sdelay $0x1  }
0x3cb: {  	v1 =	vshll.u32 v1, $0x4  }
0x3cc: {  	s11 =	sadd.s32 $0xFFFFFFF0, s11;
	[tilespmem:s1+$0x0] =	vst.msk vm0, v1;
	s1 =	sadd.s32 $0x10, s1;
	vm0 =	vmmov vm1  }
.LBB2_9:
0x3cd: {  	_ =	sdelay $0x4  }
0x3ce: {  	v1 =	vld.msk [tilespmem:s1+$0x0 ss:$0x1], vm1;
	_ =	sdelay $0x4  }
0x3cf: {  	v1 =	vshll.u32 v1, $0x4  }
0x3d0: {  	[tilespmem:s1+$0x0] =	vst.msk vm0, v1  }
.LBB2_10:
0x3d1: {  	s1 =	sand.u32 $0x1, s25  }
0x3d2: {  	s1 =	smul.u32 $0x180, s1  }
0x3d3: {  	p3 =	sne.s32 s6, $0xFFFFFFFF  }
0x3d4: {  	v1 =	vld.msk @!p3 [tilespmem:s1+$0x6948], $0x1;
	_ =	sdelay $0x4  }
0x3d5: {  	(v2sf) =	vpush @!p3 v1, $0x0;
	_ =	sdelay $0xc  }
.Ltmp8:
0x3d6: {  	_ = 	snop;
	(pc) =	sbr.rel @p2 .LBB2_21-.Ltmp8, $4  }
0x3d7: {  	_ = 	snop  }
0x3d8: {  	s29 =	spop @!p3 (v2sf)  }
0x3d9: {  	s3 =	simm.s32 $0xC;
	s26 =	simm.s32 @!p3 $0x0;
	s1 =	smov.u32 s29  }
0x3da: {  	[sflag:s3] =	ssyncpa.u1 $0x0;
	s29 =	smov.u32 @p3 s5;
	s1 =	smov.u32 @p3 s6  }
0x3db: {  	v1 =	vld.msk [tilespmem:s28+$0x0], $0x1;
	_ =	sdelay $0x4  }
0x3dc: {  	(v2sf) =	vpush v1, $0x0;
	_ =	sdelay $0xe  }
0x3dd: {  	s2 =	smul.u32 $0x30000, s2;
	s6 =	spop (v2sf)  }
0x3de: {  	s31 =	ssub.s32 $0x0, s0;
	p2 =	seq.s32 s29, s6  }
0x3df: {  	s3 =	smov.u32 s29;
	s2 =	sshrl.u32 s2, $0x2;
	p3 =	sgt.s32 @!p2 s29, $0x0  }
0x3e0: {  	s30 =	sadd.s32 $0x6C58, s2;
	s2 =	sadd.s32 $0x1, s31;
	p3 =	por !p3, p2  }
0x3e1: {  	s3 =	simm.s32 @p3 $0x0;
	p3 =	seq.s32 s2, $0x0  }
.Ltmp9:
0x3e2: {  	_ = 	snop;
	(pc) =	sbr.rel @p3 .LBB2_13-.Ltmp9, $4  }
0x3e3: {  	_ = 	snop  }
0x3e4: {  	s0 =	simm.s32 $0x0;
	s7 =	simm.s32 @!p2 $0x1;
	s3 =	smin.u32 @!p2 s3, $0x3FFC  }
0x3e5: {  	s11 =	simm.s32 @!p2 $0x3068;
	s7 =	smov.u32 @p2 s0;
	s5 =	sand.u32 @!p2 $0x3FF8, s3  }
0x3e6: {  	s12 =	sand.u32 @!p2 $0x7, s3;
	s8 =	sadd.s32 @!p2 s4, s5;
	s5 =	sadd.s32 $0x1, s28  }
.LBB2_12:
0x3e7: {  	s3 =	smov.u32 s7  }
0x3e8: {  	[tilespmem:s11], [sflag:$0x2] =	stream.linear.gather @!p2 [hbm4b:s8+s12], $0x20, $0x38;
	[tilespmem:$0x1EC48] =	vst v63  }
0x3e9: {  	s2 =	sadd.s32 $0x1, s2;
	s8 =	smov.u32 s6;
	v1 =	vld.msk [tilespmem:s5+$0x0], $0x1  }
0x3ea: {  	p3 =	seq.s32 s2, $0x0;
	_ =	sdelay $0x3  }
0x3eb: {  	(v2sf) =	vpush v1, $0x0;
	_ =	sdelay $0xe  }
0x3ec: {  	s6 =	spop (v2sf)  }
0x3ed: {  	p2 =	seq.s32 s8, s6  }
0x3ee: {  	p4 =	sgt.s32 @!p2 s8, $0x0;
	s9 =	sshll.u32 @!p2 s7, $0x7;
	s7 =	sadd.s32 @!p2 $0x1, s7  }
.Ltmp10:
0x3ef: {  	p4 =	por !p4, p2;
	s9 =	sshra.s32 @!p2 s9, $0x2;
	(pc) =	sbr.rel @!p3 .LBB2_12-.Ltmp10, $4  }
0x3f0: {  	s7 =	smov.u32 @p2 s3;
	s8 =	simm.s32 @p4 $0x0;
	s11 =	sadd.s32 @!p2 $0x3068, s9  }
0x3f1: {  	s3 =	smin.u32 @!p2 s8, $0x3FFC  }
0x3f2: {  	s8 =	sand.u32 @!p2 $0x3FF8, s3;
	s12 =	sand.u32 @!p2 $0x7, s3  }
0x3f3: {  	s5 =	sadd.s32 $0x1, s5;
	s8 =	sadd.s32 @!p2 s4, s8  }
.LBB2_13:
0x3f4: {  	[tilespmem:s11], [sflag:$0x2] =	stream.linear.gather @!p2 [hbm4b:s8+s12], $0x20, $0x38;
	[tilespmem:$0x1EC48] =	vst v63  }
.Ltmp11:
0x3f5: {  	s2 =	sshll.u32 s7, $0x5;
	(pc) =	sbr.rel .LBB2_14-.Ltmp11, $4  }
0x3f6: {  	s3 =	simm.s32 $0x2;
	s2 =	sand.u32 $0x3FFFFFE0, s2  }
0x3f7: {  	_ =	swait.ge [sflag:s3], s2  }
0x3f8: {  	s2 =	ssub.s32 $0x0, s2;
	[sflag:s3] =	ssyncset.done $0x0  }
0x3f9: {  	s5 =	simm.s32 $0x0;
	[sflag:s3] =	ssyncadd.s32 s2  }
.LBB2_15:
0x3fa: {  	v1 =	vld [tilespmem:s30+$0xFFFFFFF0];
	_ =	sdelay $0x4  }
0x3fb: {  	[tilespmem:s6+$0x48] =	vst.add.f32.msk $0xffff, v1  }
0x3fc: {  	v1 =	vld [tilespmem:s30+$0x0];
	_ =	sdelay $0x4  }
0x3fd: {  	[tilespmem:s6+$0x58] =	vst.add.f32.msk $0xffff, v1  }
.LBB2_19:
0x3fe: {  	s31 =	sadd.s32 $0x1, s31  }
0x3ff: {  	p2 =	seq.s32 s31, $0x0  }
.Ltmp12:
0x400: {  	_ = 	snop;
	(pc) =	sbr.rel @p2 .LBB2_20-.Ltmp12, $2  }
0x401: {  	_ =	sdelay $0x2  }
0x402: {  	s30 =	sadd.s32 $0x80, s30;
	s28 =	sadd.s32 $0x1, s28;
	s29 =	smov.u32 s2  }
.LBB2_14:
0x403: {  	v1 =	vld.msk [tilespmem:s28+$0x0], $0x1;
	_ =	sdelay $0x4  }
0x404: {  	(v2sf) =	vpush v1, $0x0;
	_ =	sdelay $0xe  }
0x405: {  	s2 =	spop (v2sf)  }
0x406: {  	p2 =	sne.s32 s29, s2  }
.Ltmp13:
0x407: {  	_ = 	snop;
	(pc) =	sbr.rel @!p2 .LBB2_15-.Ltmp13, $3  }
0x408: {  	_ =	sdelay $0x1  }
0x409: {  	s3 =	sshll.u32 s26, $0x7  }
0x40a: {  	s6 =	sshra.s32 s3, $0x2  }
0x40b: {  	p2 =	seq.s32 s29, s1  }
.Ltmp14:
0x40c: {  	_ = 	snop;
	(pc) =	sbr.rel @!p2 .LBB2_17-.Ltmp14, $1  }
0x40d: {  	_ =	sdelay $0x3  }
.Ltmp15:
0x40e: {  	s3 =	sadd.s32 $0x48, s6;
	(pc) =	sbr.rel .LBB2_18-.Ltmp15, $4  }
0x40f: {  	[spmem:s17] =	stream.linear.scatter [tilespmem:s3], [sflag:$0x1], $0x20, $0x38;
	[tilespmem:$0x1EC48] =	vst v63  }
0x410: {  	_ =	swait.ge [sflag:s10], $0x20  }
0x411: {  	[sflag:s10] =	ssyncset.done $0x0  }
0x412: {  	[sflag:s10] =	ssyncadd.s32 $0xFFFFFFE0  }
.LBB2_17:
0x413: {  	s3 =	sshll.u32 s0, $0x7  }
0x414: {  	s3 =	sshra.s32 s3, $0x2  }
0x415: {  	v1 =	vld [tilespmem:s3+$0x3068];
	_ =	sdelay $0x4  }
0x416: {  	[tilespmem:s6+$0x48] =	vst.add.f32.msk $0xffff, v1  }
0x417: {  	v1 =	vld [tilespmem:s3+$0x3078];
	_ =	sdelay $0x2  }
0x418: {  	p2 =	sgt.u32 s29, $0x3FFC  }
0x419: {  	s3 =	sand.u32 @!p2 $0x3FF8, s29  }
0x41a: {  	s7 =	sadd.s32 $0x48, s6;
	s3 =	sadd.s32 @!p2 s4, s3;
	[tilespmem:s6+$0x58] =	vst.add.f32.msk $0xffff, v1;
	s6 =	sand.u32 @!p2 $0x7, s29  }
0x41b: {  	[hbm4b:s3+s6] =	stream.linear.scatter @!p2 [tilespmem:s7], [sflag:$0xC], $0x20, $0x38;
	[tilespmem:$0x1EC48] =	vst v63  }
0x41c: {  	s6 =	simm.s32 $0x0  }
0x41d: {  	s6 =	simm.s32 @!p2 $0x80  }
0x41e: {  	s5 =	sadd.s32 s6, s5  }
.LBB2_18:
0x41f: {  	s3 =	sadd.s32 $0x1, s26  }
0x420: {  	s6 =	smulhi.u32 $0xAAAAAAAB, s3;
	_ =	sdelay $0x1  }
0x421: {  	v1 =	vld [tilespmem:s30+$0xFFFFFFF0];
	s6 =	sshrl.u32 s6, $0x8  }
0x422: {  	s6 =	smul.u32 $0x180, s6;
	_ =	sdelay $0x1  }
0x423: {  	s26 =	ssub.s32 s3, s6  }
0x424: {  	s3 =	sshll.u32 s26, $0x5  }
0x425: {  	[tilespmem:s3+$0x48] =	vst v1  }
0x426: {  	v1 =	vld [tilespmem:s30+$0x0]  }
.Ltmp16:
0x427: {  	_ = 	snop;
	(pc) =	sbr.rel .LBB2_19-.Ltmp16, $2  }
0x428: {  	_ =	sdelay $0x2  }
0x429: {  	s0 =	sadd.s32 $0x1, s0;
	[tilespmem:s3+$0x58] =	vst v1  }
.LBB2_21:
.Ltmp17:
0x42a: {  	(pc) =	sbr.rel .LBB2_22-.Ltmp17, $4  }
0x42b: {  	_ = 	snop  }
0x42c: {  	s0 =	simm.s32 $0x2  }
0x42d: {  	_ =	swait.ge [sflag:s0], $0x0  }
0x42e: {  	s2 =	smov.u32 s29;
	[sflag:s0] =	ssyncset.done $0x0;
	s0 =	simm.s32 $0x0  }
.LBB2_24:
0x42f: {  	_ =	sfence.sel $0x180000  }
0x430: {  	s0 =	simm.s32 $0x9;
	[bflag:$0x0] =	sbarrier.arrive $0xFFFF  }
0x431: {  	s24 =	simm.s32 $0xA;
	[sflag:s0] =	ssyncpa.u1 $0x1  }
0x432: {  	s25 =	simm.s32 $0xB;
	[sflag:s24] =	ssyncpa.u1 $0x1  }
0x433: {  	s26 =	simm.s32 $0x2;
	[sflag:s25] =	ssyncpa.u1 $0x1  }
0x434: {  	[sflag:s26] =	ssyncpa.u1 $0x1  }
0x435: {  	v0 =	vld [tilespmem:$0x6088];
	_ =	sdelay $0x4  }
0x436: {  	(v2sf) =	vpush v0, $0x0  }
0x437: {  	(v2sf) =	vpush v0, $0x1;
	_ =	sdelay $0x1  }
0x438: {  	(v2sf) =	vpush v0, $0x2;
	_ =	sdelay $0xb  }
0x439: {  	s0 =	spop (v2sf)  }
0x43a: {  	s1 =	spop (v2sf)  }
0x43b: {  	s2 =	smov.u32 s0;
	p0 =	sne.s32 s0, s1  }
0x43c: {  	s3 =	spop (v2sf);
	s2 =	simm.s32 @!p0 $0xFFFFFFFF  }
0x43d: {  	v2 =	vimm.s32 $0x1;
	v3 =	vlaneseq.u32;
	p0 =	seq.s32 s3, $0xFFFFFFFF;
	v1 =	vmov s2  }
0x43e: {  	s13 =	stileid.u32;
	v0 =	vperm.xlane v0, v2;
	p1 =	sne.s32 @!p0 s0, s1;
	v1 =	vperm.xlane v1, v3  }
0x43f: {  	vm0 =	vcmask $0x3F04;
	s6 =	simm.s32 $0x6088;
	s0 =	simm.s32 @!p0 $0x1;
	p1 =	por !p1, p0  }
0x440: {  	s2 =	sshll.u32 s13, $0x1;
	s1 =	sshll.u32 @!p0 s3, $0x7;
	s0 =	simm.s32 @p1 $0x0;
	v0 =	vsel vm0, v1, v0  }
0x441: {  	s5 =	sor.u32 $0x400, s2;
	s1 =	sshra.s32 @!p0 s1, $0x2;
	s0 =	sor.u32 @!p0 s0, s2;
	[tilespmem:$0x6088] =	vst v0  }
0x442: {  	[spmem:s5] =	stream.linear.scatter [tilespmem:s6], [sflag:$0x1], $0x2, $0x38;
	[tilespmem:$0x1EC48] =	vst v63  }
0x443: {  	s1 =	sadd.s32 @!p0 $0x48, s1;
	s0 =	sshll.u32 @!p0 s0, $0x5  }
0x444: {  	[spmem:s0] =	stream.linear.scatter @!p0 [tilespmem:s1], [sflag:$0x1], $0x20, $0x38;
	[tilespmem:$0x1EC48] =	vst v63  }
0x445: {  	s0 =	simm.s32 @!p0 $0x22  }
0x446: {  	s28 =	simm.s32 $0x1;
	s0 =	simm.s32 @p0 $0x2  }
0x447: {  	_ =	swait.ge [sflag:s28], s0  }
0x448: {  	s0 =	ssub.s32 $0x0, s0;
	[sflag:s28] =	ssyncset.done $0x0  }
0x449: {  	p0 =	sne.s32 s13, $0x0;
	[sflag:s28] =	ssyncadd.s32 s0  }
.Ltmp18:
0x44a: {  	_ =	sfence.stream.spmem;
	(pc) =	sbr.rel @p0 .LBB2_41-.Ltmp18, $4  }
0x44b: {  	s29 =	simm.s32 $0x3;
	[bflag:$0x0] =	sbarrier.arrive $0xFFFF  }
0x44c: {  	s30 =	simm.s32 $0x4;
	[sflag:s29] =	ssyncpa.u1 $0x1  }
0x44d: {  	s31 =	simm.s32 $0x3C;
	[sflag:s30] =	ssyncpa.u1 $0x1  }
0x44e: {  	s14 =	rddreg [dreg:$0x5];
	[sflag:s31] =	ssyncpa.u1 $0x1  }
0x44f: {  	_ =	sfence.stream.spmem;
	s0 =	simm.s32 $0x5  }
0x450: {  	s1 =	simm.s32 $0x400;
	s2 =	simm.s32 $0x6098;
	[sflag:s0] =	ssyncpa.u1 $0x0  }
0x451: {  	[tilespmem:s2], [sflag:$0x5] =	stream.linear.gather [spmem:s1], $0x20, $0x38;
	[tilespmem:$0x1EC48] =	vst v63  }
0x452: {  	s26 =	simm.s32 $0x0;
	s28 =	simm.s32 $0x60B8  }
0x453: {  	[tilespmem:s28], [sflag:$0x5] =	stream.linear.gather [spmem:s26], $0x400, $0x38;
	[tilespmem:$0x1EC48] =	vst v63  }
0x454: {  	_ =	swait.ge [sflag:s0], $0x420  }
0x455: {  	[sflag:s0] =	ssyncset.done $0x0  }
0x456: {  	s29 =	simm.s32 $0x0;
	[sflag:s0] =	ssyncadd.s32 $0xFFFFFBE0  }
0x457: {  	v0 =	vld.msk [tilespmem:s29+$0x6098], $0x1;
	_ =	sdelay $0x1  }
0x458: {  	s30 =	simm.s32 $0x1  }
0x459: {  	v1 =	vld.msk [tilespmem:s30+$0x6098], $0x1;
	_ =	sdelay $0x1  }
0x45a: {  	(v2sf) =	vpush v0, $0x0;
	_ =	sdelay $0x2  }
0x45b: {  	(v2sf) =	vpush v1, $0x0;
	_ =	sdelay $0x2  }
0x45c: {  	s31 =	simm.s32 $0x2  }
0x45d: {  	v0 =	vld.msk [tilespmem:s31+$0x6098], $0x1;
	_ =	sdelay $0x2  }
0x45e: {  	s1 =	simm.s32 $0xFFFFFFFF;
	s2 =	simm.s32 $0xFFFFFFFF;
	s0 =	simm.s32 $0xC  }
.LBB2_26:
0x45f: {  	s3 =	smov.u32 s2;
	s5 =	smov.u32 s1  }
0x460: {  	s1 =	sshra.s32 s0, $0x2;
	p1 =	sne.s32 s0, $0x7C;
	s0 =	sadd.s32 $0x4, s0;
	(v2sf) =	vpush v0, $0x0  }
0x461: {  	v0 =	vld.msk [tilespmem:s1+$0x6098], $0x1  }
.Ltmp19:
0x462: {  	(pc) =	sbr.rel @p1 .LBB2_26-.Ltmp19, $4  }
0x463: {  	s2 =	spop (v2sf)  }
0x464: {  	p2 =	sne.s32 s5, $0xFFFFFFFF;
	s1 =	smov.u32 s2  }
0x465: {  	p3 =	seq.s32 s2, $0xFFFFFFFF;
	s1 =	smov.u32 @p2 s5  }
0x466: {  	s2 =	smov.u32 @p3 s3;
	s1 =	smov.u32 @p3 s5  }
0x467: {  	(v2sf) =	vpush v0, $0x0;
	_ =	sdelay $0x8  }
0x468: {  	s0 =	spop (v2sf)  }
0x469: {  	p1 =	sne.s32 s1, $0xFFFFFFFF;
	s3 =	smov.u32 s0  }
0x46a: {  	s9 =	simm.s32 $0x0;
	p2 =	seq.s32 s0, $0xFFFFFFFF;
	s3 =	smov.u32 @p1 s1  }
0x46b: {  	s0 =	smov.u32 @p2 s2;
	s3 =	smov.u32 @p2 s1;
	s1 =	spop (v2sf)  }
0x46c: {  	p1 =	sne.s32 s3, $0xFFFFFFFF;
	s5 =	smov.u32 s1;
	p2 =	seq.s32 s1, $0xFFFFFFFF  }
.Ltmp20:
0x46d: {  	s5 =	smov.u32 @p1 s3;
	s1 =	smov.u32 @p2 s0;
	(pc) =	sbr.rel .LBB2_28-.Ltmp20, $4  }
0x46e: {  	s0 =	simm.s32 $0x6;
	s5 =	smov.u32 @p2 s3;
	s7 =	spop (v2sf)  }
0x46f: {  	[sflag:s0] =	ssyncpa.u1 $0x0;
	p1 =	sne.s32 s5, $0xFFFFFFFF;
	s8 =	smov.u32 s7  }
0x470: {  	s3 =	simm.s32 $0x0;
	p2 =	seq.s32 s7, $0xFFFFFFFF;
	s8 =	smov.u32 @p1 s5  }
0x471: {  	s7 =	smov.u32 @p2 s1;
	s1 =	simm.s32 $0x6068;
	s8 =	smov.u32 @p2 s5  }
.LBB2_34:
0x472: {  	p1 =	sgt.u32 s2, $0x3FFC  }
0x473: {  	p2 =	seq.s32 @!p1 s2, s8  }
0x474: {  	p1 =	por p1, p2  }
0x475: {  	p2 =	sne.s32 @!p1 s2, s7  }
0x476: {  	p1 =	por p1, !p2  }
0x477: {  	s2 =	sshll.u32 @p1 s9, $0x7  }
0x478: {  	s5 =	sand.u32 @!p1 $0x3FF8, s2  }
0x479: {  	s2 =	sand.u32 @!p1 $0x7, s2;
	s5 =	sadd.s32 @!p1 s4, s5  }
0x47a: {  	[tilespmem:s1], [sflag:$0x6] =	stream.linear.gather @!p1 [hbm4b:s5+s2], $0x20, $0x38;
	[tilespmem:$0x1EC48] =	vst v63  }
0x47b: {  	_ =	swait.ge @!p1 [sflag:s0], $0x20  }
0x47c: {  	[sflag:s0] =	ssyncset.done @!p1 $0x0  }
0x47d: {  	[sflag:s0] =	ssyncadd.s32 @!p1 $0xFFFFFFE0  }
0x47e: {  	v1 =	vld @!p1 [tilespmem:$0x6068];
	_ =	sdelay $0x2  }
0x47f: {  	s2 =	sshll.u32 @!p1 s9, $0x7  }
0x480: {  	s5 =	sshrl.u32 @!p1 s2, $0x2  }
0x481: {  	[tilespmem:s5+$0x60B8] =	vst.add.f32.msk @!p1 $0xffff, v1  }
0x482: {  	v1 =	vld @!p1 [tilespmem:$0x6078];
	_ =	sdelay $0x4  }
0x483: {  	[tilespmem:s5+$0x60C8] =	vst.add.f32.msk @!p1 $0xffff, v1  }
0x484: {  	s2 =	sshrl.u32 s2, $0x2;
	[tilespmem:s3+$0x6098] =	vst.msk $0x1, v0  }
0x485: {  	v0 =	vld [tilespmem:s2+$0x60B8];
	_ =	sdelay $0x2  }
0x486: {  	s31 =	sshll.u32 s3, $0x7  }
0x487: {  	s5 =	sshra.s32 s31, $0x2  }
0x488: {  	[tilespmem:s5+$0x60B8] =	vst v0  }
0x489: {  	v0 =	vld [tilespmem:s2+$0x60C8];
	_ =	sdelay $0x4  }
0x48a: {  	s3 =	sadd.s32 $0x1, s3;
	[tilespmem:s5+$0x60C8] =	vst v0  }
.LBB2_35:
0x48b: {  	s9 =	sadd.s32 $0x1, s9  }
0x48c: {  	p1 =	sne.s32 s9, $0x20  }
.Ltmp21:
0x48d: {  	_ = 	snop;
	(pc) =	sbr.rel @!p1 .LBB2_36-.Ltmp21, $1  }
0x48e: {  	_ =	sdelay $0x3  }
.LBB2_28:
0x48f: {  	v0 =	vld.msk [tilespmem:s9+$0x6098], $0x1;
	_ =	sdelay $0x4  }
0x490: {  	(v2sf) =	vpush v0, $0x0;
	_ =	sdelay $0xe  }
0x491: {  	s2 =	spop (v2sf)  }
0x492: {  	p1 =	seq.s32 s2, $0xFFFFFFFF  }
.Ltmp22:
0x493: {  	_ = 	snop;
	(pc) =	sbr.rel @p1 .LBB2_35-.Ltmp22, $1  }
0x494: {  	_ =	sdelay $0x3  }
0x495: {  	p1 =	slt.s32 s3, $0x1  }
.Ltmp23:
0x496: {  	_ = 	snop;
	(pc) =	sbr.rel @p1 .LBB2_34-.Ltmp23, $1  }
0x497: {  	_ =	sdelay $0x3  }
0x498: {  	s5 =	simm.s32 $0x6098;
	p1 =	por $0x0, $0x0  }
0x499: {  	v1 =	vld.msk @!p1 [tilespmem:s5+$0x0], $0x1;
	_ =	sdelay $0x4  }
0x49a: {  	(v2sf) =	vpush @!p1 v1, $0x0;
	_ =	sdelay $0xd  }
0x49b: {  	p3 =	sne.s32 s3, $0x1  }
.Ltmp24:
0x49c: {  	s6 =	spop @!p1 (v2sf);
	(pc) =	sbr.rel @!p3 .LBB2_32-.Ltmp24, $4  }
0x49d: {  	p2 =	seq.s32 @!p1 s2, s6  }
0x49e: {  	s6 =	simm.s32 $0x0;
	p2 =	por !p2, p1  }
0x49f: {  	s11 =	simm.s32 $0xFFFFFFFF;
	s6 =	simm.s32 @p2 $0xFFFFFFFF  }
0x4a0: {  	s10 =	simm.s32 $0x1;
	s6 =	smov.u32 @p1 s11  }
.LBB2_31:
0x4a1: {  	s11 =	smov.u32 s6;
	p1 =	sne.s32 s6, $0xFFFFFFFF  }
0x4a2: {  	s5 =	sadd.s32 $0x1, s5;
	s6 =	smov.u32 s10;
	s10 =	sadd.s32 $0x1, s10  }
0x4a3: {  	p2 =	sne.s32 s3, s10;
	v1 =	vld.msk @!p1 [tilespmem:s5+$0x0], $0x1;
	_ =	sdelay $0x4  }
0x4a4: {  	(v2sf) =	vpush @!p1 v1, $0x0;
	_ =	sdelay $0xe  }
.Ltmp25:
0x4a5: {  	s12 =	spop @!p1 (v2sf);
	(pc) =	sbr.rel @p2 .LBB2_31-.Ltmp25, $4  }
0x4a6: {  	p3 =	seq.s32 @!p1 s2, s12  }
0x4a7: {  	p3 =	por !p3, p1  }
0x4a8: {  	s6 =	simm.s32 @p3 $0xFFFFFFFF  }
0x4a9: {  	s6 =	smov.u32 @p1 s11  }
.LBB2_32:
0x4aa: {  	p1 =	seq.s32 s6, $0xFFFFFFFF  }
.Ltmp26:
0x4ab: {  	_ = 	snop;
	(pc) =	sbr.rel @p1 .LBB2_34-.Ltmp26, $1  }
0x4ac: {  	_ =	sdelay $0x3  }
0x4ad: {  	s2 =	sshll.u32 s9, $0x5  }
0x4ae: {  	s2 =	sand.u32 $0x3FFFFFE0, s2  }
0x4af: {  	v0 =	vld [tilespmem:s2+$0x60B8];
	_ =	sdelay $0x2  }
0x4b0: {  	s5 =	sshll.u32 s6, $0x7  }
0x4b1: {  	s5 =	sshra.s32 s5, $0x2  }
0x4b2: {  	[tilespmem:s5+$0x60B8] =	vst.add.f32.msk $0xffff, v0  }
0x4b3: {  	v0 =	vld [tilespmem:s2+$0x60C8]  }
.Ltmp27:
0x4b4: {  	_ = 	snop;
	(pc) =	sbr.rel .LBB2_35-.Ltmp27, $2  }
0x4b5: {  	_ =	sdelay $0x2  }
0x4b6: {  	[tilespmem:s5+$0x60C8] =	vst.add.f32.msk $0xffff, v0  }
.LBB2_36:
0x4b7: {  	s0 =	simm.s32 $0x6;
	p1 =	seq.s32 s3, $0x0  }
0x4b8: {  	[sflag:s0] =	ssyncpa.u1 $0x1;
	v0 =	vimm.s32 @p1 $0xFFFFFFFF  }
0x4b9: {  	s0 =	sadd.s32 $0xFFFFFFFF, s3;
	[tilespmem:$0x64B8] =	vst @p1 v0  }
0x4ba: {  	v0 =	vld.msk @!p1 [tilespmem:s0+$0x6098], $0x1;
	_ =	sdelay $0x1  }
0x4bb: {  	v1 =	vld.msk @!p1 [tilespmem:$0x6098], $0x1;
	_ =	sdelay $0x2  }
0x4bc: {  	p2 =	seq.s32 @!p1 s0, $0x0;
	v0 =	vbroadcast @!p1 v0, $0x0  }
0x4bd: {  	vm0 =	vmmov @!p1 $0x1;
	p2 =	por !p2, p1  }
0x4be: {  	v1 =	vnsel @!p1 vm0, $0xFFFFFFFF, v1;
	vm0 =	vcmask @!p1 $0x308;
	v0 =	vpsel !p2, $0xFFFFFFFF, v0  }
0x4bf: {  	p2 =	sne.s32 @!p1 s8, s7;
	v0 =	vsel @!p1 vm0, v1, v0  }
0x4c0: {  	s1 =	simm.s32 @!p1 $0x60B8;
	s2 =	simm.s32 @!p1 $0x0;
	p3 =	por !p2, p1;
	[tilespmem:$0x64B8] =	vst @!p1 v0  }
0x4c1: {  	[spmem:s2] =	stream.linear.scatter @!p1 [tilespmem:s1], [sflag:$0x1], $0x20, $0x38;
	[tilespmem:$0x1EC48] =	vst v63  }
0x4c2: {  	s1 =	sshll.u32 @!p3 s0, $0x7  }
0x4c3: {  	s1 =	sshra.s32 @!p3 s1, $0x2  }
0x4c4: {  	s2 =	simm.s32 @!p3 $0x20;
	s1 =	sadd.s32 @!p3 $0x60B8, s1  }
0x4c5: {  	[spmem:s2] =	stream.linear.scatter @!p3 [tilespmem:s1], [sflag:$0x1], $0x20, $0x38;
	[tilespmem:$0x1EC48] =	vst v63  }
0x4c6: {  	s1 =	simm.s32 @!p3 $0x1  }
0x4c7: {  	_ =	swait.ge @!p3 [sflag:s1], $0x40  }
0x4c8: {  	p1 =	por p2, p1;
	[sflag:s1] =	ssyncset.done @!p3 $0x0  }
0x4c9: {  	[sflag:s1] =	ssyncadd.s32 @!p3 $0xFFFFFFC0;
	s1 =	simm.s32 @!p1 $0x1  }
0x4ca: {  	_ =	swait.ge @!p1 [sflag:s1], $0x20  }
0x4cb: {  	s29 =	simm.s32 $0x64B8;
	[sflag:s1] =	ssyncset.done @!p1 $0x0  }
0x4cc: {  	s30 =	simm.s32 $0x400;
	s31 =	simm.s32 $0x1;
	[sflag:s1] =	ssyncadd.s32 @!p1 $0xFFFFFFE0  }
0x4cd: {  	[spmem:s30] =	stream.linear.scatter [tilespmem:s29], [sflag:$0x1], $0x10, $0x38;
	[tilespmem:$0x1EC48] =	vst v63  }
0x4ce: {  	_ =	swait.ge [sflag:s31], $0x10  }
0x4cf: {  	[sflag:s31] =	ssyncset.done $0x0  }
0x4d0: {  	p1 =	seq.s32 s14, $0x0;
	s9 =	rddreg [dreg:$0x2];
	[sflag:s31] =	ssyncadd.s32 $0xFFFFFFF0  }
0x4d1: {  	s2 =	sshll.u32 @p1 s9, $0xE;
	s8 =	rddreg [dreg:$0x3]  }
0x4d2: {  	s1 =	sadd.s32 @p1 $0x15C3C, s2;
	s2 =	sshll.u32 @p1 s8, $0x11  }
0x4d3: {  	_ =	sfence.stream.spmem;
	s1 =	sor.u32 @p1 s2, s1  }
0x4d4: {  	[sflag:s1] =	ssyncadd.remote.s32 @p1 $0x1;
	s1 =	simm.s32 @p1 $0x4  }
0x4d5: {  	s5 =	simm.s32 @!p1 $0x3C;
	s2 =	sand.u32 $0xFFFFFFFE, s9;
	_ =	swait.ge @p1 [sflag:s1], $0xA  }
0x4d6: {  	s6 =	simm.s32 @!p1 $0x0;
	s2 =	sadd.s32 @!p1 $0x4, s2;
	[sflag:s1] =	ssyncset.done @p1 $0x0  }
0x4d7: {  	s7 =	simm.s32 @!p1 $0x40;
	[sflag:s1] =	ssyncadd.s32 @p1 $0xFFFFFFF6;
	s1 =	sshll.u32 @!p1 s2, $0x1A  }
0x4d8: {  	s2 =	sshll.u32 @!p1 s2, $0xD;
	s1 =	sor.u32 @!p1 s1, s8;
	_ =	swait.eq @!p1 [sflag:s5], $0x1  }
0x4d9: {  	s2 =	sor.u32 @!p1 $0x1C04, s2;
	s5 =	simm.s32 @!p1 $0x1C03;
	s1 =	sor.u32 @!p1 $0x80004000, s1  }
0x4da: {  	[spmem:s7], [sflag:s2] =	dma.general @!p1 [spmem:s6], [sflag:s5], length:$0x8, [dreg:$0x0], stride_count:$0x0, ici_dest:s1, dma_misc:DstOpCode:WRITE  }
0x4db: {  	p2 =	slt.s32 s0, $0x2;
	s6 =	simm.s32 @!p1 $0x80;
	s7 =	simm.s32 @!p1 $0x82  }
0x4dc: {  	[spmem:s7], [sflag:s2] =	dma.general @!p1 [spmem:s6], [sflag:s5], length:$0x2, [dreg:$0x0], stride_count:$0x0, ici_dest:s1, dma_misc:DstOpCode:WRITE  }
.Ltmp28:
0x4dd: {  	s1 =	simm.s32 @!p1 $0x3;
	(pc) =	sbr.rel @p2 .LBB2_40-.Ltmp28, $4  }
0x4de: {  	s2 =	sshll.u32 @!p1 s9, $0xE;
	_ =	swait.ge @!p1 [sflag:s1], $0xA  }
0x4df: {  	s5 =	sshll.u32 @!p1 s8, $0x11;
	s2 =	sadd.s32 @!p1 $0x11C3C, s2;
	[sflag:s1] =	ssyncset.done @!p1 $0x0  }
0x4e0: {  	[sflag:s1] =	ssyncadd.s32 @!p1 $0xFFFFFFF6;
	s1 =	sor.u32 @!p1 s5, s2  }
0x4e1: {  	s0 =	simm.s32 $0x0;
	[sflag:s1] =	ssyncadd.remote.s32 @!p1 $0xFFFFFFFF  }
0x4e2: {  	s0 =	simm.s32 $0x6099  }
0x4e3: {  	v0 =	vld.msk [tilespmem:s0+$0x0], $0x1;
	_ =	sdelay $0x4  }
0x4e4: {  	(v2sf) =	vpush v0, $0x0;
	_ =	sdelay $0xc  }
0x4e5: {  	s1 =	sadd.s32 $0xFFFFFFFE, s3  }
0x4e6: {  	s1 =	sadd.s32 $0xFFFFFFFF, s1  }
0x4e7: {  	p2 =	sne.s32 s1, $0x0;
	s2 =	spop (v2sf)  }
.Ltmp29:
0x4e8: {  	p1 =	sgt.u32 s2, $0x3FFC;
	(pc) =	sbr.rel @!p2 .LBB2_39-.Ltmp29, $4  }
0x4e9: {  	s5 =	simm.s32 $0x0;
	s3 =	sand.u32 @!p1 $0x3FF8, s2  }
0x4ea: {  	s0 =	simm.s32 $0x60D8;
	s2 =	sand.u32 @!p1 $0x7, s2;
	s3 =	sadd.s32 @!p1 s4, s3  }
0x4eb: {  	[hbm4b:s3+s2] =	stream.linear.scatter @!p1 [tilespmem:s0], [sflag:$0x5], $0x20, $0x38;
	[tilespmem:$0x1EC48] =	vst v63  }
0x4ec: {  	s5 =	simm.s32 @!p1 $0x80;
	s2 =	simm.s32 $0x0;
	s3 =	simm.s32 $0x609A  }
.LBB2_38:
0x4ed: {  	v0 =	vld.msk [tilespmem:s3+$0x0], $0x1;
	s1 =	sadd.s32 $0xFFFFFFFF, s1;
	s2 =	sadd.s32 s2, s5  }
0x4ee: {  	p1 =	sne.s32 s1, $0x0;
	_ =	sdelay $0x3  }
0x4ef: {  	(v2sf) =	vpush v0, $0x0;
	_ =	sdelay $0xe  }
.Ltmp30:
0x4f0: {  	s6 =	spop (v2sf);
	(pc) =	sbr.rel @p1 .LBB2_38-.Ltmp30, $4  }
0x4f1: {  	s5 =	simm.s32 $0x0;
	p2 =	sgt.u32 s6, $0x3FFC  }
0x4f2: {  	s0 =	sadd.s32 $0x20, s0;
	s5 =	simm.s32 @!p2 $0x80;
	s7 =	sand.u32 @!p2 $0x3FF8, s6  }
0x4f3: {  	s3 =	sadd.s32 $0x1, s3;
	s6 =	sand.u32 @!p2 $0x7, s6;
	s7 =	sadd.s32 @!p2 s4, s7  }
0x4f4: {  	[hbm4b:s7+s6] =	stream.linear.scatter @!p2 [tilespmem:s0], [sflag:$0x5], $0x20, $0x38;
	[tilespmem:$0x1EC48] =	vst v63  }
.LBB2_39:
0x4f5: {  	s0 =	sadd.s32 s2, s5  }
0x4f6: {  	s0 =	sshrl.u32 s0, $0x2  }
.LBB2_40:
0x4f7: {  	s1 =	simm.s32 $0x5  }
0x4f8: {  	_ =	swait.ge [sflag:s1], s0  }
0x4f9: {  	s31 =	ssub.s32 $0x0, s0;
	[sflag:s1] =	ssyncset.done $0x0  }
0x4fa: {  	[sflag:s1] =	ssyncadd.s32 s31  }
0x4fb: {  	[sflag:s1] =	ssyncpa.u1 $0x1  }
.LBB2_41:
0x4fc: {  	s0 =	sor.u32 s14, s13  }
0x4fd: {  	p1 =	sne.s32 s0, $0x0  }
.Ltmp31:
0x4fe: {  	_ = 	snop;
	(pc) =	sbr.rel @p1 .LBB2_56-.Ltmp31, $3  }
0x4ff: {  	_ =	sdelay $0x1  }
0x500: {  	[bflag:$0x0] =	sbarrier.arrive $0xFFFF  }
0x501: {  	_ =	sfence  }
0x502: {  	s1 =	simm.s32 $0x7  }
0x503: {  	s0 =	simm.s32 $0x400;
	s2 =	simm.s32 $0x6098;
	[sflag:s1] =	ssyncpa.u1 $0x0  }
0x504: {  	[tilespmem:s2], [sflag:$0x7] =	stream.linear.gather [spmem:s0], $0x20, $0x38;
	[tilespmem:$0x1EC48] =	vst v63  }
0x505: {  	s30 =	simm.s32 $0x60B8;
	s0 =	simm.s32 $0x0  }
0x506: {  	[tilespmem:s30], [sflag:$0x7] =	stream.linear.gather [spmem:s0], $0x400, $0x38;
	[tilespmem:$0x1EC48] =	vst v63  }
.Ltmp32:
0x507: {  	_ = 	snop;
	(pc) =	sbr.rel .LBB2_43-.Ltmp32, $4  }
0x508: {  	_ =	swait.ge [sflag:s1], $0x420  }
0x509: {  	[sflag:s1] =	ssyncset.done $0x0  }
0x50a: {  	s31 =	simm.s32 $0x8;
	[sflag:s1] =	ssyncadd.s32 $0xFFFFFBE0  }
0x50b: {  	s1 =	simm.s32 $0x0;
	[sflag:s31] =	ssyncpa.u1 $0x0  }
.LBB2_49:
0x50c: {  	p1 =	slt.u32 s2, $0x3FFD  }
0x50d: {  	s3 =	sand.u32 @p1 $0x3FF8, s2  }
0x50e: {  	s2 =	sand.u32 @p1 $0x7, s2;
	s5 =	simm.s32 @p1 $0x6068;
	s3 =	sadd.s32 @p1 s4, s3  }
0x50f: {  	[tilespmem:s5], [sflag:$0x8] =	stream.linear.gather @p1 [hbm4b:s3+s2], $0x20, $0x38;
	[tilespmem:$0x1EC48] =	vst v63  }
0x510: {  	s2 =	simm.s32 @p1 $0x8  }
0x511: {  	_ =	swait.ge @p1 [sflag:s2], $0x20  }
0x512: {  	[sflag:s2] =	ssyncset.done @p1 $0x0  }
0x513: {  	[sflag:s2] =	ssyncadd.s32 @p1 $0xFFFFFFE0  }
0x514: {  	v1 =	vld @p1 [tilespmem:$0x6068];
	_ =	sdelay $0x2  }
0x515: {  	s2 =	sshll.u32 @p1 s1, $0x7  }
0x516: {  	s3 =	sshrl.u32 @p1 s2, $0x2  }
0x517: {  	[tilespmem:s3+$0x60B8] =	vst.add.f32.msk @p1 $0xffff, v1  }
0x518: {  	v1 =	vld @p1 [tilespmem:$0x6078];
	_ =	sdelay $0x3  }
0x519: {  	s5 =	sshll.u32 @!p1 s1, $0x7  }
0x51a: {  	s5 =	smov.u32 @p1 s2;
	[tilespmem:s3+$0x60C8] =	vst.add.f32.msk @p1 $0xffff, v1  }
0x51b: {  	s2 =	sshrl.u32 s5, $0x2;
	[tilespmem:s0+$0x6098] =	vst.msk $0x1, v0  }
0x51c: {  	v0 =	vld [tilespmem:s2+$0x60B8];
	_ =	sdelay $0x2  }
0x51d: {  	s31 =	sshll.u32 s0, $0x7  }
0x51e: {  	s3 =	sshra.s32 s31, $0x2  }
0x51f: {  	[tilespmem:s3+$0x60B8] =	vst v0  }
0x520: {  	v0 =	vld [tilespmem:s2+$0x60C8];
	_ =	sdelay $0x4  }
0x521: {  	s0 =	sadd.s32 $0x1, s0;
	[tilespmem:s3+$0x60C8] =	vst v0  }
.LBB2_50:
0x522: {  	s1 =	sadd.s32 $0x1, s1  }
0x523: {  	p1 =	sne.s32 s1, $0x20  }
.Ltmp33:
0x524: {  	_ = 	snop;
	(pc) =	sbr.rel @!p1 .LBB2_51-.Ltmp33, $1  }
0x525: {  	_ =	sdelay $0x3  }
.LBB2_43:
0x526: {  	v0 =	vld.msk [tilespmem:s1+$0x6098], $0x1;
	_ =	sdelay $0x4  }
0x527: {  	(v2sf) =	vpush v0, $0x0;
	_ =	sdelay $0xe  }
0x528: {  	s2 =	spop (v2sf)  }
0x529: {  	p1 =	seq.s32 s2, $0xFFFFFFFF  }
.Ltmp34:
0x52a: {  	_ = 	snop;
	(pc) =	sbr.rel @p1 .LBB2_50-.Ltmp34, $1  }
0x52b: {  	_ =	sdelay $0x3  }
0x52c: {  	p1 =	slt.s32 s0, $0x1  }
.Ltmp35:
0x52d: {  	_ = 	snop;
	(pc) =	sbr.rel @p1 .LBB2_49-.Ltmp35, $1  }
0x52e: {  	_ =	sdelay $0x3  }
0x52f: {  	s3 =	simm.s32 $0x6098;
	p1 =	por $0x0, $0x0  }
0x530: {  	v1 =	vld.msk @!p1 [tilespmem:s3+$0x0], $0x1;
	_ =	sdelay $0x4  }
0x531: {  	(v2sf) =	vpush @!p1 v1, $0x0;
	_ =	sdelay $0xd  }
0x532: {  	p3 =	sne.s32 s0, $0x1  }
.Ltmp36:
0x533: {  	s5 =	spop @!p1 (v2sf);
	(pc) =	sbr.rel @!p3 .LBB2_47-.Ltmp36, $4  }
0x534: {  	p2 =	seq.s32 @!p1 s2, s5  }
0x535: {  	s5 =	simm.s32 $0x0;
	p2 =	por !p2, p1  }
0x536: {  	s7 =	simm.s32 $0xFFFFFFFF;
	s5 =	simm.s32 @p2 $0xFFFFFFFF  }
0x537: {  	s6 =	simm.s32 $0x1;
	s5 =	smov.u32 @p1 s7  }
.LBB2_46:
0x538: {  	s7 =	smov.u32 s5;
	p1 =	sne.s32 s5, $0xFFFFFFFF  }
0x539: {  	s3 =	sadd.s32 $0x1, s3;
	s5 =	smov.u32 s6;
	s6 =	sadd.s32 $0x1, s6  }
0x53a: {  	p2 =	sne.s32 s0, s6;
	v1 =	vld.msk @!p1 [tilespmem:s3+$0x0], $0x1;
	_ =	sdelay $0x4  }
0x53b: {  	(v2sf) =	vpush @!p1 v1, $0x0;
	_ =	sdelay $0xe  }
.Ltmp37:
0x53c: {  	s8 =	spop @!p1 (v2sf);
	(pc) =	sbr.rel @p2 .LBB2_46-.Ltmp37, $4  }
0x53d: {  	p3 =	seq.s32 @!p1 s2, s8  }
0x53e: {  	p3 =	por !p3, p1  }
0x53f: {  	s5 =	simm.s32 @p3 $0xFFFFFFFF  }
0x540: {  	s5 =	smov.u32 @p1 s7  }
.LBB2_47:
0x541: {  	p1 =	seq.s32 s5, $0xFFFFFFFF  }
.Ltmp38:
0x542: {  	_ = 	snop;
	(pc) =	sbr.rel @p1 .LBB2_49-.Ltmp38, $1  }
0x543: {  	_ =	sdelay $0x3  }
0x544: {  	s2 =	sshll.u32 s1, $0x5  }
0x545: {  	s2 =	sand.u32 $0x3FFFFFE0, s2  }
0x546: {  	v0 =	vld [tilespmem:s2+$0x60B8];
	_ =	sdelay $0x2  }
0x547: {  	s3 =	sshll.u32 s5, $0x7  }
0x548: {  	s3 =	sshra.s32 s3, $0x2  }
0x549: {  	[tilespmem:s3+$0x60B8] =	vst.add.f32.msk $0xffff, v0  }
0x54a: {  	v0 =	vld [tilespmem:s2+$0x60C8]  }
.Ltmp39:
0x54b: {  	_ = 	snop;
	(pc) =	sbr.rel .LBB2_50-.Ltmp39, $2  }
0x54c: {  	_ =	sdelay $0x2  }
0x54d: {  	[tilespmem:s3+$0x60C8] =	vst.add.f32.msk $0xffff, v0  }
.LBB2_51:
0x54e: {  	p1 =	slt.s32 s0, $0x1  }
.Ltmp40:
0x54f: {  	_ = 	snop;
	(pc) =	sbr.rel @p1 .LBB2_55-.Ltmp40, $3  }
0x550: {  	_ =	sdelay $0x1  }
0x551: {  	s1 =	simm.s32 $0x8  }
0x552: {  	[sflag:s1] =	ssyncpa.u1 $0x1;
	s1 =	simm.s32 $0x0  }
0x553: {  	s2 =	simm.s32 $0x6098  }
0x554: {  	v0 =	vld.msk [tilespmem:s2+$0x0], $0x1;
	_ =	sdelay $0x4  }
0x555: {  	(v2sf) =	vpush v0, $0x0;
	_ =	sdelay $0xe  }
0x556: {  	s0 =	sadd.s32 $0xFFFFFFFF, s0;
	s3 =	spop (v2sf)  }
0x557: {  	p2 =	sne.s32 s0, $0x0;
	p1 =	sgt.u32 s3, $0x3FFC  }
.Ltmp41:
0x558: {  	s5 =	sand.u32 @!p1 $0x3FF8, s3;
	(pc) =	sbr.rel @!p2 .LBB2_54-.Ltmp41, $4  }
0x559: {  	s2 =	simm.s32 $0x60B8;
	s3 =	sand.u32 @!p1 $0x7, s3;
	s5 =	sadd.s32 @!p1 s4, s5  }
0x55a: {  	[hbm4b:s5+s3] =	stream.linear.scatter @!p1 [tilespmem:s2], [sflag:$0x7], $0x20, $0x38;
	[tilespmem:$0x1EC48] =	vst v63  }
0x55b: {  	s5 =	simm.s32 $0x0  }
0x55c: {  	s3 =	simm.s32 $0x6099;
	s5 =	simm.s32 @!p1 $0x80  }
.LBB2_53:
0x55d: {  	v0 =	vld.msk [tilespmem:s3+$0x0], $0x1;
	s0 =	sadd.s32 $0xFFFFFFFF, s0;
	s1 =	sadd.s32 s1, s5  }
0x55e: {  	p1 =	sne.s32 s0, $0x0;
	_ =	sdelay $0x3  }
0x55f: {  	(v2sf) =	vpush v0, $0x0;
	_ =	sdelay $0xe  }
.Ltmp42:
0x560: {  	s6 =	spop (v2sf);
	(pc) =	sbr.rel @p1 .LBB2_53-.Ltmp42, $4  }
0x561: {  	s5 =	simm.s32 $0x0;
	p2 =	sgt.u32 s6, $0x3FFC  }
0x562: {  	s2 =	sadd.s32 $0x20, s2;
	s5 =	simm.s32 @!p2 $0x80;
	s7 =	sand.u32 @!p2 $0x3FF8, s6  }
0x563: {  	s3 =	sadd.s32 $0x1, s3;
	s6 =	sand.u32 @!p2 $0x7, s6;
	s7 =	sadd.s32 @!p2 s4, s7  }
0x564: {  	[hbm4b:s7+s6] =	stream.linear.scatter @!p2 [tilespmem:s2], [sflag:$0x7], $0x20, $0x38;
	[tilespmem:$0x1EC48] =	vst v63  }
.LBB2_54:
0x565: {  	s0 =	sadd.s32 s1, s5  }
0x566: {  	s1 =	sshrl.u32 s0, $0x2  }
.LBB2_55:
0x567: {  	s0 =	simm.s32 $0x7  }
0x568: {  	_ =	swait.ge [sflag:s0], s1  }
0x569: {  	s31 =	ssub.s32 $0x0, s1;
	[sflag:s0] =	ssyncset.done $0x0  }
0x56a: {  	[sflag:s0] =	ssyncadd.s32 s31  }
0x56b: {  	[sflag:s0] =	ssyncpa.u1 $0x1  }
.LBB2_56:
0x56c: {  	_ =	sfence;
	s0 =	simm.s32 $0x1  }
0x56d: {  	[sflag:s0] =	ssyncpa.u1 $0x1  }
0x56e: {  	_ =	strace $0x9000004A  }
0x56f: {  	[bflag:$0x2] =	sbarrier.arrive $0xFFFF  }
0x570: {  	s0 =	rddreg [dreg:$0x4]  }
0x571: {  	s0 =	sadd.s32 @!p0 $0x100000, s0  }
0x572: {  	[sflag:s0] =	ssyncadd.tile.s32 @!p0 $0x1;
	_ =	shalt  }
.Lfunc_end2:
_tile_overlayer_lowered:
.L_overlay_start_2:
0x573: {  	(tag) =	ssettag $0x2  }
0x574: {  	s0 =	rddreg [dreg:$0x0];
	s2 =	stileid.u32  }
0x575: {  	s1 =	rddreg [dreg:$0x1];
	p0 =	sne.s32 s2, $0x0  }
0x576: {  	s3 =	rddreg [dreg:$0x2];
	[bflag:$0x3] =	sbarrier.arrive $0xFFFF;
	s2 =	simm.s32 @!p0 $0x1C01  }
0x577: {  	[timem:s3], [sflag:s2] =	dma.local @!p0 [hbm:s0], s1  }
0x578: {  	s0 =	simm.s32 @!p0 $0x1  }
0x579: {  	_ =	swait.ge @!p0 [sflag:s0], s1  }
0x57a: {  	s1 =	ssub.s32 @!p0 $0x0, s1;
	[sflag:s0] =	ssyncset.done @!p0 $0x0  }
0x57b: {  	[sflag:s0] =	ssyncadd.s32 @!p0 s1  }
0x57c: {  	[bflag:$0x3] =	sbarrier.arrive $0xFFFF  }
0x57d: {  	_ =	shalt  }

// kernel: scatter_offload_async_start.2
scs
__scs_entry_jumppad:
0x0: {  	(pc) =	sbr.rel $0x88, $3  }
0x1: {  	(tag) =	ssettag $0x0;
	lr =	simm.s32 $0x1  }
0x2: {  	[smem:$0x3F84] =	sst lr;
	_ =	strace $0xD0000000  }
0x3: {  	_ = 	snop  }
0x4: {  	_ = 	snop  }
0x5: {  	_ = 	snop  }
0x6: {  	_ = 	snop  }
0x7: {  	_ = 	snop  }
__scs_overlays_trampoline_lowered:
0x8: {  	[smem:$0x3F93] =	sst s0  }
0x9: {  	[smem:$0x3F94] =	sst s1  }
0xa: {  	[smem:$0x3F95] =	sst s2  }
0xb: {  	[smem:$0x3F96] =	sst s3  }
0xc: {  	[smem:$0x3F97] =	sst s4  }
0xd: {  	[smem:$0x3F98] =	sst s5  }
0xe: {  	[smem:$0x3F99] =	sst s6  }
0xf: {  	[smem:$0x3F9A] =	sst s7  }
0x10: {  	[smem:$0x3F9B] =	sst s8  }
0x11: {  	[smem:$0x3F9C] =	sst s9;
	s0 =	simm.s32 @!p0 $0x0  }
0x12: {  	s1 =	sld [smem:$0x3F82];
	s0 =	simm.s32 @p0 $0x1  }
0x13: {  	[smem:$0x3F9D] =	sst s0;
	s0 =	simm.s32 @!p1 $0x0  }
0x14: {  	s2 =	sld [smem:$0x3F81];
	s0 =	simm.s32 @p1 $0x1  }
0x15: {  	[smem:$0x3F9E] =	sst s0;
	s0 =	simm.s32 @!p2 $0x0  }
0x16: {  	s3 =	sld [smem:$0x3FDB];
	s0 =	simm.s32 @p2 $0x1  }
0x17: {  	s4 =	simm.s32 $0x1BF5;
	[smem:$0x3FA0] =	sst s0  }
0x18: {  	s0 =	sld [smem:$0x3F83];
	_ =	swait.ge [sflag:s4], $0x0  }
0x19: {  	s7 =	sld [smem:$0x3F84]  }
0x1a: {  	s8 =	sadd.s32 $0xFFFFE003, lr  }
0x1b: {  	s9 =	sadd.s32 $0xFFFFFEF7, lr;
	s5 =	simm.s32 $0xFFFFFFFF;
	p2 =	slt.u32 s8, $0xFFFFF086  }
0x1c: {  	p1 =	slt.u32 s9, $0xF7A;
	s5 =	simm.s32 @!p2 $0x0  }
0x1d: {  	s5 =	simm.s32 @p1 $0x1;
	p0 =	seq.s32 s7, s2  }
0x1e: {  	s7 =	smul.u32 @!p0 $0xF7A, s2;
	p2 =	seq.s32 @!p0 s5, $0x0  }
0x1f: {  	s9 =	smul.u32 $0xF7A, s1;
	s8 =	simm.s32 @!p0 $0x1BF5;
	p2 =	por !p2, p0  }
0x20: {  	[sflag:s8] =	ssyncset.s32 @!p0 $0xFFFFF086;
	s6 =	sadd.s32 @!p0 s3, s7;
	s7 =	simm.s32 @!p0 $0x108  }
0x21: {  	s3 =	sadd.s32 s3, s9;
	s6 =	sadd.s32 @!p0 $0x88, s6;
	s7 =	simm.s32 @p2 $0x1082  }
0x22: {  	[simem:s7], [sflag:s8] =	dma.local @!p0 [hbm:s6], $0xF7A  }
0x23: {  	s9 =	sor.u32 $0xD0000000, s2;
	s6 =	simm.s32 $0x108;
	_ =	swait.ge @!p0 [sflag:s8], $0x0  }
0x24: {  	s3 =	sadd.s32 $0x88, s3;
	s6 =	simm.s32 @!p1 $0x1082;
	[sflag:s4] =	ssyncset.s32 $0xFFFFF086  }
0x25: {  	[simem:s6], [sflag:s4] =	dma.local [hbm:s3], $0xF7A  }
0x26: {  	[smem:$0x3F84] =	sst s1;
	(tag) =	ssettag s2;
	_ =	strace s9  }
0x27: {  	s1 =	sld [smem:$0x3F94]  }
0x28: {  	s2 =	sld [smem:$0x3F95]  }
0x29: {  	s4 =	sld [smem:$0x3F97]  }
0x2a: {  	p0 =	seq.s32 s5, $0x0;
	s5 =	sld [smem:$0x3F98]  }
0x2b: {  	s6 =	sld [smem:$0x3F99]  }
0x2c: {  	s7 =	sld [smem:$0x3F9A]  }
0x2d: {  	s3 =	simm.s32 $0x108;
	s8 =	sld [smem:$0x3F9B]  }
0x2e: {  	s3 =	simm.s32 @!p0 $0x1082;
	s9 =	sld [smem:$0x3F9C]  }
0x2f: {  	lr =	sadd.s32 s0, s3;
	s0 =	sld [smem:$0x3F93]  }
0x30: {  	s3 =	sld [smem:$0x3F96]  }
0x31: {  	[smem:$0x3F9F] =	sst s10  }
0x32: {  	s10 =	sld [smem:$0x3F9D];
	_ =	sdelay $0x3  }
0x33: {  	p0 =	seq.s32 s10, $0x1;
	s10 =	sld [smem:$0x3F9F];
	_ =	sdelay $0x3  }
0x34: {  	[smem:$0x3F9F] =	sst s10  }
0x35: {  	s10 =	sld [smem:$0x3F9E];
	_ =	sdelay $0x3  }
0x36: {  	p1 =	seq.s32 s10, $0x1;
	s10 =	sld [smem:$0x3F9F];
	_ =	sdelay $0x3  }
0x37: {  	[smem:$0x3F9F] =	sst s10  }
0x38: {  	s10 =	sld [smem:$0x3FA0]  }
0x39: {  	_ = 	snop;
	(pc) =	sbr.ind lr, $3  }
0x3a: {  	_ = 	snop  }
0x3b: {  	_ = 	snop  }
0x3c: {  	p2 =	seq.s32 s10, $0x1;
	s10 =	sld [smem:$0x3F9F]  }
0x3d: {  	_ =	shalt  }
0x3e: {  	_ =	shalt  }
0x3f: {  	_ =	shalt  }
0x40: {  	_ =	shalt  }
0x41: {  	_ =	shalt  }
0x42: {  	_ =	shalt  }
0x43: {  	_ =	shalt  }
0x44: {  	_ =	shalt  }
0x45: {  	_ =	shalt  }
0x46: {  	_ =	shalt  }
0x47: {  	_ =	shalt  }
0x48: {  	_ =	shalt  }
0x49: {  	_ =	shalt  }
0x4a: {  	_ =	shalt  }
0x4b: {  	_ =	shalt  }
0x4c: {  	_ =	shalt  }
0x4d: {  	_ =	shalt  }
0x4e: {  	_ =	shalt  }
0x4f: {  	_ =	shalt  }
0x50: {  	_ =	shalt  }
0x51: {  	_ =	shalt  }
0x52: {  	_ =	shalt  }
0x53: {  	_ =	shalt  }
0x54: {  	_ =	shalt  }
0x55: {  	_ =	shalt  }
0x56: {  	_ =	shalt  }
0x57: {  	_ =	shalt  }
0x58: {  	_ =	shalt  }
0x59: {  	_ =	shalt  }
0x5a: {  	_ =	shalt  }
0x5b: {  	_ =	shalt  }
0x5c: {  	_ =	shalt  }
0x5d: {  	_ =	shalt  }
0x5e: {  	_ =	shalt  }
0x5f: {  	_ =	shalt  }
0x60: {  	_ =	shalt  }
0x61: {  	_ =	shalt  }
0x62: {  	_ =	shalt  }
0x63: {  	_ =	shalt  }
0x64: {  	_ =	shalt  }
0x65: {  	_ =	shalt  }
0x66: {  	_ =	shalt  }
0x67: {  	_ =	shalt  }
0x68: {  	_ =	shalt  }
0x69: {  	_ =	shalt  }
0x6a: {  	_ =	shalt  }
0x6b: {  	_ =	shalt  }
0x6c: {  	_ =	shalt  }
0x6d: {  	_ =	shalt  }
0x6e: {  	_ =	shalt  }
0x6f: {  	_ =	shalt  }
0x70: {  	_ =	shalt  }
0x71: {  	_ =	shalt  }
0x72: {  	_ =	shalt  }
0x73: {  	_ =	shalt  }
0x74: {  	_ =	shalt  }
0x75: {  	_ =	shalt  }
0x76: {  	_ =	shalt  }
0x77: {  	_ =	shalt  }
0x78: {  	_ =	shalt  }
0x79: {  	_ =	shalt  }
0x7a: {  	_ =	shalt  }
0x7b: {  	_ =	shalt  }
0x7c: {  	_ =	shalt  }
0x7d: {  	_ =	shalt  }
0x7e: {  	_ =	shalt  }
0x7f: {  	_ =	shalt  }
0x80: {  	_ =	shalt  }
0x81: {  	_ =	shalt  }
0x82: {  	_ =	shalt  }
0x83: {  	_ =	shalt  }
0x84: {  	_ =	shalt  }
0x85: {  	_ =	shalt  }
0x86: {  	_ =	shalt  }
0x87: {  	_ =	shalt  }
.Lfunc_end0:
.L_simem_size_0:
called_computation.2_lowered:
.L_overlay_start_0:
0x88: {  	s2 =	sld [smem:$0x3FD9]  }
0x89: {  	s3 =	sld [smem:$0x3FFE];
	_ =	sdelay $0x1  }
0x8a: {  	s1 =	srdreg.scid  }
0x8b: {  	s0 =	sand.u32 $0x1, s1  }
0x8c: {  	s16 =	sshll.u32 s0, $0xA;
	s2 =	sadd.s32 s3, s2  }
0x8d: {  	s2 =	sadd.s32 s2, s16  }
0x8e: {  	[smem:$0x3FAB] =	sst s2  }
0x8f: {  	_ = 	snop  }
0x90: {  	s2 =	sld [smem:$0x3FD0];
	(tm) =	ssettm $0x1  }
0x91: {  	s17 =	sld [smem:$0x3FFB];
	_ =	sdelay $0x3  }
0x92: {  	_ =	strace s17  }
0x93: {  	s3 =	sld [smem:$0x3FFC];
	_ =	sdelay $0x3  }
0x94: {  	_ =	strace s3  }
0x95: {  	s3 =	sld [smem:$0x3FFD];
	_ =	sdelay $0x3  }
0x96: {  	_ =	strace s3  }
0x97: {  	_ =	strace $0x8FFFFFFF  }
0x98: {  	s18 =	sld [smem:$0x3FDB];
	_ =	sdelay $0x1  }
0x99: {  	s4 =	simm.s32 $_scs_section_size  }
0x9a: {  	s5 =	simm.s32 $_size__tile_overlayer_lowered;
	s6 =	simm.s32 $_tile_overlayer_lowered  }
0x9b: {  	s21 =	simm.s32 $0x1BFF;
	s20 =	sshll.u32 s6, $0x1;
	s3 =	sadd.s32 s4, s18  }
0x9c: {  	s7 =	simm.s32 $0x0;
	s19 =	sshll.u32 s5, $0x1;
	s5 =	sadd.s32 s20, s3  }
0x9d: {  	[timem:s7], [sflag:s21] =	dma.local [hbm:s5], s19  }
0x9e: {  	_ =	swait.ge [sflag:s21], s19  }
0x9f: {  	s4 =	ssub.s32 $0x0, s19;
	[sflag:s21] =	ssyncset.done $0x0  }
0xa0: {  	[sflag:s21] =	ssyncadd.s32 s4;
	_ =	sdelay $0x1  }
0xa1: {  	s22 =	simm.s32 $0x1B8B  }
0xa2: {  	_ =	swait.ge [sflag:s22], $0x1  }
0xa3: {  	[sflag:s22] =	ssyncset.done $0x0  }
0xa4: {  	s23 =	sld [smem:$0x3FFE];
	[sflag:s22] =	ssyncadd.s32 $0xFFFFFFFF  }
0xa5: {  	s25 =	simm.s32 $0x1B8E;
	s24 =	sld [smem:$0x0]  }
0xa6: {  	s26 =	simm.s32 $execute0_lowered;
	[smem:$0x3FD2] =	sst s25  }
0xa7: {  	s6 =	sshll.u32 s26, $0x1;
	_ =	strace $0x8000004C;
	[dreg:$0x1] =	wrdreg $0xFFFFFFFF  }
0xa8: {  	s28 =	simm.s32 $_size_execute0_lowered;
	s3 =	sadd.s32 s3, s6;
	[dreg:$0x0] =	wrdreg $0x0  }
0xa9: {  	s6 =	sshll.u32 s28, $0x1;
	[dreg:$0x2] =	wrdreg s3  }
0xaa: {  	[dreg:$0x3] =	wrdreg s6  }
0xab: {  	[dreg:$0x4] =	wrdreg $0xC0  }
0xac: {  	_ =	task [dreg:s7], $0x5FFFF  }
0xad: {  	[dreg:$0x1] =	wrdreg $0xFFFFFFFF  }
0xae: {  	[dreg:$0x0] =	wrdreg $0x60  }
0xaf: {  	[dreg:$0x2] =	wrdreg s23  }
0xb0: {  	[dreg:$0x3] =	wrdreg s2  }
0xb1: {  	[dreg:$0x4] =	wrdreg s1  }
0xb2: {  	[dreg:$0x5] =	wrdreg s24  }
0xb3: {  	[dreg:$0x6] =	wrdreg $0x9  }
0xb4: {  	_ =	task.clear_ibuf [dreg:s7], $0x7FFFF;
	_ =	strace $0x9000004C  }
0xb5: {  	s29 =	simm.s32 $0x9;
	_ =	strace $0x8000004E  }
0xb6: {  	_ =	swait.ge [sflag:s29], $0x1  }
0xb7: {  	[sflag:s29] =	ssyncadd.s32 $0xFFFFFFFF  }
0xb8: {  	_ =	strace $0x9000004E  }
0xb9: {  	_ =	sfence  }
0xba: {  	s30 =	sld [smem:$0x0];
	_ =	sdelay $0x2  }
0xbb: {  	s31 =	sshll.u32 s1, $0xD;
	s1 =	sshrl.u32 s1, $0x2  }
0xbc: {  	s3 =	sand.u32 $0x4000, s31;
	s1 =	sadd.s32 s1, s30  }
0xbd: {  	s0 =	sor.u32 s3, s0;
	s1 =	sshll.u32 s1, $0x11  }
0xbe: {  	s0 =	sor.u32 s1, s0  }
0xbf: {  	s0 =	sadd.s32 $0x8F2B, s0  }
0xc0: {  	[sflag:s0] =	ssyncadd.remote.s32 $0x1  }
0xc1: {  	_ =	sfence.sel $0xFFFF  }
0xc2: {  	[dreg:$0x0] =	wrdreg $0xFFFFFFFF;
	(pc) =	sbr.abs _section_cstart, $3  }
0xc3: {  	[dreg:$0x1] =	wrdreg $0xFFFFFFFF  }
0xc4: {  	_ =	task.clear_ibuf [dreg:s7], $0x2FFFF;
	_ =	strace $0x9FFFFFFF  }
0xc5: {  	(tm) =	ssettm $0x7FFFFFFF  }
tec
execute0_lowered:
.L_overlay_start_1:
0x0: {  	(tag) =	ssettag $0x1  }
0x1: {  	s1 =	rddreg [dreg:$0x0]  }
0x2: {  	s0 =	rddreg [dreg:$0x1]  }
0x3: {  	s3 =	rddreg [dreg:$0x2];
	_ =	strace $0x8000004D;
	s2 =	simm.s32 $0x1  }
0x4: {  	s4 =	simm.s32 $0x88;
	v0 =	vimm.s32 $0x0;
	[sflag:s2] =	ssyncpa.u1 $0x0  }
0x5: {  	[tilespmem:s4+$0x30] =	vst v0  }
0x6: {  	s6 =	sadd.s32 $0x24000, s1;
	[tilespmem:s4+$0x20] =	vst v0  }
0x7: {  	s14 =	sadd.s32 $0x14000, s1;
	s9 =	sand.u32 $0x1, s3;
	s2 =	simm.s32 $0x40;
	[tilespmem:s4+$0x10] =	vst v0  }
.LBB2_1:
0x8: {  	s2 =	sadd.s32 $0x40, s2  }
0x9: {  	[tilespmem:s4+$0x0] =	vst v0;
	s4 =	sadd.s32 $0x40, s4;
	p0 =	slt.u32 s2, $0x5040  }
.Ltmp0:
0xa: {  	(pc) =	sbr.rel @p0 .LBB2_1-.Ltmp0, $4  }
0xb: {  	_ = 	snop  }
0xc: {  	[tilespmem:s4+$0x30] =	vst v0  }
0xd: {  	[tilespmem:s4+$0x20] =	vst v0  }
0xe: {  	[tilespmem:s4+$0x10] =	vst v0  }
0xf: {  	s10 =	stileid.u32  }
0x10: {  	s2 =	smul.u32 $0x33, s10  }
0x11: {  	s3 =	smin.u32 s10, $0x3  }
0x12: {  	s2 =	sadd.s32 s3, s2  }
0x13: {  	p0 =	slt.u32 s10, $0x3;
	s7 =	smul.u32 $0x140, s2;
	s2 =	simm.s32 $0x4100  }
0x14: {  	s2 =	simm.s32 @!p0 $0x3FC0  }
0x15: {  	s2 =	sadd.s32 s2, s7  }
0x16: {  	s8 =	smin.u32 s2, $0x3FF00  }
0x17: {  	s2 =	ssub.s32 s8, s7  }
0x18: {  	s26 =	simm.s32 $0x2;
	s29 =	simm.s32 $0x9;
	p0 =	sgt.s32 s2, $0x0  }
0x19: {  	s30 =	simm.s32 $0xA;
	s31 =	smul.u32 $0x7FE0, s9;
	s2 =	simm.s32 @!p0 $0x0  }
0x1a: {  	s11 =	simm.s32 $0xB;
	[dreg:$0x5] =	wrdreg s9;
	s28 =	smulhi.u32 $0x66666667, s2  }
0x1b: {  	s12 =	simm.s32 $0x1;
	s18 =	simm.s32 $0x0;
	p1 =	por $0x0, $0x0  }
0x1c: {  	s19 =	simm.s32 $0xC;
	s23 =	simm.s32 $0x0;
	s3 =	sshrl.u32 s28, $0x7  }
0x1d: {  	s20 =	simm.s32 $0x0;
	s22 =	simm.s32 $0x0;
	s5 =	smul.u32 $0x140, s3  }
.Ltmp1:
0x1e: {  	[tilespmem:s4+$0x0] =	vst v0;
	v0 =	vimm.s32 $0xFFFFFFFF;
	[sflag:s26] =	ssyncpa.u1 $0x0;
	s16 =	sshll.u32 s10, $0x7;
	(pc) =	sbr.rel .LBB2_3-.Ltmp1, $4  }
0x1f: {  	[tilespmem:$0xA108] =	vst v0;
	[sflag:s29] =	ssyncpa.u1 $0x0;
	p0 =	sne.s32 s2, s5;
	s2 =	simm.s32 $0x1  }
0x20: {  	s14 =	sadd.s32 s31, s14;
	[sflag:s30] =	ssyncpa.u1 $0x0;
	s2 =	simm.s32 @!p0 $0x0  }
0x21: {  	s15 =	sadd.s32 s31, s0;
	[sflag:s11] =	ssyncpa.u1 $0x0;
	s13 =	sadd.s32 s2, s3  }
0x22: {  	v0 =	vlaneseq.u32;
	s21 =	smov.u32 s7;
	p0 =	por $0x1, $0x1;
	s17 =	sadd.s32 $0x1, s13  }
.LBB2_24:
0x23: {  	s0 =	sshrl.u32 s0, $0x2  }
.LBB2_26:
0x24: {  	_ =	swait.ge [sflag:s19], s0  }
0x25: {  	s30 =	ssub.s32 $0x0, s0;
	v1 =	vmov s25;
	vm0 =	veq.s32 v0, $0x0;
	[sflag:s19] =	ssyncset.done $0x0  }
0x26: {  	vm15 =	veq.s32 v0, $0x2;
	v1 =	vsel vm0, s31, v1;
	[sflag:s19] =	ssyncadd.s32 s30  }
0x27: {  	v1 =	vsel vm15, s23, v1;
	[sflag:s19] =	ssyncpa.u1 $0x1  }
0x28: {  	[tilespmem:$0xA108] =	vst v1  }
.LBB2_27:
0x29: {  	s0 =	sadd.s32 $0x140, s21  }
0x2a: {  	s2 =	smov.u32 s7;
	p2 =	slt.s32 s0, s8  }
0x2b: {  	s2 =	smov.u32 @p2 s0;
	p2 =	sne.s32 s22, s17  }
.Ltmp2:
0x2c: {  	_ = 	snop;
	(pc) =	sbr.rel @!p2 .LBB2_28-.Ltmp2, $4  }
0x2d: {  	_ = 	snop  }
0x2e: {  	s23 =	smov.u32 s20  }
0x2f: {  	s31 =	sadd.s32 $0x1, s22;
	s20 =	smov.u32 s21;
	p0 =	por !p0, !p0  }
0x30: {  	p1 =	por !p1, !p1;
	s22 =	smov.u32 s31;
	s21 =	smov.u32 s2  }
.LBB2_3:
0x31: {  	p2 =	sge.u32 s22, s13  }
0x32: {  	s0 =	smulhi.u32 @!p2 $0xAAAAAAAB, s22  }
0x33: {  	s2 =	smov.u32 s21;
	p3 =	sgt.s32 @!p2 s21, $0x3FDC0  }
0x34: {  	s3 =	sshra.s32 @!p2 s21, $0x1F;
	p3 =	por !p3, p2;
	s0 =	sshrl.u32 @!p2 s0, $0x1  }
0x35: {  	s3 =	sand.u32 @!p2 s3, s21;
	s2 =	simm.s32 @p3 $0x3FDC0;
	s0 =	smul.u32 @!p2 $0x3, s0  }
0x36: {  	s2 =	ssub.s32 @!p2 s2, s3  }
0x37: {  	s2 =	sadd.s32 @!p2 $0xFFFC0240, s2;
	s0 =	ssub.s32 @!p2 s22, s0  }
0x38: {  	s3 =	sshll.u32 @!p2 s2, $0x2;
	p3 =	sgt.s32 @!p2 s2, $0x13F;
	s0 =	smul.u32 @!p2 $0x500, s0  }
0x39: {  	s4 =	sand.u32 @!p2 $0x7, s21;
	s2 =	ssub.s32 @!p2 $0x500, s3;
	p3 =	por !p3, p2  }
0x3a: {  	s3 =	sshrl.u32 @!p2 s21, $0x3;
	s2 =	sshrl.u32 @!p2 s2, $0x2;
	s0 =	sshrl.u32 @!p2 s0, $0x2  }
0x3b: {  	s3 =	sadd.s32 @!p2 s3, s14;
	s2 =	simm.s32 @!p3 $0x0;
	s0 =	sadd.s32 @!p2 $0xA948, s0  }
0x3c: {  	[tilespmem:s0], [sflag:$0xA] =	stream.linear.gather @!p2 [hbm4b:s3+s4], s2, $0x38;
	[tilespmem:$0x1EF88] =	vst v63  }
0x3d: {  	s4 =	sadd.s32 $0xFFFFFFFF, s22  }
0x3e: {  	p2 =	sge.u32 s4, s13  }
0x3f: {  	p3 =	sgt.s32 @!p2 s20, $0x3FDC0  }
0x40: {  	s0 =	smov.u32 s20;
	s2 =	sshra.s32 @!p2 s20, $0x1F;
	p3 =	por !p3, p2  }
0x41: {  	s2 =	sand.u32 @!p2 s2, s20;
	s0 =	simm.s32 @p3 $0x3FDC0  }
0x42: {  	s0 =	ssub.s32 @!p2 s0, s2  }
0x43: {  	s0 =	sadd.s32 @!p2 $0xFFFC0240, s0  }
0x44: {  	s2 =	sshll.u32 @!p2 s0, $0x2  }
0x45: {  	p3 =	sgt.s32 @!p2 s0, $0x13F;
	s0 =	ssub.s32 @!p2 $0x500, s2  }
0x46: {  	p3 =	por !p3, p2;
	s0 =	sshrl.u32 @!p2 s0, $0x2  }
0x47: {  	s3 =	simm.s32 @!p2 $0xA;
	s2 =	sand.u32 @!p2 $0x1, s4;
	s0 =	simm.s32 @!p3 $0x0  }
0x48: {  	s2 =	smul.u32 @!p2 $0x500, s2;
	_ =	swait.ge @!p2 [sflag:s3], s0  }
0x49: {  	s5 =	ssub.s32 @!p2 $0x0, s0;
	[sflag:s3] =	ssyncset.done @!p2 $0x0  }
0x4a: {  	s2 =	sshrl.u32 @!p2 s2, $0x2;
	[sflag:s3] =	ssyncadd.s32 @!p2 s5;
	s3 =	sshrl.u32 @!p2 s20, $0x3  }
0x4b: {  	s2 =	sadd.s32 @!p2 $0xAD08, s2;
	s5 =	sand.u32 @!p2 $0x7, s20;
	s3 =	sadd.s32 @!p2 s3, s15  }
0x4c: {  	[tilespmem:s2], [sflag:$0xB] =	stream.linear.gather @!p2 [hbm4b:s3+s5], s0, $0x38;
	[tilespmem:$0x1EF88] =	vst v63  }
0x4d: {  	s0 =	ssub.s32 @!p2 $0x3FF00, s20  }
0x4e: {  	p3 =	slt.s32 @!p2 s0, $0x1  }
0x4f: {  	p3 =	por p2, p3  }
.Ltmp3:
0x50: {  	_ = 	snop;
	(pc) =	sbr.rel @p3 .LBB2_9-.Ltmp3, $1  }
0x51: {  	_ =	sdelay $0x3  }
0x52: {  	s2 =	smulhi.u32 $0xAAAAAAAB, s4;
	_ =	sdelay $0x1  }
0x53: {  	s2 =	sshrl.u32 s2, $0x1  }
0x54: {  	s2 =	smul.u32 $0x3, s2;
	_ =	sdelay $0x1  }
0x55: {  	s2 =	ssub.s32 s4, s2  }
0x56: {  	s3 =	simm.s32 $0x1;
	s2 =	smul.u32 $0x500, s2  }
.Ltmp4:
0x57: {  	s3 =	simm.s32 @!p0 $0x0;
	(pc) =	sbr.rel .LBB2_6-.Ltmp4, $4  }
0x58: {  	s3 =	smul.u32 $0x28000, s3  }
0x59: {  	p3 =	slt.s32 @!p2 s0, $0x140;
	s2 =	sshrl.u32 s2, $0x2  }
0x5a: {  	p2 =	por !p3, p2;
	s3 =	sshrl.u32 s3, $0x2;
	s2 =	sadd.s32 $0xA948, s2  }
0x5b: {  	s24 =	simm.s32 $0x0;
	s0 =	simm.s32 @p2 $0x140;
	s4 =	sadd.s32 $0xAF88, s3;
	v1 =	vmov s2  }
.LBB2_5:
0x5c: {  	p2 =	sge.s32 s24, s0  }
.Ltmp5:
0x5d: {  	_ = 	snop;
	(pc) =	sbr.rel @p2 .LBB2_9-.Ltmp5, $2  }
0x5e: {  	_ =	sdelay $0x2  }
0x5f: {  	s4 =	sadd.s32 $0x800, s4  }
.LBB2_6:
0x60: {  	p2 =	sle.s32 s0, s24  }
.Ltmp6:
0x61: {  	_ = 	snop;
	(pc) =	sbr.rel @p2 .LBB2_5-.Ltmp6, $2  }
0x62: {  	_ =	sdelay $0x2  }
0x63: {  	s5 =	smov.u32 s24;
	s24 =	sadd.s32 $0x10, s24  }
0x64: {  	s2 =	ssub.s32 s0, s5  }
0x65: {  	p2 =	slt.s32 s2, $0x10  }
0x66: {  	s2 =	simm.s32 @!p2 $0x10  }
0x67: {  	v2 =	vmov s2  }
0x68: {  	vm0 =	vgt.s32 v2, v0;
	_ =	sdelay $0x5  }
0x69: {  	v2 =	vld.idx.msk [tilespmem:v1+s5+$0x0 ss:$0x1], vm0;
	_ =	sdelay $0x2  }
0x6a: {  	p2 =	slt.s32 s24, s0;
	s2 =	smov.u32 s0  }
0x6b: {  	s3 =	smov.u32 s4;
	s25 =	simm.s32 $0x0;
	s2 =	smov.u32 @p2 s24  }
.LBB2_8:
0x6c: {  	(v2sf) =	vpush v2, s25;
	_ =	sdelay $0xc  }
0x6d: {  	s25 =	sadd.s32 $0x1, s25  }
0x6e: {  	s31 =	sadd.s32 s25, s5  }
0x6f: {  	p2 =	slt.s32 s31, s2;
	s9 =	spop (v2sf)  }
.Ltmp7:
0x70: {  	s9 =	sshll.u32 s9, $0x4;
	(pc) =	sbr.rel @p2 .LBB2_8-.Ltmp7, $4  }
0x71: {  	s9 =	sand.u32 $0x1FFFFFF0, s9  }
0x72: {  	s9 =	sadd.s32 s6, s9  }
0x73: {  	[tilespmem:s3], [sflag:$0x9] =	stream.linear.gather [hbm4b:s9+s18], $0x40, $0x38;
	[tilespmem:$0x1EF88] =	vst v63  }
0x74: {  	s3 =	sadd.s32 $0x80, s3  }
.Ltmp8:
0x75: {  	_ = 	snop;
	(pc) =	sbr.rel .LBB2_5-.Ltmp8, $1  }
0x76: {  	_ =	sdelay $0x3  }
.LBB2_9:
0x77: {  	p2 =	slt.u32 s22, $0x2  }
.Ltmp9:
0x78: {  	_ = 	snop;
	(pc) =	sbr.rel @p2 .LBB2_27-.Ltmp9, $1  }
0x79: {  	_ =	sdelay $0x3  }
0x7a: {  	p2 =	sgt.s32 s23, $0x3FDC0  }
0x7b: {  	s0 =	smov.u32 s23;
	s2 =	sshra.s32 s23, $0x1F;
	s3 =	ssub.s32 $0x3FF00, s23  }
0x7c: {  	s0 =	simm.s32 @!p2 $0x3FDC0;
	s2 =	sand.u32 s2, s23;
	p2 =	slt.s32 s3, $0x140  }
0x7d: {  	s0 =	ssub.s32 s0, s2;
	s3 =	simm.s32 @!p2 $0x140  }
0x7e: {  	s0 =	sadd.s32 $0xFFFC0240, s0;
	s10 =	sshll.u32 s3, $0x6  }
0x7f: {  	s26 =	simm.s32 $0x9;
	s24 =	sshll.u32 s0, $0x2;
	s2 =	sand.u32 $0x3FFFFFC0, s10  }
0x80: {  	p2 =	sgt.s32 s0, $0x13F;
	s25 =	ssub.s32 $0x500, s24;
	_ =	swait.ge [sflag:s26], s2  }
0x81: {  	s2 =	ssub.s32 $0x0, s2;
	[sflag:s26] =	ssyncset.done $0x0;
	s0 =	sshrl.u32 s25, $0x2  }
0x82: {  	[sflag:s26] =	ssyncadd.s32 s2;
	s0 =	simm.s32 @p2 $0x0  }
0x83: {  	_ =	swait.ge [sflag:s11], s0  }
0x84: {  	s0 =	ssub.s32 $0x0, s0;
	[sflag:s11] =	ssyncset.done $0x0  }
0x85: {  	[sflag:s11] =	ssyncadd.s32 s0  }
0x86: {  	v1 =	vld [tilespmem:$0xA108];
	_ =	sdelay $0x4  }
0x87: {  	(v2sf) =	vpush v1, $0x0  }
0x88: {  	(v2sf) =	vpush v1, $0x1  }
0x89: {  	(v2sf) =	vpush v1, $0x2;
	_ =	sdelay $0x3  }
0x8a: {  	s0 =	sadd.s32 $0x140, s23  }
0x8b: {  	s2 =	ssub.s32 $0x7FE00, s23;
	p2 =	slt.s32 s8, s0  }
0x8c: {  	s0 =	smov.u32 @p2 s8;
	p2 =	sgt.s32 s2, $0x0  }
0x8d: {  	s0 =	ssub.s32 s0, s23;
	s2 =	simm.s32 @!p2 $0x0  }
0x8e: {  	p2 =	slt.s32 s2, s0  }
0x8f: {  	s0 =	smov.u32 @p2 s2  }
0x90: {  	s26 =	simm.s32 $0x1;
	p2 =	slt.s32 s0, $0x1  }
.Ltmp10:
0x91: {  	s26 =	simm.s32 @!p1 $0x0;
	(pc) =	sbr.rel @p2 .LBB2_14-.Ltmp10, $4  }
0x92: {  	s30 =	smul.u32 $0x500, s26  }
0x93: {  	s28 =	spop (v2sf)  }
0x94: {  	s31 =	sshrl.u32 s30, $0x2;
	s29 =	spop (v2sf)  }
0x95: {  	s24 =	sadd.s32 $0xAD08, s31;
	s23 =	spop (v2sf)  }
0x96: {  	s2 =	smin.u32 s0, $0x10  }
0x97: {  	v1 =	vmov s2  }
0x98: {  	p3 =	sgt.s32 s0, $0x10;
	vm1 =	vgt.u32 v1, v0  }
.Ltmp11:
0x99: {  	_ = 	snop;
	(pc) =	sbr.rel @!p3 .LBB2_13-.Ltmp11, $2  }
0x9a: {  	_ =	sdelay $0x2  }
0x9b: {  	s5 =	simm.s32 $0x10;
	s25 =	sadd.s32 $0xFFFFFFF0, s0;
	s4 =	smov.u32 s24;
	vm0 =	vmmov vm1  }
.LBB2_12:
0x9c: {  	s2 =	smin.u32 s25, $0x10;
	s5 =	sadd.s32 $0x10, s5;
	v1 =	vld.msk [tilespmem:s4+$0x0 ss:$0x1], vm1  }
0x9d: {  	v2 =	vmov s2;
	p3 =	slt.s32 s5, s0  }
0x9e: {  	vm1 =	vgt.u32 v2, v0  }
.Ltmp12:
0x9f: {  	(pc) =	sbr.rel @p3 .LBB2_12-.Ltmp12, $3  }
0xa0: {  	_ =	sdelay $0x1  }
0xa1: {  	v1 =	vshll.u32 v1, $0x4  }
0xa2: {  	s25 =	sadd.s32 $0xFFFFFFF0, s25;
	[tilespmem:s4+$0x0] =	vst.msk vm0, v1;
	s4 =	sadd.s32 $0x10, s4;
	vm0 =	vmmov vm1  }
.LBB2_13:
0xa3: {  	_ =	sdelay $0x4  }
0xa4: {  	v1 =	vld.msk [tilespmem:s4+$0x0 ss:$0x1], vm1;
	_ =	sdelay $0x4  }
0xa5: {  	v1 =	vshll.u32 v1, $0x4  }
0xa6: {  	[tilespmem:s4+$0x0] =	vst.msk vm0, v1  }
.LBB2_14:
0xa7: {  	s2 =	sand.u32 $0x1, s22  }
0xa8: {  	s2 =	smul.u32 $0x140, s2  }
0xa9: {  	p3 =	sne.s32 s29, $0xFFFFFFFF  }
0xaa: {  	v1 =	vld.msk @!p3 [tilespmem:s2+$0xAD08], $0x1;
	_ =	sdelay $0x4  }
0xab: {  	(v2sf) =	vpush @!p3 v1, $0x0;
	_ =	sdelay $0xc  }
.Ltmp13:
0xac: {  	_ = 	snop;
	(pc) =	sbr.rel @p2 .LBB2_25-.Ltmp13, $4  }
0xad: {  	_ = 	snop  }
0xae: {  	s30 =	spop @!p3 (v2sf)  }
0xaf: {  	s23 =	simm.s32 @!p3 $0x0;
	s25 =	smov.u32 s30  }
0xb0: {  	[sflag:s19] =	ssyncpa.u1 $0x0;
	s30 =	smov.u32 @p3 s28;
	s25 =	smov.u32 @p3 s29  }
0xb1: {  	v1 =	vld.msk [tilespmem:s24+$0x0], $0x1;
	_ =	sdelay $0x4  }
0xb2: {  	(v2sf) =	vpush v1, $0x0;
	_ =	sdelay $0xe  }
0xb3: {  	s2 =	smul.u32 $0x28000, s26;
	s4 =	spop (v2sf)  }
0xb4: {  	s28 =	ssub.s32 $0x0, s0;
	p2 =	seq.s32 s30, s4  }
0xb5: {  	s0 =	sadd.s32 $0x1, s28;
	s2 =	sshrl.u32 s2, $0x2;
	p3 =	sgt.s32 @!p2 s30, $0x0  }
0xb6: {  	s26 =	sadd.s32 $0xAFA8, s2;
	s2 =	smov.u32 s30;
	p3 =	por !p3, p2  }
0xb7: {  	s2 =	simm.s32 @p3 $0x0;
	p3 =	seq.s32 s0, $0x0  }
.Ltmp14:
0xb8: {  	_ = 	snop;
	(pc) =	sbr.rel @p3 .LBB2_17-.Ltmp14, $4  }
0xb9: {  	_ = 	snop  }
0xba: {  	s29 =	simm.s32 $0x0;
	s5 =	simm.s32 @!p2 $0x1;
	s3 =	smin.u32 @!p2 s2, $0x3FF8  }
0xbb: {  	s31 =	sadd.s32 $0x1, s24;
	s5 =	smov.u32 @p2 s29;
	s9 =	sand.u32 @!p2 $0x3FF8, s3  }
0xbc: {  	s2 =	simm.s32 @!p2 $0x50C8;
	s3 =	sand.u32 @!p2 $0x7, s3;
	s9 =	sadd.s32 @!p2 s1, s9  }
.LBB2_16:
0xbd: {  	s10 =	smov.u32 s5  }
0xbe: {  	[tilespmem:s2], [sflag:$0x2] =	stream.linear.gather @!p2 [hbm4b:s9+s3], $0x40, $0x38;
	[tilespmem:$0x1EF88] =	vst v63  }
0xbf: {  	s0 =	sadd.s32 $0x1, s0;
	s3 =	smov.u32 s4;
	v1 =	vld.msk [tilespmem:s31+$0x0], $0x1  }
0xc0: {  	p3 =	seq.s32 s0, $0x0;
	_ =	sdelay $0x3  }
0xc1: {  	(v2sf) =	vpush v1, $0x0;
	_ =	sdelay $0xe  }
0xc2: {  	s4 =	spop (v2sf)  }
0xc3: {  	p2 =	seq.s32 s3, s4  }
0xc4: {  	p4 =	sgt.s32 @!p2 s3, $0x0;
	s2 =	sshll.u32 @!p2 s5, $0x8;
	s5 =	sadd.s32 @!p2 $0x1, s5  }
.Ltmp15:
0xc5: {  	p4 =	por !p4, p2;
	s2 =	sshra.s32 @!p2 s2, $0x2;
	(pc) =	sbr.rel @!p3 .LBB2_16-.Ltmp15, $4  }
0xc6: {  	s5 =	smov.u32 @p2 s10;
	s3 =	simm.s32 @p4 $0x0;
	s2 =	sadd.s32 @!p2 $0x50C8, s2  }
0xc7: {  	s3 =	smin.u32 @!p2 s3, $0x3FF8  }
0xc8: {  	s9 =	sand.u32 @!p2 $0x3FF8, s3;
	s3 =	sand.u32 @!p2 $0x7, s3  }
0xc9: {  	s31 =	sadd.s32 $0x1, s31;
	s9 =	sadd.s32 @!p2 s1, s9  }
.LBB2_17:
0xca: {  	[tilespmem:s2], [sflag:$0x2] =	stream.linear.gather @!p2 [hbm4b:s9+s3], $0x40, $0x38;
	[tilespmem:$0x1EF88] =	vst v63  }
.Ltmp16:
0xcb: {  	s0 =	sshll.u32 s5, $0x6;
	(pc) =	sbr.rel .LBB2_18-.Ltmp16, $4  }
0xcc: {  	s31 =	simm.s32 $0x2;
	s0 =	sand.u32 $0x3FFFFFC0, s0  }
0xcd: {  	_ =	swait.ge [sflag:s31], s0  }
0xce: {  	s0 =	ssub.s32 $0x0, s0;
	[sflag:s31] =	ssyncset.done $0x0  }
0xcf: {  	[sflag:s31] =	ssyncadd.s32 s0;
	s0 =	simm.s32 $0x0  }
.LBB2_19:
0xd0: {  	v1 =	vld [tilespmem:s26+$0xFFFFFFE0];
	_ =	sdelay $0x4  }
0xd1: {  	[tilespmem:s4+$0x88] =	vst.add.f32.msk $0xffff, v1  }
0xd2: {  	v1 =	vld [tilespmem:s26+$0xFFFFFFF0];
	_ =	sdelay $0x4  }
0xd3: {  	[tilespmem:s4+$0x98] =	vst.add.f32.msk $0xffff, v1  }
0xd4: {  	v1 =	vld [tilespmem:s26+$0x0];
	_ =	sdelay $0x4  }
0xd5: {  	[tilespmem:s4+$0xA8] =	vst.add.f32.msk $0xffff, v1  }
0xd6: {  	v1 =	vld [tilespmem:s26+$0x10];
	_ =	sdelay $0x4  }
0xd7: {  	[tilespmem:s4+$0xB8] =	vst.add.f32.msk $0xffff, v1  }
.LBB2_23:
0xd8: {  	s28 =	sadd.s32 $0x1, s28  }
0xd9: {  	p2 =	seq.s32 s28, $0x0  }
.Ltmp17:
0xda: {  	_ = 	snop;
	(pc) =	sbr.rel @p2 .LBB2_24-.Ltmp17, $2  }
0xdb: {  	_ =	sdelay $0x2  }
0xdc: {  	s26 =	sadd.s32 $0x80, s26;
	s24 =	sadd.s32 $0x1, s24;
	s30 =	smov.u32 s31  }
.LBB2_18:
0xdd: {  	v1 =	vld.msk [tilespmem:s24+$0x0], $0x1;
	_ =	sdelay $0x4  }
0xde: {  	(v2sf) =	vpush v1, $0x0;
	_ =	sdelay $0xe  }
0xdf: {  	s31 =	spop (v2sf)  }
0xe0: {  	p2 =	sne.s32 s30, s31  }
.Ltmp18:
0xe1: {  	_ = 	snop;
	(pc) =	sbr.rel @!p2 .LBB2_19-.Ltmp18, $3  }
0xe2: {  	_ =	sdelay $0x1  }
0xe3: {  	s2 =	sshll.u32 s23, $0x8  }
0xe4: {  	s4 =	sshra.s32 s2, $0x2  }
0xe5: {  	p2 =	seq.s32 s30, s25  }
.Ltmp19:
0xe6: {  	_ = 	snop;
	(pc) =	sbr.rel @!p2 .LBB2_21-.Ltmp19, $1  }
0xe7: {  	_ =	sdelay $0x3  }
.Ltmp20:
0xe8: {  	s2 =	sadd.s32 $0x88, s4;
	(pc) =	sbr.rel .LBB2_22-.Ltmp20, $4  }
0xe9: {  	[spmem:s16] =	stream.linear.scatter [tilespmem:s2], [sflag:$0x1], $0x40, $0x38;
	[tilespmem:$0x1EF88] =	vst v63  }
0xea: {  	_ =	swait.ge [sflag:s12], $0x40  }
0xeb: {  	[sflag:s12] =	ssyncset.done $0x0  }
0xec: {  	[sflag:s12] =	ssyncadd.s32 $0xFFFFFFC0  }
.LBB2_21:
0xed: {  	s2 =	sshll.u32 s29, $0x8  }
0xee: {  	s2 =	sshra.s32 s2, $0x2  }
0xef: {  	v1 =	vld [tilespmem:s2+$0x50C8];
	_ =	sdelay $0x4  }
0xf0: {  	[tilespmem:s4+$0x88] =	vst.add.f32.msk $0xffff, v1  }
0xf1: {  	v1 =	vld [tilespmem:s2+$0x50D8];
	_ =	sdelay $0x4  }
0xf2: {  	[tilespmem:s4+$0x98] =	vst.add.f32.msk $0xffff, v1  }
0xf3: {  	v1 =	vld [tilespmem:s2+$0x50E8];
	_ =	sdelay $0x4  }
0xf4: {  	[tilespmem:s4+$0xA8] =	vst.add.f32.msk $0xffff, v1  }
0xf5: {  	v1 =	vld [tilespmem:s2+$0x50F8];
	_ =	sdelay $0x2  }
0xf6: {  	p2 =	sgt.u32 s30, $0x3FF8  }
0xf7: {  	s2 =	sand.u32 @!p2 $0x3FF8, s30  }
0xf8: {  	s3 =	sadd.s32 $0x88, s4;
	s2 =	sadd.s32 @!p2 s1, s2;
	[tilespmem:s4+$0xB8] =	vst.add.f32.msk $0xffff, v1;
	s4 =	sand.u32 @!p2 $0x7, s30  }
0xf9: {  	[hbm4b:s2+s4] =	stream.linear.scatter @!p2 [tilespmem:s3], [sflag:$0xC], $0x40, $0x38;
	[tilespmem:$0x1EF88] =	vst v63  }
0xfa: {  	s2 =	simm.s32 $0x0  }
0xfb: {  	s2 =	simm.s32 @!p2 $0x100  }
0xfc: {  	s0 =	sadd.s32 s2, s0  }
.LBB2_22:
0xfd: {  	s2 =	sadd.s32 $0x1, s23  }
0xfe: {  	s3 =	smulhi.u32 $0xCCCCCCCD, s2;
	_ =	sdelay $0x1  }
0xff: {  	v1 =	vld [tilespmem:s26+$0xFFFFFFE0];
	s3 =	sshrl.u32 s3, $0x8  }
0x100: {  	s3 =	smul.u32 $0x140, s3;
	_ =	sdelay $0x1  }
0x101: {  	s23 =	ssub.s32 s2, s3  }
0x102: {  	s2 =	sshll.u32 s23, $0x6  }
0x103: {  	[tilespmem:s2+$0x88] =	vst v1  }
0x104: {  	v1 =	vld [tilespmem:s26+$0xFFFFFFF0];
	_ =	sdelay $0x4  }
0x105: {  	[tilespmem:s2+$0x98] =	vst v1  }
0x106: {  	v1 =	vld [tilespmem:s26+$0x0];
	_ =	sdelay $0x4  }
0x107: {  	[tilespmem:s2+$0xA8] =	vst v1  }
0x108: {  	v1 =	vld [tilespmem:s26+$0x10]  }
.Ltmp21:
0x109: {  	_ = 	snop;
	(pc) =	sbr.rel .LBB2_23-.Ltmp21, $2  }
0x10a: {  	_ =	sdelay $0x2  }
0x10b: {  	s29 =	sadd.s32 $0x1, s29;
	[tilespmem:s2+$0xB8] =	vst v1  }
.LBB2_25:
.Ltmp22:
0x10c: {  	(pc) =	sbr.rel .LBB2_26-.Ltmp22, $4  }
0x10d: {  	_ = 	snop  }
0x10e: {  	s0 =	simm.s32 $0x2  }
0x10f: {  	_ =	swait.ge [sflag:s0], $0x0  }
0x110: {  	s31 =	smov.u32 s30;
	[sflag:s0] =	ssyncset.done $0x0;
	s0 =	simm.s32 $0x0  }
.LBB2_28:
0x111: {  	_ =	sfence.sel $0x180000  }
0x112: {  	s0 =	simm.s32 $0x9;
	[bflag:$0x0] =	sbarrier.arrive $0xFFFF  }
0x113: {  	s24 =	simm.s32 $0xA;
	[sflag:s0] =	ssyncpa.u1 $0x1  }
0x114: {  	s25 =	simm.s32 $0xB;
	[sflag:s24] =	ssyncpa.u1 $0x1  }
0x115: {  	s26 =	simm.s32 $0x2;
	[sflag:s25] =	ssyncpa.u1 $0x1  }
0x116: {  	[sflag:s26] =	ssyncpa.u1 $0x1  }
0x117: {  	v0 =	vld [tilespmem:$0xA108];
	_ =	sdelay $0x4  }
0x118: {  	(v2sf) =	vpush v0, $0x0  }
0x119: {  	(v2sf) =	vpush v0, $0x1;
	_ =	sdelay $0x1  }
0x11a: {  	(v2sf) =	vpush v0, $0x2;
	_ =	sdelay $0xb  }
0x11b: {  	s0 =	spop (v2sf)  }
0x11c: {  	s2 =	spop (v2sf)  }
0x11d: {  	s3 =	smov.u32 s0;
	p0 =	sne.s32 s0, s2  }
0x11e: {  	s4 =	spop (v2sf);
	s3 =	simm.s32 @!p0 $0xFFFFFFFF  }
0x11f: {  	v2 =	vimm.s32 $0x1;
	v3 =	vlaneseq.u32;
	p0 =	seq.s32 s4, $0xFFFFFFFF;
	v1 =	vmov s3  }
0x120: {  	s15 =	stileid.u32;
	v0 =	vperm.xlane v0, v2;
	p1 =	sne.s32 @!p0 s0, s2;
	v1 =	vperm.xlane v1, v3  }
0x121: {  	vm0 =	vcmask $0x3F04;
	s6 =	simm.s32 $0xA108;
	s0 =	simm.s32 @!p0 $0x1;
	p1 =	por !p1, p0  }
0x122: {  	s3 =	sshll.u32 s15, $0x1;
	s2 =	sshll.u32 @!p0 s4, $0x8;
	s0 =	simm.s32 @p1 $0x0;
	v0 =	vsel vm0, v1, v0  }
0x123: {  	s5 =	sor.u32 $0x800, s3;
	s2 =	sshra.s32 @!p0 s2, $0x2;
	s0 =	sor.u32 @!p0 s0, s3;
	[tilespmem:$0xA108] =	vst v0  }
0x124: {  	[spmem:s5] =	stream.linear.scatter [tilespmem:s6], [sflag:$0x1], $0x2, $0x38;
	[tilespmem:$0x1EF88] =	vst v63  }
0x125: {  	s2 =	sadd.s32 @!p0 $0x88, s2;
	s0 =	sshll.u32 @!p0 s0, $0x6  }
0x126: {  	[spmem:s0] =	stream.linear.scatter @!p0 [tilespmem:s2], [sflag:$0x1], $0x40, $0x38;
	[tilespmem:$0x1EF88] =	vst v63  }
0x127: {  	s0 =	simm.s32 @!p0 $0x42  }
0x128: {  	s28 =	simm.s32 $0x1;
	s0 =	simm.s32 @p0 $0x2  }
0x129: {  	_ =	swait.ge [sflag:s28], s0  }
0x12a: {  	s0 =	ssub.s32 $0x0, s0;
	[sflag:s28] =	ssyncset.done $0x0  }
0x12b: {  	p0 =	sne.s32 s15, $0x0;
	[sflag:s28] =	ssyncadd.s32 s0  }
.Ltmp23:
0x12c: {  	_ =	sfence.stream.spmem;
	(pc) =	sbr.rel @p0 .LBB2_45-.Ltmp23, $4  }
0x12d: {  	s29 =	simm.s32 $0x3;
	[bflag:$0x0] =	sbarrier.arrive $0xFFFF  }
0x12e: {  	s30 =	simm.s32 $0x4;
	[sflag:s29] =	ssyncpa.u1 $0x1  }
0x12f: {  	s31 =	simm.s32 $0x3C;
	[sflag:s30] =	ssyncpa.u1 $0x1  }
0x130: {  	s14 =	rddreg [dreg:$0x5];
	[sflag:s31] =	ssyncpa.u1 $0x1  }
0x131: {  	_ =	sfence.stream.spmem;
	s0 =	simm.s32 $0x5  }
0x132: {  	s2 =	simm.s32 $0x800;
	s3 =	simm.s32 $0xA118;
	[sflag:s0] =	ssyncpa.u1 $0x0  }
0x133: {  	[tilespmem:s3], [sflag:$0x5] =	stream.linear.gather [spmem:s2], $0x20, $0x38;
	[tilespmem:$0x1EF88] =	vst v63  }
0x134: {  	s26 =	simm.s32 $0x0;
	s28 =	simm.s32 $0xA138  }
0x135: {  	[tilespmem:s28], [sflag:$0x5] =	stream.linear.gather [spmem:s26], $0x800, $0x38;
	[tilespmem:$0x1EF88] =	vst v63  }
0x136: {  	_ =	swait.ge [sflag:s0], $0x820  }
0x137: {  	[sflag:s0] =	ssyncset.done $0x0  }
0x138: {  	s29 =	simm.s32 $0x0;
	[sflag:s0] =	ssyncadd.s32 $0xFFFFF7E0  }
0x139: {  	v0 =	vld.msk [tilespmem:s29+$0xA118], $0x1;
	_ =	sdelay $0x1  }
0x13a: {  	s30 =	simm.s32 $0x1  }
0x13b: {  	v1 =	vld.msk [tilespmem:s30+$0xA118], $0x1;
	_ =	sdelay $0x1  }
0x13c: {  	(v2sf) =	vpush v0, $0x0;
	_ =	sdelay $0x2  }
0x13d: {  	(v2sf) =	vpush v1, $0x0;
	_ =	sdelay $0x2  }
0x13e: {  	s31 =	simm.s32 $0x2  }
0x13f: {  	v0 =	vld.msk [tilespmem:s31+$0xA118], $0x1;
	_ =	sdelay $0x2  }
0x140: {  	s4 =	simm.s32 $0xFFFFFFFF;
	s2 =	simm.s32 $0xFFFFFFFF;
	s0 =	simm.s32 $0xC  }
.LBB2_30:
0x141: {  	s3 =	smov.u32 s4;
	s5 =	smov.u32 s2  }
0x142: {  	s2 =	sshra.s32 s0, $0x2;
	p1 =	sne.s32 s0, $0x7C;
	s0 =	sadd.s32 $0x4, s0;
	(v2sf) =	vpush v0, $0x0  }
0x143: {  	v0 =	vld.msk [tilespmem:s2+$0xA118], $0x1  }
.Ltmp24:
0x144: {  	(pc) =	sbr.rel @p1 .LBB2_30-.Ltmp24, $4  }
0x145: {  	s4 =	spop (v2sf)  }
0x146: {  	p2 =	sne.s32 s5, $0xFFFFFFFF;
	s2 =	smov.u32 s4  }
0x147: {  	p3 =	seq.s32 s4, $0xFFFFFFFF;
	s2 =	smov.u32 @p2 s5  }
0x148: {  	s4 =	smov.u32 @p3 s3;
	s2 =	smov.u32 @p3 s5  }
0x149: {  	(v2sf) =	vpush v0, $0x0;
	_ =	sdelay $0x8  }
0x14a: {  	s0 =	spop (v2sf)  }
0x14b: {  	p1 =	sne.s32 s2, $0xFFFFFFFF;
	s3 =	smov.u32 s0  }
0x14c: {  	s9 =	simm.s32 $0x6;
	p2 =	seq.s32 s0, $0xFFFFFFFF;
	s3 =	smov.u32 @p1 s2  }
0x14d: {  	s6 =	simm.s32 $0x0;
	s3 =	smov.u32 @p2 s2;
	s2 =	spop (v2sf)  }
0x14e: {  	s0 =	smov.u32 @p2 s4;
	p1 =	sne.s32 s3, $0xFFFFFFFF;
	s5 =	smov.u32 s2  }
.Ltmp25:
0x14f: {  	p2 =	seq.s32 s2, $0xFFFFFFFF;
	s5 =	smov.u32 @p1 s3;
	(pc) =	sbr.rel .LBB2_32-.Ltmp25, $4  }
0x150: {  	s10 =	simm.s32 $0xA0C8;
	s5 =	smov.u32 @p2 s3;
	s7 =	spop (v2sf)  }
0x151: {  	s11 =	simm.s32 $0x0;
	p1 =	sne.s32 s5, $0xFFFFFFFF;
	s8 =	smov.u32 s7  }
0x152: {  	s2 =	smov.u32 @p2 s0;
	p2 =	seq.s32 s7, $0xFFFFFFFF;
	s8 =	smov.u32 @p1 s5  }
0x153: {  	[sflag:s9] =	ssyncpa.u1 $0x0;
	s7 =	smov.u32 @p2 s2;
	s8 =	smov.u32 @p2 s5  }
.LBB2_38:
0x154: {  	p1 =	sgt.u32 s12, $0x3FF8  }
0x155: {  	p2 =	seq.s32 @!p1 s12, s8  }
0x156: {  	p1 =	por p1, p2  }
0x157: {  	p2 =	sne.s32 @!p1 s12, s7  }
0x158: {  	p1 =	por p1, !p2  }
0x159: {  	s0 =	sshll.u32 @p1 s11, $0x8  }
0x15a: {  	s0 =	sand.u32 @!p1 $0x3FF8, s12  }
0x15b: {  	s2 =	sand.u32 @!p1 $0x7, s12;
	s0 =	sadd.s32 @!p1 s1, s0  }
0x15c: {  	[tilespmem:s10], [sflag:$0x6] =	stream.linear.gather @!p1 [hbm4b:s0+s2], $0x40, $0x38;
	[tilespmem:$0x1EF88] =	vst v63  }
0x15d: {  	_ =	swait.ge @!p1 [sflag:s9], $0x40  }
0x15e: {  	[sflag:s9] =	ssyncset.done @!p1 $0x0  }
0x15f: {  	[sflag:s9] =	ssyncadd.s32 @!p1 $0xFFFFFFC0  }
0x160: {  	v1 =	vld @!p1 [tilespmem:$0xA0C8];
	_ =	sdelay $0x2  }
0x161: {  	s0 =	sshll.u32 @!p1 s11, $0x8  }
0x162: {  	s2 =	sshrl.u32 @!p1 s0, $0x2  }
0x163: {  	[tilespmem:s2+$0xA138] =	vst.add.f32.msk @!p1 $0xffff, v1  }
0x164: {  	v1 =	vld @!p1 [tilespmem:$0xA0D8];
	_ =	sdelay $0x4  }
0x165: {  	[tilespmem:s2+$0xA148] =	vst.add.f32.msk @!p1 $0xffff, v1  }
0x166: {  	v1 =	vld @!p1 [tilespmem:$0xA0E8];
	_ =	sdelay $0x4  }
0x167: {  	[tilespmem:s2+$0xA158] =	vst.add.f32.msk @!p1 $0xffff, v1  }
0x168: {  	v1 =	vld @!p1 [tilespmem:$0xA0F8];
	_ =	sdelay $0x4  }
0x169: {  	[tilespmem:s2+$0xA168] =	vst.add.f32.msk @!p1 $0xffff, v1  }
0x16a: {  	s0 =	sshrl.u32 s0, $0x2;
	[tilespmem:s6+$0xA118] =	vst.msk $0x1, v0  }
0x16b: {  	v0 =	vld [tilespmem:s0+$0xA138];
	_ =	sdelay $0x2  }
0x16c: {  	s31 =	sshll.u32 s6, $0x8  }
0x16d: {  	s2 =	sshra.s32 s31, $0x2  }
0x16e: {  	[tilespmem:s2+$0xA138] =	vst v0  }
0x16f: {  	v0 =	vld [tilespmem:s0+$0xA148];
	_ =	sdelay $0x4  }
0x170: {  	[tilespmem:s2+$0xA148] =	vst v0  }
0x171: {  	v0 =	vld [tilespmem:s0+$0xA158];
	_ =	sdelay $0x4  }
0x172: {  	[tilespmem:s2+$0xA158] =	vst v0  }
0x173: {  	v0 =	vld [tilespmem:s0+$0xA168];
	_ =	sdelay $0x4  }
0x174: {  	s6 =	sadd.s32 $0x1, s6;
	[tilespmem:s2+$0xA168] =	vst v0  }
.LBB2_39:
0x175: {  	s11 =	sadd.s32 $0x1, s11  }
0x176: {  	p1 =	sne.s32 s11, $0x20  }
.Ltmp26:
0x177: {  	_ = 	snop;
	(pc) =	sbr.rel @!p1 .LBB2_40-.Ltmp26, $1  }
0x178: {  	_ =	sdelay $0x3  }
.LBB2_32:
0x179: {  	v0 =	vld.msk [tilespmem:s11+$0xA118], $0x1;
	_ =	sdelay $0x4  }
0x17a: {  	(v2sf) =	vpush v0, $0x0;
	_ =	sdelay $0xe  }
0x17b: {  	s12 =	spop (v2sf)  }
0x17c: {  	p1 =	seq.s32 s12, $0xFFFFFFFF  }
.Ltmp27:
0x17d: {  	_ = 	snop;
	(pc) =	sbr.rel @p1 .LBB2_39-.Ltmp27, $1  }
0x17e: {  	_ =	sdelay $0x3  }
0x17f: {  	p1 =	slt.s32 s6, $0x1  }
.Ltmp28:
0x180: {  	_ = 	snop;
	(pc) =	sbr.rel @p1 .LBB2_38-.Ltmp28, $1  }
0x181: {  	_ =	sdelay $0x3  }
0x182: {  	s0 =	simm.s32 $0xA118;
	p1 =	por $0x0, $0x0  }
0x183: {  	v1 =	vld.msk @!p1 [tilespmem:s0+$0x0], $0x1;
	_ =	sdelay $0x4  }
0x184: {  	(v2sf) =	vpush @!p1 v1, $0x0;
	_ =	sdelay $0xd  }
0x185: {  	p3 =	sne.s32 s6, $0x1  }
.Ltmp29:
0x186: {  	s2 =	spop @!p1 (v2sf);
	(pc) =	sbr.rel @!p3 .LBB2_36-.Ltmp29, $4  }
0x187: {  	p2 =	seq.s32 @!p1 s12, s2  }
0x188: {  	s13 =	simm.s32 $0x0;
	p2 =	por !p2, p1  }
0x189: {  	s2 =	simm.s32 $0xFFFFFFFF;
	s13 =	simm.s32 @p2 $0xFFFFFFFF  }
0x18a: {  	s4 =	simm.s32 $0x1;
	s13 =	smov.u32 @p1 s2  }
.LBB2_35:
0x18b: {  	s2 =	smov.u32 s13;
	p1 =	sne.s32 s13, $0xFFFFFFFF  }
0x18c: {  	s0 =	sadd.s32 $0x1, s0;
	s13 =	smov.u32 s4;
	s4 =	sadd.s32 $0x1, s4  }
0x18d: {  	p2 =	sne.s32 s6, s4;
	v1 =	vld.msk @!p1 [tilespmem:s0+$0x0], $0x1;
	_ =	sdelay $0x4  }
0x18e: {  	(v2sf) =	vpush @!p1 v1, $0x0;
	_ =	sdelay $0xe  }
.Ltmp30:
0x18f: {  	s3 =	spop @!p1 (v2sf);
	(pc) =	sbr.rel @p2 .LBB2_35-.Ltmp30, $4  }
0x190: {  	p3 =	seq.s32 @!p1 s12, s3  }
0x191: {  	p3 =	por !p3, p1  }
0x192: {  	s13 =	simm.s32 @p3 $0xFFFFFFFF  }
0x193: {  	s13 =	smov.u32 @p1 s2  }
.LBB2_36:
0x194: {  	p1 =	seq.s32 s13, $0xFFFFFFFF  }
.Ltmp31:
0x195: {  	_ = 	snop;
	(pc) =	sbr.rel @p1 .LBB2_38-.Ltmp31, $1  }
0x196: {  	_ =	sdelay $0x3  }
0x197: {  	s0 =	sshll.u32 s11, $0x6  }
0x198: {  	s0 =	sand.u32 $0x3FFFFFC0, s0  }
0x199: {  	v0 =	vld [tilespmem:s0+$0xA138];
	_ =	sdelay $0x2  }
0x19a: {  	s2 =	sshll.u32 s13, $0x8  }
0x19b: {  	s2 =	sshra.s32 s2, $0x2  }
0x19c: {  	[tilespmem:s2+$0xA138] =	vst.add.f32.msk $0xffff, v0  }
0x19d: {  	v0 =	vld [tilespmem:s0+$0xA148];
	_ =	sdelay $0x4  }
0x19e: {  	[tilespmem:s2+$0xA148] =	vst.add.f32.msk $0xffff, v0  }
0x19f: {  	v0 =	vld [tilespmem:s0+$0xA158];
	_ =	sdelay $0x4  }
0x1a0: {  	[tilespmem:s2+$0xA158] =	vst.add.f32.msk $0xffff, v0  }
0x1a1: {  	v0 =	vld [tilespmem:s0+$0xA168]  }
.Ltmp32:
0x1a2: {  	_ = 	snop;
	(pc) =	sbr.rel .LBB2_39-.Ltmp32, $2  }
0x1a3: {  	_ =	sdelay $0x2  }
0x1a4: {  	[tilespmem:s2+$0xA168] =	vst.add.f32.msk $0xffff, v0  }
.LBB2_40:
0x1a5: {  	s0 =	simm.s32 $0x6;
	p1 =	seq.s32 s6, $0x0  }
0x1a6: {  	[sflag:s0] =	ssyncpa.u1 $0x1;
	v0 =	vimm.s32 @p1 $0xFFFFFFFF  }
0x1a7: {  	s0 =	sadd.s32 $0xFFFFFFFF, s6;
	[tilespmem:$0xA938] =	vst @p1 v0  }
0x1a8: {  	v0 =	vld.msk @!p1 [tilespmem:s0+$0xA118], $0x1;
	_ =	sdelay $0x1  }
0x1a9: {  	v1 =	vld.msk @!p1 [tilespmem:$0xA118], $0x1;
	_ =	sdelay $0x2  }
0x1aa: {  	p2 =	seq.s32 @!p1 s0, $0x0;
	v0 =	vbroadcast @!p1 v0, $0x0  }
0x1ab: {  	vm0 =	vmmov @!p1 $0x1;
	p2 =	por !p2, p1  }
0x1ac: {  	v1 =	vnsel @!p1 vm0, $0xFFFFFFFF, v1;
	vm0 =	vcmask @!p1 $0x308;
	v0 =	vpsel !p2, $0xFFFFFFFF, v0  }
0x1ad: {  	p2 =	sne.s32 @!p1 s8, s7;
	v0 =	vsel @!p1 vm0, v1, v0  }
0x1ae: {  	s2 =	simm.s32 @!p1 $0xA138;
	s3 =	simm.s32 @!p1 $0x0;
	p3 =	por !p2, p1;
	[tilespmem:$0xA938] =	vst @!p1 v0  }
0x1af: {  	[spmem:s3] =	stream.linear.scatter @!p1 [tilespmem:s2], [sflag:$0x1], $0x40, $0x38;
	[tilespmem:$0x1EF88] =	vst v63  }
0x1b0: {  	s2 =	sshll.u32 @!p3 s0, $0x8  }
0x1b1: {  	s2 =	sshra.s32 @!p3 s2, $0x2  }
0x1b2: {  	s3 =	simm.s32 @!p3 $0x40;
	s2 =	sadd.s32 @!p3 $0xA138, s2  }
0x1b3: {  	[spmem:s3] =	stream.linear.scatter @!p3 [tilespmem:s2], [sflag:$0x1], $0x40, $0x38;
	[tilespmem:$0x1EF88] =	vst v63  }
0x1b4: {  	s2 =	simm.s32 @!p3 $0x1  }
0x1b5: {  	_ =	swait.ge @!p3 [sflag:s2], $0x80  }
0x1b6: {  	p1 =	por p2, p1;
	[sflag:s2] =	ssyncset.done @!p3 $0x0  }
0x1b7: {  	[sflag:s2] =	ssyncadd.s32 @!p3 $0xFFFFFF80;
	s2 =	simm.s32 @!p1 $0x1  }
0x1b8: {  	_ =	swait.ge @!p1 [sflag:s2], $0x40  }
0x1b9: {  	s29 =	simm.s32 $0xA938;
	[sflag:s2] =	ssyncset.done @!p1 $0x0  }
0x1ba: {  	s30 =	simm.s32 $0x800;
	s31 =	simm.s32 $0x1;
	[sflag:s2] =	ssyncadd.s32 @!p1 $0xFFFFFFC0  }
0x1bb: {  	[spmem:s30] =	stream.linear.scatter [tilespmem:s29], [sflag:$0x1], $0x10, $0x38;
	[tilespmem:$0x1EF88] =	vst v63  }
0x1bc: {  	_ =	swait.ge [sflag:s31], $0x10  }
0x1bd: {  	[sflag:s31] =	ssyncset.done $0x0  }
0x1be: {  	p1 =	seq.s32 s14, $0x0;
	s9 =	rddreg [dreg:$0x2];
	[sflag:s31] =	ssyncadd.s32 $0xFFFFFFF0  }
0x1bf: {  	s3 =	sshll.u32 @p1 s9, $0xE;
	s8 =	rddreg [dreg:$0x3]  }
0x1c0: {  	s2 =	sadd.s32 @p1 $0x15C3C, s3;
	s3 =	sshll.u32 @p1 s8, $0x11  }
0x1c1: {  	_ =	sfence.stream.spmem;
	s2 =	sor.u32 @p1 s3, s2  }
0x1c2: {  	[sflag:s2] =	ssyncadd.remote.s32 @p1 $0x1;
	s2 =	simm.s32 @p1 $0x4  }
0x1c3: {  	s4 =	simm.s32 @!p1 $0x3C;
	s3 =	sand.u32 $0xFFFFFFFE, s9;
	_ =	swait.ge @p1 [sflag:s2], $0x12  }
0x1c4: {  	s5 =	simm.s32 @!p1 $0x0;
	s3 =	sadd.s32 @!p1 $0x4, s3;
	[sflag:s2] =	ssyncset.done @p1 $0x0  }
0x1c5: {  	s7 =	simm.s32 @!p1 $0x80;
	[sflag:s2] =	ssyncadd.s32 @p1 $0xFFFFFFEE;
	s2 =	sshll.u32 @!p1 s3, $0x1A  }
0x1c6: {  	s3 =	sshll.u32 @!p1 s3, $0xD;
	s2 =	sor.u32 @!p1 s2, s8;
	_ =	swait.eq @!p1 [sflag:s4], $0x1  }
0x1c7: {  	s3 =	sor.u32 @!p1 $0x1C04, s3;
	s4 =	simm.s32 @!p1 $0x1C03;
	s2 =	sor.u32 @!p1 $0x80004000, s2  }
0x1c8: {  	[spmem:s7], [sflag:s3] =	dma.general @!p1 [spmem:s5], [sflag:s4], length:$0x10, [dreg:$0x0], stride_count:$0x0, ici_dest:s2, dma_misc:DstOpCode:WRITE  }
0x1c9: {  	p2 =	slt.s32 s0, $0x2;
	s5 =	simm.s32 @!p1 $0x100;
	s7 =	simm.s32 @!p1 $0x102  }
0x1ca: {  	[spmem:s7], [sflag:s3] =	dma.general @!p1 [spmem:s5], [sflag:s4], length:$0x2, [dreg:$0x0], stride_count:$0x0, ici_dest:s2, dma_misc:DstOpCode:WRITE  }
.Ltmp33:
0x1cb: {  	s2 =	simm.s32 @!p1 $0x3;
	(pc) =	sbr.rel @p2 .LBB2_44-.Ltmp33, $4  }
0x1cc: {  	s3 =	sshll.u32 @!p1 s9, $0xE;
	_ =	swait.ge @!p1 [sflag:s2], $0x12  }
0x1cd: {  	s4 =	sshll.u32 @!p1 s8, $0x11;
	s3 =	sadd.s32 @!p1 $0x11C3C, s3;
	[sflag:s2] =	ssyncset.done @!p1 $0x0  }
0x1ce: {  	[sflag:s2] =	ssyncadd.s32 @!p1 $0xFFFFFFEE;
	s2 =	sor.u32 @!p1 s4, s3  }
0x1cf: {  	s0 =	simm.s32 $0x0;
	[sflag:s2] =	ssyncadd.remote.s32 @!p1 $0xFFFFFFFF  }
0x1d0: {  	s0 =	simm.s32 $0xA119  }
0x1d1: {  	v0 =	vld.msk [tilespmem:s0+$0x0], $0x1;
	_ =	sdelay $0x4  }
0x1d2: {  	(v2sf) =	vpush v0, $0x0;
	_ =	sdelay $0xd  }
0x1d3: {  	s3 =	sadd.s32 $0xFFFFFFFE, s6  }
0x1d4: {  	s4 =	sadd.s32 $0xFFFFFFFF, s3;
	s2 =	spop (v2sf)  }
0x1d5: {  	p2 =	sne.s32 s4, $0x0;
	p1 =	sgt.u32 s2, $0x3FF8  }
.Ltmp34:
0x1d6: {  	s5 =	sand.u32 @!p1 $0x3FF8, s2;
	(pc) =	sbr.rel @!p2 .LBB2_43-.Ltmp34, $4  }
0x1d7: {  	s0 =	simm.s32 $0xA178;
	s2 =	sand.u32 @!p1 $0x7, s2;
	s3 =	sadd.s32 @!p1 s1, s5  }
0x1d8: {  	[hbm4b:s3+s2] =	stream.linear.scatter @!p1 [tilespmem:s0], [sflag:$0x5], $0x40, $0x38;
	[tilespmem:$0x1EF88] =	vst v63  }
0x1d9: {  	s2 =	simm.s32 $0x0  }
0x1da: {  	s6 =	simm.s32 $0xA11A;
	s5 =	simm.s32 $0x0;
	s2 =	simm.s32 @!p1 $0x100  }
.LBB2_42:
0x1db: {  	v0 =	vld.msk [tilespmem:s6+$0x0], $0x1;
	s4 =	sadd.s32 $0xFFFFFFFF, s4;
	s5 =	sadd.s32 s5, s2  }
0x1dc: {  	p1 =	sne.s32 s4, $0x0;
	_ =	sdelay $0x3  }
0x1dd: {  	(v2sf) =	vpush v0, $0x0;
	_ =	sdelay $0xe  }
.Ltmp35:
0x1de: {  	s3 =	spop (v2sf);
	(pc) =	sbr.rel @p1 .LBB2_42-.Ltmp35, $4  }
0x1df: {  	s2 =	simm.s32 $0x0;
	p2 =	sgt.u32 s3, $0x3FF8  }
0x1e0: {  	s0 =	sadd.s32 $0x40, s0;
	s2 =	simm.s32 @!p2 $0x100;
	s7 =	sand.u32 @!p2 $0x3FF8, s3  }
0x1e1: {  	s6 =	sadd.s32 $0x1, s6;
	s3 =	sand.u32 @!p2 $0x7, s3;
	s7 =	sadd.s32 @!p2 s1, s7  }
0x1e2: {  	[hbm4b:s7+s3] =	stream.linear.scatter @!p2 [tilespmem:s0], [sflag:$0x5], $0x40, $0x38;
	[tilespmem:$0x1EF88] =	vst v63  }
.LBB2_43:
0x1e3: {  	s0 =	sadd.s32 s5, s2  }
0x1e4: {  	s0 =	sshrl.u32 s0, $0x2  }
.LBB2_44:
0x1e5: {  	s2 =	simm.s32 $0x5  }
0x1e6: {  	_ =	swait.ge [sflag:s2], s0  }
0x1e7: {  	s31 =	ssub.s32 $0x0, s0;
	[sflag:s2] =	ssyncset.done $0x0  }
0x1e8: {  	[sflag:s2] =	ssyncadd.s32 s31  }
0x1e9: {  	[sflag:s2] =	ssyncpa.u1 $0x1  }
.LBB2_45:
0x1ea: {  	s0 =	sor.u32 s14, s15  }
0x1eb: {  	p1 =	sne.s32 s0, $0x0  }
.Ltmp36:
0x1ec: {  	_ = 	snop;
	(pc) =	sbr.rel @p1 .LBB2_60-.Ltmp36, $3  }
0x1ed: {  	_ =	sdelay $0x1  }
0x1ee: {  	[bflag:$0x0] =	sbarrier.arrive $0xFFFF  }
0x1ef: {  	_ =	sfence  }
0x1f0: {  	s0 =	simm.s32 $0x7  }
0x1f1: {  	s2 =	simm.s32 $0x800;
	s3 =	simm.s32 $0xA118;
	[sflag:s0] =	ssyncpa.u1 $0x0  }
0x1f2: {  	[tilespmem:s3], [sflag:$0x7] =	stream.linear.gather [spmem:s2], $0x20, $0x38;
	[tilespmem:$0x1EF88] =	vst v63  }
0x1f3: {  	s30 =	simm.s32 $0xA138;
	s2 =	simm.s32 $0x0  }
0x1f4: {  	[tilespmem:s30], [sflag:$0x7] =	stream.linear.gather [spmem:s2], $0x800, $0x38;
	[tilespmem:$0x1EF88] =	vst v63  }
.Ltmp37:
0x1f5: {  	_ = 	snop;
	(pc) =	sbr.rel .LBB2_47-.Ltmp37, $4  }
0x1f6: {  	_ =	swait.ge [sflag:s0], $0x820  }
0x1f7: {  	[sflag:s0] =	ssyncset.done $0x0  }
0x1f8: {  	s31 =	simm.s32 $0x8;
	[sflag:s0] =	ssyncadd.s32 $0xFFFFF7E0  }
0x1f9: {  	s3 =	simm.s32 $0x0;
	[sflag:s31] =	ssyncpa.u1 $0x0  }
.LBB2_53:
0x1fa: {  	p1 =	slt.u32 s0, $0x3FF9  }
0x1fb: {  	s4 =	sand.u32 @p1 $0x3FF8, s0  }
0x1fc: {  	s0 =	sand.u32 @p1 $0x7, s0;
	s5 =	simm.s32 @p1 $0xA0C8;
	s4 =	sadd.s32 @p1 s1, s4  }
0x1fd: {  	[tilespmem:s5], [sflag:$0x8] =	stream.linear.gather @p1 [hbm4b:s4+s0], $0x40, $0x38;
	[tilespmem:$0x1EF88] =	vst v63  }
0x1fe: {  	s0 =	simm.s32 @p1 $0x8  }
0x1ff: {  	_ =	swait.ge @p1 [sflag:s0], $0x40  }
0x200: {  	[sflag:s0] =	ssyncset.done @p1 $0x0  }
0x201: {  	[sflag:s0] =	ssyncadd.s32 @p1 $0xFFFFFFC0  }
0x202: {  	v1 =	vld @p1 [tilespmem:$0xA0C8];
	_ =	sdelay $0x2  }
0x203: {  	s0 =	sshll.u32 @p1 s3, $0x8  }
0x204: {  	s4 =	sshrl.u32 @p1 s0, $0x2  }
0x205: {  	[tilespmem:s4+$0xA138] =	vst.add.f32.msk @p1 $0xffff, v1  }
0x206: {  	v1 =	vld @p1 [tilespmem:$0xA0D8];
	_ =	sdelay $0x4  }
0x207: {  	[tilespmem:s4+$0xA148] =	vst.add.f32.msk @p1 $0xffff, v1  }
0x208: {  	v1 =	vld @p1 [tilespmem:$0xA0E8];
	_ =	sdelay $0x4  }
0x209: {  	[tilespmem:s4+$0xA158] =	vst.add.f32.msk @p1 $0xffff, v1  }
0x20a: {  	v1 =	vld @p1 [tilespmem:$0xA0F8];
	_ =	sdelay $0x3  }
0x20b: {  	s5 =	sshll.u32 @!p1 s3, $0x8  }
0x20c: {  	s5 =	smov.u32 @p1 s0;
	[tilespmem:s4+$0xA168] =	vst.add.f32.msk @p1 $0xffff, v1  }
0x20d: {  	s0 =	sshrl.u32 s5, $0x2;
	[tilespmem:s2+$0xA118] =	vst.msk $0x1, v0  }
0x20e: {  	v0 =	vld [tilespmem:s0+$0xA138];
	_ =	sdelay $0x2  }
0x20f: {  	s31 =	sshll.u32 s2, $0x8  }
0x210: {  	s4 =	sshra.s32 s31, $0x2  }
0x211: {  	[tilespmem:s4+$0xA138] =	vst v0  }
0x212: {  	v0 =	vld [tilespmem:s0+$0xA148];
	_ =	sdelay $0x4  }
0x213: {  	[tilespmem:s4+$0xA148] =	vst v0  }
0x214: {  	v0 =	vld [tilespmem:s0+$0xA158];
	_ =	sdelay $0x4  }
0x215: {  	[tilespmem:s4+$0xA158] =	vst v0  }
0x216: {  	v0 =	vld [tilespmem:s0+$0xA168];
	_ =	sdelay $0x4  }
0x217: {  	s2 =	sadd.s32 $0x1, s2;
	[tilespmem:s4+$0xA168] =	vst v0  }
.LBB2_54:
0x218: {  	s3 =	sadd.s32 $0x1, s3  }
0x219: {  	p1 =	sne.s32 s3, $0x20  }
.Ltmp38:
0x21a: {  	_ = 	snop;
	(pc) =	sbr.rel @!p1 .LBB2_55-.Ltmp38, $1  }
0x21b: {  	_ =	sdelay $0x3  }
.LBB2_47:
0x21c: {  	v0 =	vld.msk [tilespmem:s3+$0xA118], $0x1;
	_ =	sdelay $0x4  }
0x21d: {  	(v2sf) =	vpush v0, $0x0;
	_ =	sdelay $0xe  }
0x21e: {  	s0 =	spop (v2sf)  }
0x21f: {  	p1 =	seq.s32 s0, $0xFFFFFFFF  }
.Ltmp39:
0x220: {  	_ = 	snop;
	(pc) =	sbr.rel @p1 .LBB2_54-.Ltmp39, $1  }
0x221: {  	_ =	sdelay $0x3  }
0x222: {  	p1 =	slt.s32 s2, $0x1  }
.Ltmp40:
0x223: {  	_ = 	snop;
	(pc) =	sbr.rel @p1 .LBB2_53-.Ltmp40, $1  }
0x224: {  	_ =	sdelay $0x3  }
0x225: {  	s4 =	simm.s32 $0xA118;
	p1 =	por $0x0, $0x0  }
0x226: {  	v1 =	vld.msk @!p1 [tilespmem:s4+$0x0], $0x1;
	_ =	sdelay $0x4  }
0x227: {  	(v2sf) =	vpush @!p1 v1, $0x0;
	_ =	sdelay $0xd  }
0x228: {  	p3 =	sne.s32 s2, $0x1  }
.Ltmp41:
0x229: {  	s5 =	spop @!p1 (v2sf);
	(pc) =	sbr.rel @!p3 .LBB2_51-.Ltmp41, $4  }
0x22a: {  	p2 =	seq.s32 @!p1 s0, s5  }
0x22b: {  	s5 =	simm.s32 $0x0;
	p2 =	por !p2, p1  }
0x22c: {  	s7 =	simm.s32 $0xFFFFFFFF;
	s5 =	simm.s32 @p2 $0xFFFFFFFF  }
0x22d: {  	s6 =	simm.s32 $0x1;
	s5 =	smov.u32 @p1 s7  }
.LBB2_50:
0x22e: {  	s7 =	smov.u32 s5;
	p1 =	sne.s32 s5, $0xFFFFFFFF  }
0x22f: {  	s4 =	sadd.s32 $0x1, s4;
	s5 =	smov.u32 s6;
	s6 =	sadd.s32 $0x1, s6  }
0x230: {  	p2 =	sne.s32 s2, s6;
	v1 =	vld.msk @!p1 [tilespmem:s4+$0x0], $0x1;
	_ =	sdelay $0x4  }
0x231: {  	(v2sf) =	vpush @!p1 v1, $0x0;
	_ =	sdelay $0xe  }
.Ltmp42:
0x232: {  	s8 =	spop @!p1 (v2sf);
	(pc) =	sbr.rel @p2 .LBB2_50-.Ltmp42, $4  }
0x233: {  	p3 =	seq.s32 @!p1 s0, s8  }
0x234: {  	p3 =	por !p3, p1  }
0x235: {  	s5 =	simm.s32 @p3 $0xFFFFFFFF  }
0x236: {  	s5 =	smov.u32 @p1 s7  }
.LBB2_51:
0x237: {  	p1 =	seq.s32 s5, $0xFFFFFFFF  }
.Ltmp43:
0x238: {  	_ = 	snop;
	(pc) =	sbr.rel @p1 .LBB2_53-.Ltmp43, $1  }
0x239: {  	_ =	sdelay $0x3  }
0x23a: {  	s0 =	sshll.u32 s3, $0x6  }
0x23b: {  	s0 =	sand.u32 $0x3FFFFFC0, s0  }
0x23c: {  	v0 =	vld [tilespmem:s0+$0xA138];
	_ =	sdelay $0x2  }
0x23d: {  	s4 =	sshll.u32 s5, $0x8  }
0x23e: {  	s4 =	sshra.s32 s4, $0x2  }
0x23f: {  	[tilespmem:s4+$0xA138] =	vst.add.f32.msk $0xffff, v0  }
0x240: {  	v0 =	vld [tilespmem:s0+$0xA148];
	_ =	sdelay $0x4  }
0x241: {  	[tilespmem:s4+$0xA148] =	vst.add.f32.msk $0xffff, v0  }
0x242: {  	v0 =	vld [tilespmem:s0+$0xA158];
	_ =	sdelay $0x4  }
0x243: {  	[tilespmem:s4+$0xA158] =	vst.add.f32.msk $0xffff, v0  }
0x244: {  	v0 =	vld [tilespmem:s0+$0xA168]  }
.Ltmp44:
0x245: {  	_ = 	snop;
	(pc) =	sbr.rel .LBB2_54-.Ltmp44, $2  }
0x246: {  	_ =	sdelay $0x2  }
0x247: {  	[tilespmem:s4+$0xA168] =	vst.add.f32.msk $0xffff, v0  }
.LBB2_55:
0x248: {  	p1 =	slt.s32 s2, $0x1  }
.Ltmp45:
0x249: {  	_ = 	snop;
	(pc) =	sbr.rel @p1 .LBB2_59-.Ltmp45, $3  }
0x24a: {  	_ =	sdelay $0x1  }
0x24b: {  	s0 =	simm.s32 $0x8  }
0x24c: {  	[sflag:s0] =	ssyncpa.u1 $0x1;
	s0 =	simm.s32 $0x0  }
0x24d: {  	s3 =	simm.s32 $0xA118  }
0x24e: {  	v0 =	vld.msk [tilespmem:s3+$0x0], $0x1;
	_ =	sdelay $0x4  }
0x24f: {  	(v2sf) =	vpush v0, $0x0;
	_ =	sdelay $0xe  }
0x250: {  	s2 =	sadd.s32 $0xFFFFFFFF, s2;
	s4 =	spop (v2sf)  }
0x251: {  	p2 =	sne.s32 s2, $0x0;
	p1 =	sgt.u32 s4, $0x3FF8  }
.Ltmp46:
0x252: {  	s5 =	sand.u32 @!p1 $0x3FF8, s4;
	(pc) =	sbr.rel @!p2 .LBB2_58-.Ltmp46, $4  }
0x253: {  	s3 =	simm.s32 $0xA138;
	s4 =	sand.u32 @!p1 $0x7, s4;
	s5 =	sadd.s32 @!p1 s1, s5  }
0x254: {  	[hbm4b:s5+s4] =	stream.linear.scatter @!p1 [tilespmem:s3], [sflag:$0x7], $0x40, $0x38;
	[tilespmem:$0x1EF88] =	vst v63  }
0x255: {  	s5 =	simm.s32 $0x0  }
0x256: {  	s4 =	simm.s32 $0xA119;
	s5 =	simm.s32 @!p1 $0x100  }
.LBB2_57:
0x257: {  	v0 =	vld.msk [tilespmem:s4+$0x0], $0x1;
	s2 =	sadd.s32 $0xFFFFFFFF, s2;
	s0 =	sadd.s32 s0, s5  }
0x258: {  	p1 =	sne.s32 s2, $0x0;
	_ =	sdelay $0x3  }
0x259: {  	(v2sf) =	vpush v0, $0x0;
	_ =	sdelay $0xe  }
.Ltmp47:
0x25a: {  	s6 =	spop (v2sf);
	(pc) =	sbr.rel @p1 .LBB2_57-.Ltmp47, $4  }
0x25b: {  	s5 =	simm.s32 $0x0;
	p2 =	sgt.u32 s6, $0x3FF8  }
0x25c: {  	s3 =	sadd.s32 $0x40, s3;
	s5 =	simm.s32 @!p2 $0x100;
	s7 =	sand.u32 @!p2 $0x3FF8, s6  }
0x25d: {  	s4 =	sadd.s32 $0x1, s4;
	s6 =	sand.u32 @!p2 $0x7, s6;
	s7 =	sadd.s32 @!p2 s1, s7  }
0x25e: {  	[hbm4b:s7+s6] =	stream.linear.scatter @!p2 [tilespmem:s3], [sflag:$0x7], $0x40, $0x38;
	[tilespmem:$0x1EF88] =	vst v63  }
.LBB2_58:
0x25f: {  	s0 =	sadd.s32 s0, s5  }
0x260: {  	s0 =	sshrl.u32 s0, $0x2  }
.LBB2_59:
0x261: {  	s1 =	simm.s32 $0x7  }
0x262: {  	_ =	swait.ge [sflag:s1], s0  }
0x263: {  	s31 =	ssub.s32 $0x0, s0;
	[sflag:s1] =	ssyncset.done $0x0  }
0x264: {  	[sflag:s1] =	ssyncadd.s32 s31  }
0x265: {  	[sflag:s1] =	ssyncpa.u1 $0x1  }
.LBB2_60:
0x266: {  	_ =	sfence;
	s0 =	simm.s32 $0x1  }
0x267: {  	[sflag:s0] =	ssyncpa.u1 $0x1  }
0x268: {  	_ =	strace $0x9000004D  }
0x269: {  	[bflag:$0x2] =	sbarrier.arrive $0xFFFF  }
0x26a: {  	s0 =	rddreg [dreg:$0x4]  }
0x26b: {  	s0 =	sadd.s32 @!p0 $0x100000, s0  }
0x26c: {  	[sflag:s0] =	ssyncadd.tile.s32 @!p0 $0x1;
	_ =	shalt  }
.Lfunc_end2:
_tile_overlayer_lowered:
.L_overlay_start_2:
0x26d: {  	(tag) =	ssettag $0x2  }
0x26e: {  	s0 =	rddreg [dreg:$0x0];
	s2 =	stileid.u32  }
0x26f: {  	s1 =	rddreg [dreg:$0x1];
	p0 =	sne.s32 s2, $0x0  }
0x270: {  	s3 =	rddreg [dreg:$0x2];
	[bflag:$0x3] =	sbarrier.arrive $0xFFFF;
	s2 =	simm.s32 @!p0 $0x1C01  }
0x271: {  	[timem:s3], [sflag:s2] =	dma.local @!p0 [hbm:s0], s1  }
0x272: {  	s0 =	simm.s32 @!p0 $0x1  }
0x273: {  	_ =	swait.ge @!p0 [sflag:s0], s1  }
0x274: {  	s1 =	ssub.s32 @!p0 $0x0, s1;
	[sflag:s0] =	ssyncset.done @!p0 $0x0  }
0x275: {  	[sflag:s0] =	ssyncadd.s32 @!p0 s1  }
0x276: {  	[bflag:$0x3] =	sbarrier.arrive $0xFFFF  }
0x277: {  	_ =	shalt  }

// kernel: scatter_offload_async_start
scs
__scs_entry_jumppad:
0x0: {  	(pc) =	sbr.rel $0x88, $3  }
0x1: {  	(tag) =	ssettag $0x0;
	lr =	simm.s32 $0x1  }
0x2: {  	[smem:$0x3F84] =	sst lr;
	_ =	strace $0xD0000000  }
0x3: {  	_ = 	snop  }
0x4: {  	_ = 	snop  }
0x5: {  	_ = 	snop  }
0x6: {  	_ = 	snop  }
0x7: {  	_ = 	snop  }
__scs_overlays_trampoline_lowered:
0x8: {  	[smem:$0x3F93] =	sst s0  }
0x9: {  	[smem:$0x3F94] =	sst s1  }
0xa: {  	[smem:$0x3F95] =	sst s2  }
0xb: {  	[smem:$0x3F96] =	sst s3  }
0xc: {  	[smem:$0x3F97] =	sst s4  }
0xd: {  	[smem:$0x3F98] =	sst s5  }
0xe: {  	[smem:$0x3F99] =	sst s6  }
0xf: {  	[smem:$0x3F9A] =	sst s7  }
0x10: {  	[smem:$0x3F9B] =	sst s8  }
0x11: {  	[smem:$0x3F9C] =	sst s9;
	s0 =	simm.s32 @!p0 $0x0  }
0x12: {  	s1 =	sld [smem:$0x3F82];
	s0 =	simm.s32 @p0 $0x1  }
0x13: {  	[smem:$0x3F9D] =	sst s0;
	s0 =	simm.s32 @!p1 $0x0  }
0x14: {  	s2 =	sld [smem:$0x3F81];
	s0 =	simm.s32 @p1 $0x1  }
0x15: {  	[smem:$0x3F9E] =	sst s0;
	s0 =	simm.s32 @!p2 $0x0  }
0x16: {  	s3 =	sld [smem:$0x3FDB];
	s0 =	simm.s32 @p2 $0x1  }
0x17: {  	s4 =	simm.s32 $0x1BF5;
	[smem:$0x3FA0] =	sst s0  }
0x18: {  	s0 =	sld [smem:$0x3F83];
	_ =	swait.ge [sflag:s4], $0x0  }
0x19: {  	s7 =	sld [smem:$0x3F84]  }
0x1a: {  	s8 =	sadd.s32 $0xFFFFE003, lr  }
0x1b: {  	s9 =	sadd.s32 $0xFFFFFEF7, lr;
	s5 =	simm.s32 $0xFFFFFFFF;
	p2 =	slt.u32 s8, $0xFFFFF086  }
0x1c: {  	p1 =	slt.u32 s9, $0xF7A;
	s5 =	simm.s32 @!p2 $0x0  }
0x1d: {  	s5 =	simm.s32 @p1 $0x1;
	p0 =	seq.s32 s7, s2  }
0x1e: {  	s7 =	smul.u32 @!p0 $0xF7A, s2;
	p2 =	seq.s32 @!p0 s5, $0x0  }
0x1f: {  	s9 =	smul.u32 $0xF7A, s1;
	s8 =	simm.s32 @!p0 $0x1BF5;
	p2 =	por !p2, p0  }
0x20: {  	[sflag:s8] =	ssyncset.s32 @!p0 $0xFFFFF086;
	s6 =	sadd.s32 @!p0 s3, s7;
	s7 =	simm.s32 @!p0 $0x108  }
0x21: {  	s3 =	sadd.s32 s3, s9;
	s6 =	sadd.s32 @!p0 $0x88, s6;
	s7 =	simm.s32 @p2 $0x1082  }
0x22: {  	[simem:s7], [sflag:s8] =	dma.local @!p0 [hbm:s6], $0xF7A  }
0x23: {  	s9 =	sor.u32 $0xD0000000, s2;
	s6 =	simm.s32 $0x108;
	_ =	swait.ge @!p0 [sflag:s8], $0x0  }
0x24: {  	s3 =	sadd.s32 $0x88, s3;
	s6 =	simm.s32 @!p1 $0x1082;
	[sflag:s4] =	ssyncset.s32 $0xFFFFF086  }
0x25: {  	[simem:s6], [sflag:s4] =	dma.local [hbm:s3], $0xF7A  }
0x26: {  	[smem:$0x3F84] =	sst s1;
	(tag) =	ssettag s2;
	_ =	strace s9  }
0x27: {  	s1 =	sld [smem:$0x3F94]  }
0x28: {  	s2 =	sld [smem:$0x3F95]  }
0x29: {  	s4 =	sld [smem:$0x3F97]  }
0x2a: {  	p0 =	seq.s32 s5, $0x0;
	s5 =	sld [smem:$0x3F98]  }
0x2b: {  	s6 =	sld [smem:$0x3F99]  }
0x2c: {  	s7 =	sld [smem:$0x3F9A]  }
0x2d: {  	s3 =	simm.s32 $0x108;
	s8 =	sld [smem:$0x3F9B]  }
0x2e: {  	s3 =	simm.s32 @!p0 $0x1082;
	s9 =	sld [smem:$0x3F9C]  }
0x2f: {  	lr =	sadd.s32 s0, s3;
	s0 =	sld [smem:$0x3F93]  }
0x30: {  	s3 =	sld [smem:$0x3F96]  }
0x31: {  	[smem:$0x3F9F] =	sst s10  }
0x32: {  	s10 =	sld [smem:$0x3F9D];
	_ =	sdelay $0x3  }
0x33: {  	p0 =	seq.s32 s10, $0x1;
	s10 =	sld [smem:$0x3F9F];
	_ =	sdelay $0x3  }
0x34: {  	[smem:$0x3F9F] =	sst s10  }
0x35: {  	s10 =	sld [smem:$0x3F9E];
	_ =	sdelay $0x3  }
0x36: {  	p1 =	seq.s32 s10, $0x1;
	s10 =	sld [smem:$0x3F9F];
	_ =	sdelay $0x3  }
0x37: {  	[smem:$0x3F9F] =	sst s10  }
0x38: {  	s10 =	sld [smem:$0x3FA0]  }
0x39: {  	_ = 	snop;
	(pc) =	sbr.ind lr, $3  }
0x3a: {  	_ = 	snop  }
0x3b: {  	_ = 	snop  }
0x3c: {  	p2 =	seq.s32 s10, $0x1;
	s10 =	sld [smem:$0x3F9F]  }
0x3d: {  	_ =	shalt  }
0x3e: {  	_ =	shalt  }
0x3f: {  	_ =	shalt  }
0x40: {  	_ =	shalt  }
0x41: {  	_ =	shalt  }
0x42: {  	_ =	shalt  }
0x43: {  	_ =	shalt  }
0x44: {  	_ =	shalt  }
0x45: {  	_ =	shalt  }
0x46: {  	_ =	shalt  }
0x47: {  	_ =	shalt  }
0x48: {  	_ =	shalt  }
0x49: {  	_ =	shalt  }
0x4a: {  	_ =	shalt  }
0x4b: {  	_ =	shalt  }
0x4c: {  	_ =	shalt  }
0x4d: {  	_ =	shalt  }
0x4e: {  	_ =	shalt  }
0x4f: {  	_ =	shalt  }
0x50: {  	_ =	shalt  }
0x51: {  	_ =	shalt  }
0x52: {  	_ =	shalt  }
0x53: {  	_ =	shalt  }
0x54: {  	_ =	shalt  }
0x55: {  	_ =	shalt  }
0x56: {  	_ =	shalt  }
0x57: {  	_ =	shalt  }
0x58: {  	_ =	shalt  }
0x59: {  	_ =	shalt  }
0x5a: {  	_ =	shalt  }
0x5b: {  	_ =	shalt  }
0x5c: {  	_ =	shalt  }
0x5d: {  	_ =	shalt  }
0x5e: {  	_ =	shalt  }
0x5f: {  	_ =	shalt  }
0x60: {  	_ =	shalt  }
0x61: {  	_ =	shalt  }
0x62: {  	_ =	shalt  }
0x63: {  	_ =	shalt  }
0x64: {  	_ =	shalt  }
0x65: {  	_ =	shalt  }
0x66: {  	_ =	shalt  }
0x67: {  	_ =	shalt  }
0x68: {  	_ =	shalt  }
0x69: {  	_ =	shalt  }
0x6a: {  	_ =	shalt  }
0x6b: {  	_ =	shalt  }
0x6c: {  	_ =	shalt  }
0x6d: {  	_ =	shalt  }
0x6e: {  	_ =	shalt  }
0x6f: {  	_ =	shalt  }
0x70: {  	_ =	shalt  }
0x71: {  	_ =	shalt  }
0x72: {  	_ =	shalt  }
0x73: {  	_ =	shalt  }
0x74: {  	_ =	shalt  }
0x75: {  	_ =	shalt  }
0x76: {  	_ =	shalt  }
0x77: {  	_ =	shalt  }
0x78: {  	_ =	shalt  }
0x79: {  	_ =	shalt  }
0x7a: {  	_ =	shalt  }
0x7b: {  	_ =	shalt  }
0x7c: {  	_ =	shalt  }
0x7d: {  	_ =	shalt  }
0x7e: {  	_ =	shalt  }
0x7f: {  	_ =	shalt  }
0x80: {  	_ =	shalt  }
0x81: {  	_ =	shalt  }
0x82: {  	_ =	shalt  }
0x83: {  	_ =	shalt  }
0x84: {  	_ =	shalt  }
0x85: {  	_ =	shalt  }
0x86: {  	_ =	shalt  }
0x87: {  	_ =	shalt  }
.Lfunc_end0:
.L_simem_size_0:
called_computation_lowered:
.L_overlay_start_0:
0x88: {  	s0 =	sld [smem:$0x3FD9]  }
0x89: {  	s1 =	sld [smem:$0x3FFE];
	_ =	sdelay $0x3  }
0x8a: {  	s0 =	sadd.s32 s1, s0  }
0x8b: {  	[smem:$0x3FAB] =	sst s0  }
0x8c: {  	_ = 	snop  }
0x8d: {  	s0 =	sld [smem:$0x3FD0];
	(tm) =	ssettm $0x1  }
0x8e: {  	s16 =	sld [smem:$0x3FFB];
	_ =	sdelay $0x3  }
0x8f: {  	_ =	strace s16  }
0x90: {  	s1 =	sld [smem:$0x3FFC];
	_ =	sdelay $0x3  }
0x91: {  	_ =	strace s1  }
0x92: {  	s1 =	sld [smem:$0x3FFD];
	_ =	sdelay $0x3  }
0x93: {  	_ =	strace s1  }
0x94: {  	_ =	strace $0x8FFFFFFF  }
0x95: {  	s17 =	sld [smem:$0x3FDB];
	_ =	sdelay $0x1  }
0x96: {  	s2 =	simm.s32 $_scs_section_size  }
0x97: {  	s3 =	simm.s32 $_size__tile_overlayer_lowered;
	s4 =	simm.s32 $_tile_overlayer_lowered  }
0x98: {  	s20 =	simm.s32 $0x1BFF;
	s19 =	sshll.u32 s4, $0x1;
	s1 =	sadd.s32 s2, s17  }
0x99: {  	s5 =	simm.s32 $0x0;
	s18 =	sshll.u32 s3, $0x1;
	s3 =	sadd.s32 s19, s1  }
0x9a: {  	[timem:s5], [sflag:s20] =	dma.local [hbm:s3], s18  }
0x9b: {  	_ =	swait.ge [sflag:s20], s18  }
0x9c: {  	s2 =	ssub.s32 $0x0, s18;
	[sflag:s20] =	ssyncset.done $0x0  }
0x9d: {  	[sflag:s20] =	ssyncadd.s32 s2;
	_ =	sdelay $0x1  }
0x9e: {  	s21 =	simm.s32 $0x1B8B  }
0x9f: {  	_ =	swait.ge [sflag:s21], $0x1  }
0xa0: {  	[sflag:s21] =	ssyncset.done $0x0  }
0xa1: {  	s23 =	simm.s32 $0x1B8E;
	s22 =	sld [smem:$0x3FFE];
	[sflag:s21] =	ssyncadd.s32 $0xFFFFFFFF  }
0xa2: {  	s24 =	simm.s32 $execute0_lowered;
	[smem:$0x3FD2] =	sst s23  }
0xa3: {  	s3 =	sshll.u32 s24, $0x1;
	_ =	strace $0x80000046;
	[dreg:$0x1] =	wrdreg $0xFFFFFFFF  }
0xa4: {  	s25 =	simm.s32 $_size_execute0_lowered;
	s1 =	sadd.s32 s1, s3;
	[dreg:$0x0] =	wrdreg $0x0  }
0xa5: {  	s3 =	sshll.u32 s25, $0x1;
	[dreg:$0x2] =	wrdreg s1  }
0xa6: {  	[dreg:$0x3] =	wrdreg s3  }
0xa7: {  	[dreg:$0x4] =	wrdreg $0xC0  }
0xa8: {  	_ =	task [dreg:s5], $0x5FFFF  }
0xa9: {  	[dreg:$0x1] =	wrdreg $0xFFFFFFFF  }
0xaa: {  	[dreg:$0x0] =	wrdreg $0x60  }
0xab: {  	[dreg:$0x2] =	wrdreg s22  }
0xac: {  	[dreg:$0x3] =	wrdreg s0  }
0xad: {  	[dreg:$0x4] =	wrdreg $0x9  }
0xae: {  	_ =	task.clear_ibuf [dreg:s5], $0x5FFFF;
	_ =	strace $0x90000046  }
0xaf: {  	s26 =	simm.s32 $0x9;
	_ =	strace $0x80000048  }
0xb0: {  	_ =	swait.ge [sflag:s26], $0x1  }
0xb1: {  	[sflag:s26] =	ssyncadd.s32 $0xFFFFFFFF  }
0xb2: {  	_ =	strace $0x90000048  }
0xb3: {  	_ =	sfence  }
0xb4: {  	s28 =	sld [smem:$0x0];
	_ =	sdelay $0x1  }
0xb5: {  	s29 =	srdreg.scid  }
0xb6: {  	s30 =	sshll.u32 s29, $0xD;
	s31 =	sshrl.u32 s29, $0x2  }
0xb7: {  	s2 =	sand.u32 $0x4000, s30;
	s1 =	sand.u32 $0x1, s29;
	s0 =	sadd.s32 s31, s28  }
0xb8: {  	s1 =	sor.u32 s2, s1;
	s0 =	sshll.u32 s0, $0x11  }
0xb9: {  	s0 =	sor.u32 s0, s1  }
0xba: {  	s0 =	sadd.s32 $0x8F2B, s0  }
0xbb: {  	[sflag:s0] =	ssyncadd.remote.s32 $0x1  }
0xbc: {  	_ =	sfence.sel $0xFFFF  }
0xbd: {  	[dreg:$0x0] =	wrdreg $0xFFFFFFFF;
	(pc) =	sbr.abs _section_cstart, $3  }
0xbe: {  	[dreg:$0x1] =	wrdreg $0xFFFFFFFF  }
0xbf: {  	_ =	task.clear_ibuf [dreg:s5], $0x2FFFF;
	_ =	strace $0x9FFFFFFF  }
0xc0: {  	(tm) =	ssettm $0x7FFFFFFF  }
0xc1: {  	_ =	shalt  }
tec
execute0_lowered:
.L_overlay_start_1:
0x0: {  	(tag) =	ssettag $0x1  }
0x1: {  	s4 =	rddreg [dreg:$0x0]  }
0x2: {  	s2 =	rddreg [dreg:$0x1]  }
0x3: {  	s0 =	rddreg [dreg:$0x2];
	_ =	strace $0x80000047;
	s5 =	stileid.u32  }
0x4: {  	s3 =	simm.s32 $0x3E;
	s1 =	sadd.s32 $0x25000, s4;
	p0 =	sne.s32 s5, $0x0  }
0x5: {  	[sflag:s3] =	ssyncpa.u1 $0x0;
	s6 =	simm.s32 @!p0 $0x1C3E;
	s7 =	simm.s32 @!p0 $0x0  }
0x6: {  	[spmem:s7], [sflag:s6] =	dma.local @!p0 [hbm:s1], $0x10000  }
0x7: {  	s6 =	simm.s32 @!p0 $0x3E  }
0x8: {  	_ =	swait.ge @!p0 [sflag:s6], $0x10000  }
0x9: {  	[sflag:s6] =	ssyncset.done @!p0 $0x0  }
.Ltmp0:
0xa: {  	s8 =	simm.s32 $0x0;
	[sflag:s6] =	ssyncadd.s32 @!p0 $0xFFFF0000;
	(pc) =	sbr.rel .LBB2_1-.Ltmp0, $4  }
0xb: {  	s9 =	simm.s32 $0x0;
	s4 =	sadd.s32 $0x5000, s4;
	[bflag:$0x0] =	sbarrier.arrive $0xFFFF  }
0xc: {  	s5 =	sshll.u32 s5, $0x10;
	[sflag:s3] =	ssyncpa.u1 $0x1;
	s3 =	simm.s32 $0x1  }
0xd: {  	s10 =	smov.u32 s5;
	s7 =	simm.s32 $0x2;
	[sflag:s3] =	ssyncpa.u1 $0x0  }
0xe: {  	vm0 =	vmmov $0xffff;
	s6 =	sadd.s32 $0x10000, s5;
	(ifvalue) =	ssetifvalue $0x80000;
	[sflag:s7] =	ssyncpa.u1 $0x0  }
.LBB2_5:
0xf: {  	s9 =	sadd.s32 $0x1, s9  }
0x10: {  	p2 =	sne.s32 s9, $0x9  }
.Ltmp1:
0x11: {  	_ = 	snop;
	(pc) =	sbr.rel @!p2 .LBB2_6-.Ltmp1, $4  }
0x12: {  	_ = 	snop  }
0x13: {  	s11 =	sadd.s32 $0x2000, s10  }
0x14: {  	s10 =	smov.u32 s5;
	p1 =	slt.s32 s11, s6  }
0x15: {  	s10 =	smov.u32 @p1 s11  }
.LBB2_1:
0x16: {  	p1 =	seq.s32 s9, $0x8  }
0x17: {  	s11 =	sshll.u32 @!p1 s9, $0xD;
	p2 =	seq.s32 @!p1 s9, $0x0  }
0x18: {  	s11 =	sand.u32 @!p1 $0x2000, s11;
	p2 =	por p1, !p2  }
.Ltmp2:
0x19: {  	s13 =	sshrl.u32 @!p1 s10, $0x3;
	s12 =	sxor.u32 @!p1 $0x2000, s11;
	(pc) =	sbr.rel @!p2 .LBB2_5-.Ltmp2, $4  }
0x1a: {  	s16 =	sand.u32 @!p1 $0x7, s10;
	s14 =	sadd.s32 @!p1 s2, s13;
	s15 =	sor.u32 @!p1 $0x8000, s12  }
0x1b: {  	[tilespmem:s15], [sflag:$0x2] =	stream.linear.gather @!p1 [hbm4b:s14+s16], $0x2000, $0x38;
	[tilespmem:$0x10000] =	vst v63  }
0x1c: {  	s13 =	sadd.s32 @!p1 s4, s13;
	s12 =	sor.u32 @!p1 $0xC000, s12  }
0x1d: {  	[tilespmem:s12], [sflag:$0x2] =	stream.linear.gather @!p1 [hbm4b:s13+s16], $0x2000, $0x38;
	[tilespmem:$0x10000] =	vst v63  }
0x1e: {  	_ =	swait.ge [sflag:s7], $0x4000  }
0x1f: {  	s11 =	simm.s32 @p1 $0x0;
	[sflag:s7] =	ssyncset.done $0x0  }
0x20: {  	s13 =	sor.u32 $0x8000, s11;
	[sflag:s7] =	ssyncadd.s32 $0xFFFFC000  }
0x21: {  	v0 =	vld.msk [tilespmem:s13+$0x0 ss:$0x1], $0xffff;
	_ =	sdelay $0x4  }
0x22: {  	v0 =	vmin.u32 v0, $0x80000;
	_ =	sdelay $0x3  }
0x23: {  	s12 =	simm.s32 $0x0;
	s11 =	sor.u32 $0xC000, s11;
	s13 =	sadd.s32 $0x10, s13  }
0x24: {  	[spmem:s8] =	stream.indirect_vreg.scatter.add.s32 [tilespmem:s11], [sflag:$0x1], $0x1, v0, vm0, $0x4038;
	[tilespmem:$0x10000] =	vst v63  }
.LBB2_3:
0x25: {  	v0 =	vld.msk [tilespmem:s13+$0x0 ss:$0x1], $0xffff;
	s12 =	sadd.s32 $0x10, s12  }
0x26: {  	p1 =	slt.u32 s12, $0x1FF0;
	_ =	sdelay $0x4  }
0x27: {  	v0 =	vmin.u32 v0, $0x80000  }
.Ltmp3:
0x28: {  	(pc) =	sbr.rel @p1 .LBB2_3-.Ltmp3, $3  }
0x29: {  	_ =	sdelay $0x1  }
0x2a: {  	s13 =	sadd.s32 $0x10, s13;
	s11 =	sadd.s32 $0x10, s11  }
0x2b: {  	[spmem:s8] =	stream.indirect_vreg.scatter.add.s32 [tilespmem:s11], [sflag:$0x1], $0x1, v0, vm0, $0x4038;
	[tilespmem:$0x10000] =	vst v63  }
.Ltmp4:
0x2c: {  	(pc) =	sbr.rel .LBB2_5-.Ltmp4, $4  }
0x2d: {  	_ = 	snop  }
0x2e: {  	_ =	swait.ge [sflag:s3], $0x2000  }
0x2f: {  	[sflag:s3] =	ssyncset.done $0x0  }
0x30: {  	[sflag:s3] =	ssyncadd.s32 $0xFFFFE000  }
.LBB2_6:
0x31: {  	_ =	sfence.sel $0x180000  }
0x32: {  	s2 =	simm.s32 $0x2;
	[bflag:$0x0] =	sbarrier.arrive $0xFFFF  }
0x33: {  	s30 =	simm.s32 $0x1;
	[sflag:s2] =	ssyncpa.u1 $0x1  }
0x34: {  	[sflag:s30] =	ssyncpa.u1 $0x1  }
0x35: {  	_ =	sfence.stream.spmem  }
0x36: {  	s31 =	simm.s32 $0x3D;
	[bflag:$0x0] =	sbarrier.arrive $0xFFFF  }
0x37: {  	s2 =	simm.s32 @p0 $0x3D;
	[sflag:s31] =	ssyncpa.u1 $0x0  }
0x38: {  	[sflag:s2] =	ssyncpa.u1 @p0 $0x1  }
0x39: {  	[bflag:$0x0] =	sbarrier.arrive @p0 $0xFFFF  }
0x3a: {  	_ =	strace @p0 $0x90000047  }
0x3b: {  	s3 =	simm.s32 @!p0 $0x1C3D;
	s2 =	simm.s32 @!p0 $0x0;
	[bflag:$0x2] =	sbarrier.arrive @p0 $0xFFFF  }
0x3c: {  	[hbm:s1], [sflag:s3] =	dma.local @!p0 [spmem:s2], $0x10000  }
0x3d: {  	s1 =	simm.s32 @!p0 $0x3D  }
0x3e: {  	_ =	swait.ge @!p0 [sflag:s1], $0x10000  }
0x3f: {  	[sflag:s1] =	ssyncset.done @!p0 $0x0  }
0x40: {  	[sflag:s1] =	ssyncadd.s32 @!p0 $0xFFFF0000  }
0x41: {  	[sflag:s1] =	ssyncpa.u1 @!p0 $0x1  }
0x42: {  	[bflag:$0x0] =	sbarrier.arrive @!p0 $0xFFFF  }
0x43: {  	_ =	strace @!p0 $0x90000047  }
0x44: {  	s0 =	sadd.s32 @!p0 $0x100000, s0;
	[bflag:$0x2] =	sbarrier.arrive @!p0 $0xFFFF  }
0x45: {  	[sflag:s0] =	ssyncadd.tile.s32 @!p0 $0x1;
	_ =	shalt  }
.Lfunc_end2:
_tile_overlayer_lowered:
.L_overlay_start_2:
0x46: {  	(tag) =	ssettag $0x2  }
0x47: {  	s0 =	rddreg [dreg:$0x0];
	s2 =	stileid.u32  }
0x48: {  	s1 =	rddreg [dreg:$0x1];
	p0 =	sne.s32 s2, $0x0  }
0x49: {  	s3 =	rddreg [dreg:$0x2];
	[bflag:$0x3] =	sbarrier.arrive $0xFFFF;
	s2 =	simm.s32 @!p0 $0x1C01  }
0x4a: {  	[timem:s3], [sflag:s2] =	dma.local @!p0 [hbm:s0], s1  }
0x4b: {  	s0 =	simm.s32 @!p0 $0x1  }
0x4c: {  	_ =	swait.ge @!p0 [sflag:s0], s1  }
0x4d: {  	s1 =	ssub.s32 @!p0 $0x0, s1;
	[sflag:s0] =	ssyncset.done @!p0 $0x0  }
0x4e: {  	[sflag:s0] =	ssyncadd.s32 @!p0 s1  }
0x4f: {  	[bflag:$0x3] =	sbarrier.arrive $0xFFFF  }
0x50: {  	_ =	shalt  }

</sc_bundles>
